<compile_context>
chip_gen: v7x
topology: tpu7x:2x2x1
jax: 0.10.2.dev20260603
libtpu: 0.0.44.dev20260713+nightly
codegen_flags: <defaults>
</compile_context>

<pallas_src>
import functools

import jax
import jax.numpy as jnp
from jax import lax
from jax.experimental import pallas as pl
from jax.experimental.pallas import tpu as pltpu
from jax.experimental.pallas import tpu_sc as plsc

NC = 2
NS = 16
NW = NC * NS
L = 16

E = 320000
N = 10000
D = 128
EPW = E // NW
K = 64
NCH = EPW // K
KT = EPW - NCH * K


def _edge_kernel_body(pos_hbm, interp_hbm, ei_hbm,
                      feat_hbm, dist_hbm,
                      pos_v, sidx0, sidx1, didx0, didx1,
                      ibuf0, ibuf1, dbuf0, dbuf1, interp_sh,
                      sx0, sx1, ax0, ax1, ig0, ig1, io0, io1, do0, do1):
  sid = lax.axis_index("s")
  wid = sid * NC + lax.axis_index("c")
  base = wid * EPW

  rows_per_sub = 624

  @pl.when(sid < NS - 1)
  def _():
    off = pl.multiple_of(sid * rows_per_sub, 8)
    pltpu.sync_copy(interp_hbm.at[pl.ds(off, rows_per_sub)],
                    interp_sh.at[pl.ds(off, rows_per_sub)])

  @pl.when(sid == NS - 1)
  def _():
    off = (NS - 1) * rows_per_sub
    pltpu.sync_copy(interp_hbm.at[pl.ds(off, N - off)],
                    interp_sh.at[pl.ds(off, N - off)])

  pltpu.sync_copy(pos_hbm, pos_v)
  plsc.subcore_barrier()

  sidx = (sidx0, sidx1)
  didx = (didx0, didx1)
  ibufs = (ibuf0, ibuf1)
  dbufs = (dbuf0, dbuf1)
  sxs = (sx0, sx1)
  axs = (ax0, ax1)
  igs = (ig0, ig1)
  ios = (io0, io1)
  dos = (do0, do1)

  def sx_cp(c, b, n=K):
    return pltpu.make_async_copy(
        ei_hbm.at[pl.ds(base + c * K, n)], sidx[b].at[pl.ds(0, n)],
        sxs[b])

  def ax_cp(c, b, n=K):
    return pltpu.make_async_copy(
        ei_hbm.at[pl.ds(E + base + c * K, n)], didx[b].at[pl.ds(0, n)],
        axs[b])

  def ig_cp(c, b, n=K):
    del c
    return pltpu.make_async_copy(
        interp_sh.at[sidx[b].at[pl.ds(0, n)]],
        ibufs[b].at[pl.ds(0, n)], igs[b])

  def io_cp(c, b, n=K):
    return pltpu.make_async_copy(
        ibufs[b].at[pl.ds(0, n)],
        feat_hbm.at[pl.ds(base + c * K, n)], ios[b])

  def do_cp(c, b, n=K):
    return pltpu.make_async_copy(
        dbufs[b].at[pl.ds(0, n)],
        dist_hbm.at[pl.ds(base + c * K, n)], dos[b])

  def chunk(c, b, first, last, n=K, n_prev=K, n_next=K):
    sx_cp(c, b, n).wait()
    ax_cp(c, b, n).wait()
    if not last:
      sx_cp(c + 1, 1 - b, n_next).start()
      ax_cp(c + 1, 1 - b, n_next).start()
    if not first:
      io_cp(c - 2, b, n_prev).wait()
    ig_cp(c, b, n).start()
    if not first:
      do_cp(c - 2, b, n_prev).wait()
    for t in range(n // L):
      si = sidx[b][pl.ds(t * L, L)] * 3
      di = didx[b][pl.ds(t * L, L)] * 3
      acc = jnp.full((L,), 1e-6, jnp.float32)
      for j in range(3):
        a = plsc.load_gather(pos_v, [si + j])
        d = plsc.load_gather(pos_v, [di + j])
        dd = a - d
        acc = acc + dd * dd
      dbufs[b][pl.ds(t * L, L)] = 1.0 / acc
    do_cp(c, b, n).start()
    ig_cp(c, b, n).wait()
    io_cp(c, b, n).start()
    return 0

  sx_cp(0, 0).start()
  ax_cp(0, 0).start()
  chunk(0, 0, True, False)
  chunk(1, 1, True, False)

  def pair(g, carry):
    c0 = 2 * g
    chunk(c0, 0, False, False)
    chunk(c0 + 1, 1, False, False)
    return carry

  lax.fori_loop(1, NCH // 2 - 1, pair, 0)
  chunk(NCH - 2, 0, False, False)
  chunk(NCH - 1, 1, False, False, n_next=KT)
  chunk(NCH, 0, False, True, n=KT)
  do_cp(NCH - 1, 1).wait()
  io_cp(NCH - 1, 1).wait()
  do_cp(NCH, 0, KT).wait()
  io_cp(NCH, 0, KT).wait()


@jax.jit
def _run(pos, interp, ei):
  kern = pl.kernel(
      _edge_kernel_body,
      out_type=(
          jax.ShapeDtypeStruct((E, D), jnp.float32),
          jax.ShapeDtypeStruct((E,), jnp.float32),
      ),
      mesh=plsc.VectorSubcoreMesh(
          core_axis_name="c", subcore_axis_name="s",
          num_cores=NC, num_subcores=NS),
      compiler_params=pltpu.CompilerParams(needs_layout_passes=False),
      scratch_types=[
          pltpu.VMEM((N * 3,), jnp.float32),
          pltpu.VMEM((K,), jnp.int32),
          pltpu.VMEM((K,), jnp.int32),
          pltpu.VMEM((K,), jnp.int32),
          pltpu.VMEM((K,), jnp.int32),
          pltpu.VMEM((K, D), jnp.float32),
          pltpu.VMEM((K, D), jnp.float32),
          pltpu.VMEM((K,), jnp.float32),
          pltpu.VMEM((K,), jnp.float32),
          pltpu.VMEM_SHARED((N, D), jnp.float32),
          pltpu.SemaphoreType.DMA,
          pltpu.SemaphoreType.DMA,
          pltpu.SemaphoreType.DMA,
          pltpu.SemaphoreType.DMA,
          pltpu.SemaphoreType.DMA,
          pltpu.SemaphoreType.DMA,
          pltpu.SemaphoreType.DMA,
          pltpu.SemaphoreType.DMA,
          pltpu.SemaphoreType.DMA,
          pltpu.SemaphoreType.DMA,
      ],
  )
  return kern(pos, interp, ei)


def kernel(pos, interp, edge_index):
  feat, dist = _run(pos.reshape(-1), interp,
                    edge_index.astype(jnp.int32).reshape(-1))
  return (feat, dist)

# --- scband reference (transcript-rebuilt; emitter-appended) ---
"""Pipeline reference for scband-norm-distance-feature-50766513438993 (READ-ONLY COPY).

The authoritative reference and input builder live on the scoring server;
editing this copy changes nothing except your own understanding.
"""

import jax, jax.numpy as jnp
import numpy as np


def setup_inputs(seed: int = 0) -> dict:
    key = jax.random.key(seed)
    k1, k2, k3 = jax.random.split(key, 3)
    pos = jax.random.normal(k1, (10000, 3), dtype=jnp.float32)
    interp = jax.random.normal(k2, (10000, 128), dtype=jnp.float32)
    edge_index = jax.random.randint(k3, (2, 320000), 0, 10000, dtype=jnp.int64)
    return {"pos": pos, "interp": interp, "edge_index": edge_index}


def reference(pos, interp, edge_index):
    # DGL edge UDF semantics: edges.src[...] = node_feat[edge_index[0]],
    # edges.dst[...] = node_feat[edge_index[1]]
    src = edge_index[0]
    dst = edge_index[1]
    diff = jnp.take(pos, src, axis=0) - jnp.take(pos, dst, axis=0)
    distance = jnp.sum(diff ** 2, axis=-1)
    distance = 1.0 / (distance + 1e-06)
    interpolated_feature = jnp.take(interp, src, axis=0)
    return (interpolated_feature, distance)

if __name__ == "__main__":
    import jax
    _d = setup_inputs()
    print(jax.jit(kernel)(*tuple(_d.values())))

</pallas_src>

<mosaic_0001>
#map = affine_map<(d0, d1) -> (0)>
#map1 = affine_map<(d0, d1) -> (0, 0)>
module attributes {stable_mosaic.version = 14 : i64} {
  func.func @_edge_kernel_body(%arg0: i32, %arg1: i32, %arg2: memref<30000xf32, #tpu.memory_space<hbm>>, %arg3: memref<10000x128xf32, #tpu.memory_space<hbm>>, %arg4: memref<640000xi32, #tpu.memory_space<hbm>>, %arg5: memref<320000x128xf32, #tpu.memory_space<hbm>>, %arg6: memref<320000xf32, #tpu.memory_space<hbm>>, %arg7: memref<30000xf32, #tpu.memory_space<vmem>>, %arg8: memref<64xi32, #tpu.memory_space<vmem>>, %arg9: memref<64xi32, #tpu.memory_space<vmem>>, %arg10: memref<64xi32, #tpu.memory_space<vmem>>, %arg11: memref<64xi32, #tpu.memory_space<vmem>>, %arg12: memref<64x128xf32, #tpu.memory_space<vmem>>, %arg13: memref<64x128xf32, #tpu.memory_space<vmem>>, %arg14: memref<64xf32, #tpu.memory_space<vmem>>, %arg15: memref<64xf32, #tpu.memory_space<vmem>>, %arg16: memref<10000x128xf32, #tpu.memory_space<vmem_shared>>, %arg17: memref<!tpu.dma_semaphore, #tpu.memory_space<semaphore_mem>>, %arg18: memref<!tpu.dma_semaphore, #tpu.memory_space<semaphore_mem>>, %arg19: memref<!tpu.dma_semaphore, #tpu.memory_space<semaphore_mem>>, %arg20: memref<!tpu.dma_semaphore, #tpu.memory_space<semaphore_mem>>, %arg21: memref<!tpu.dma_semaphore, #tpu.memory_space<semaphore_mem>>, %arg22: memref<!tpu.dma_semaphore, #tpu.memory_space<semaphore_mem>>, %arg23: memref<!tpu.dma_semaphore, #tpu.memory_space<semaphore_mem>>, %arg24: memref<!tpu.dma_semaphore, #tpu.memory_space<semaphore_mem>>, %arg25: memref<!tpu.dma_semaphore, #tpu.memory_space<semaphore_mem>>, %arg26: memref<!tpu.dma_semaphore, #tpu.memory_space<semaphore_mem>>) attributes {dimension_semantics = [#tpu.dimension_semantics<core_parallel>, #tpu.dimension_semantics<subcore_parallel>], iteration_bounds = array<i64: 2, 16>, scalar_prefetch = 0 : i64, scratch_operands = 20 : i64, tpu.core_type = #tpu.core_type<sc_vector_subcore>, window_params = [{transform_indices = #map}, {transform_indices = #map1}, {transform_indices = #map}, {transform_indices = #map1}, {transform_indices = #map}]} {
    %mul3A = arith.constant 2 : i32
    %mul3A_0 = arith.muli %arg1, %mul3A : i32
    %add3A = arith.addi %mul3A_0, %arg0 : i32
    %mul3A_1 = arith.constant 10000 : i32
    %mul3A_2 = arith.muli %add3A, %mul3A_1 : i32
    %lt3A = arith.constant 15 : i32
    %lt3A_3 = arith.cmpi slt, %arg1, %lt3A : i32
    %convert_element_type3A = arith.extui %lt3A_3 : i1 to i32
    %cond3A = arith.constant 0 : i32
    %cond3A_4 = arith.cmpi ne, %convert_element_type3A, %cond3A : i32
    scf.if %cond3A_4 {
      %mul3A_1316 = arith.constant 624 : i32
      %mul3A_1317 = arith.muli %arg1, %mul3A_1316 : i32
      %multiple_of3A = tpu.assume_multiple %mul3A_1317, 8 : i32
      "tpu.region"() ({
        %run_scoped3A = tpu.sem_alloc : memref<!tpu.dma_semaphore, #tpu.memory_space<semaphore_mem>>
        %dma_start3A_1318 = arith.constant 0 : i32
        %dma_start3A_1319 = tpu.memref_slice %arg16[%multiple_of3A, %dma_start3A_1318] : memref<10000x128xf32, #tpu.memory_space<vmem_shared>> -> memref<624x128xf32, #tpu.memory_space<vmem_shared>>
        %dma_start3A_1320 = arith.constant 0 : i32
        %dma_start3A_1321 = tpu.memref_slice %arg3[%multiple_of3A, %dma_start3A_1320] : memref<10000x128xf32, #tpu.memory_space<hbm>> -> memref<624x128xf32, #tpu.memory_space<hbm>>
        tpu.enqueue_dma source(%dma_start3A_1321 : memref<624x128xf32, #tpu.memory_space<hbm>>) target(%dma_start3A_1319 : memref<624x128xf32, #tpu.memory_space<vmem_shared>>) target_semaphore(%run_scoped3A : memref<!tpu.dma_semaphore, #tpu.memory_space<semaphore_mem>>)
        %dma_wait3A_1322 = arith.constant 0 : i32
        %dma_wait3A_1323 = tpu.memref_slice %arg16[%multiple_of3A, %dma_wait3A_1322] : memref<10000x128xf32, #tpu.memory_space<vmem_shared>> -> memref<624x128xf32, #tpu.memory_space<vmem_shared>>
        %dma_wait3A_1324 = arith.constant 0 : i32
        %dma_wait3A_1325 = tpu.memref_slice %arg3[%multiple_of3A, %dma_wait3A_1324] : memref<10000x128xf32, #tpu.memory_space<hbm>> -> memref<624x128xf32, #tpu.memory_space<hbm>>
        tpu.wait_dma2 semaphore(%run_scoped3A : memref<!tpu.dma_semaphore, #tpu.memory_space<semaphore_mem>>) src(%dma_wait3A_1325 : memref<624x128xf32, #tpu.memory_space<hbm>>) dst(%dma_wait3A_1323 : memref<624x128xf32, #tpu.memory_space<vmem_shared>>)
        tpu.yield
      }) : () -> ()
    } else {
    }
    %eq3A = arith.constant 15 : i32
    %eq3A_5 = arith.cmpi eq, %arg1, %eq3A : i32
    %convert_element_type3A_6 = arith.extui %eq3A_5 : i1 to i32
    %cond3A_7 = arith.constant 0 : i32
    %cond3A_8 = arith.cmpi ne, %convert_element_type3A_6, %cond3A_7 : i32
    scf.if %cond3A_8 {
      "tpu.region"() ({
        %run_scoped3A = tpu.sem_alloc : memref<!tpu.dma_semaphore, #tpu.memory_space<semaphore_mem>>
        %dma_start3A_1316 = arith.constant 9360 : i32
        %dma_start3A_1317 = arith.constant 0 : i32
        %dma_start3A_1318 = tpu.memref_slice %arg16[%dma_start3A_1316, %dma_start3A_1317] : memref<10000x128xf32, #tpu.memory_space<vmem_shared>> -> memref<640x128xf32, #tpu.memory_space<vmem_shared>>
        %dma_start3A_1319 = arith.constant 9360 : i32
        %dma_start3A_1320 = arith.constant 0 : i32
        %dma_start3A_1321 = tpu.memref_slice %arg3[%dma_start3A_1319, %dma_start3A_1320] : memref<10000x128xf32, #tpu.memory_space<hbm>> -> memref<640x128xf32, #tpu.memory_space<hbm>>
        tpu.enqueue_dma source(%dma_start3A_1321 : memref<640x128xf32, #tpu.memory_space<hbm>>) target(%dma_start3A_1318 : memref<640x128xf32, #tpu.memory_space<vmem_shared>>) target_semaphore(%run_scoped3A : memref<!tpu.dma_semaphore, #tpu.memory_space<semaphore_mem>>)
        %dma_wait3A_1322 = arith.constant 9360 : i32
        %dma_wait3A_1323 = arith.constant 0 : i32
        %dma_wait3A_1324 = tpu.memref_slice %arg16[%dma_wait3A_1322, %dma_wait3A_1323] : memref<10000x128xf32, #tpu.memory_space<vmem_shared>> -> memref<640x128xf32, #tpu.memory_space<vmem_shared>>
        %dma_wait3A_1325 = arith.constant 9360 : i32
        %dma_wait3A_1326 = arith.constant 0 : i32
        %dma_wait3A_1327 = tpu.memref_slice %arg3[%dma_wait3A_1325, %dma_wait3A_1326] : memref<10000x128xf32, #tpu.memory_space<hbm>> -> memref<640x128xf32, #tpu.memory_space<hbm>>
        tpu.wait_dma2 semaphore(%run_scoped3A : memref<!tpu.dma_semaphore, #tpu.memory_space<semaphore_mem>>) src(%dma_wait3A_1327 : memref<640x128xf32, #tpu.memory_space<hbm>>) dst(%dma_wait3A_1324 : memref<640x128xf32, #tpu.memory_space<vmem_shared>>)
        tpu.yield
      }) : () -> ()
    } else {
    }
    "tpu.region"() ({
      %run_scoped3A = tpu.sem_alloc : memref<!tpu.dma_semaphore, #tpu.memory_space<semaphore_mem>>
      tpu.enqueue_dma source(%arg2 : memref<30000xf32, #tpu.memory_space<hbm>>) target(%arg7 : memref<30000xf32, #tpu.memory_space<vmem>>) target_semaphore(%run_scoped3A : memref<!tpu.dma_semaphore, #tpu.memory_space<semaphore_mem>>)
      tpu.wait_dma2 semaphore(%run_scoped3A : memref<!tpu.dma_semaphore, #tpu.memory_space<semaphore_mem>>) src(%arg2 : memref<30000xf32, #tpu.memory_space<hbm>>) dst(%arg7 : memref<30000xf32, #tpu.memory_space<vmem>>)
      tpu.yield
    }) : () -> ()
    %barrier3A = arith.constant 0 : index
    tpu.barrier barrier_id(%barrier3A)
    %add3A_9 = arith.constant 0 : i32
    %add3A_10 = arith.addi %mul3A_2, %add3A_9 : i32
    %dma_start3A = arith.constant 0 : i32
    %dma_start3A_11 = tpu.memref_slice %arg8[%dma_start3A] : memref<64xi32, #tpu.memory_space<vmem>> -> memref<64xi32, #tpu.memory_space<vmem>>
    %dma_start3A_12 = tpu.memref_slice %arg4[%add3A_10] : memref<640000xi32, #tpu.memory_space<hbm>> -> memref<64xi32, #tpu.memory_space<hbm>>
    %dma_start3A_13 = arith.constant 0 : i32
    %dma_start3A_14 = tpu.memref_slice %arg8[%dma_start3A_13] : memref<64xi32, #tpu.memory_space<vmem>> -> memref<64xi32, #tpu.memory_space<vmem>>
    %dma_start3A_15 = tpu.memref_slice %arg4[%add3A_10] : memref<640000xi32, #tpu.memory_space<hbm>> -> memref<64xi32, #tpu.memory_space<hbm>>
    tpu.enqueue_dma source(%dma_start3A_15 : memref<64xi32, #tpu.memory_space<hbm>>) target(%dma_start3A_14 : memref<64xi32, #tpu.memory_space<vmem>>) target_semaphore(%arg17 : memref<!tpu.dma_semaphore, #tpu.memory_space<semaphore_mem>>)
    %add3A_16 = arith.constant 320000 : i32
    %add3A_17 = arith.addi %add3A_16, %mul3A_2 : i32
    %add3A_18 = arith.constant 0 : i32
    %add3A_19 = arith.addi %add3A_17, %add3A_18 : i32
    %dma_start3A_20 = arith.constant 0 : i32
    %dma_start3A_21 = tpu.memref_slice %arg10[%dma_start3A_20] : memref<64xi32, #tpu.memory_space<vmem>> -> memref<64xi32, #tpu.memory_space<vmem>>
    %dma_start3A_22 = tpu.memref_slice %arg4[%add3A_19] : memref<640000xi32, #tpu.memory_space<hbm>> -> memref<64xi32, #tpu.memory_space<hbm>>
    %dma_start3A_23 = arith.constant 0 : i32
    %dma_start3A_24 = tpu.memref_slice %arg10[%dma_start3A_23] : memref<64xi32, #tpu.memory_space<vmem>> -> memref<64xi32, #tpu.memory_space<vmem>>
    %dma_start3A_25 = tpu.memref_slice %arg4[%add3A_19] : memref<640000xi32, #tpu.memory_space<hbm>> -> memref<64xi32, #tpu.memory_space<hbm>>
    tpu.enqueue_dma source(%dma_start3A_25 : memref<64xi32, #tpu.memory_space<hbm>>) target(%dma_start3A_24 : memref<64xi32, #tpu.memory_space<vmem>>) target_semaphore(%arg19 : memref<!tpu.dma_semaphore, #tpu.memory_space<semaphore_mem>>)
    %add3A_26 = arith.constant 0 : i32
    %add3A_27 = arith.addi %mul3A_2, %add3A_26 : i32
    %dma_wait3A = arith.constant 0 : i32
    %dma_wait3A_28 = tpu.memref_slice %arg8[%dma_wait3A] : memref<64xi32, #tpu.memory_space<vmem>> -> memref<64xi32, #tpu.memory_space<vmem>>
    %dma_wait3A_29 = tpu.memref_slice %arg4[%add3A_27] : memref<640000xi32, #tpu.memory_space<hbm>> -> memref<64xi32, #tpu.memory_space<hbm>>
    %dma_wait3A_30 = arith.constant 0 : i32
    %dma_wait3A_31 = tpu.memref_slice %arg8[%dma_wait3A_30] : memref<64xi32, #tpu.memory_space<vmem>> -> memref<64xi32, #tpu.memory_space<vmem>>
    %dma_wait3A_32 = tpu.memref_slice %arg4[%add3A_27] : memref<640000xi32, #tpu.memory_space<hbm>> -> memref<64xi32, #tpu.memory_space<hbm>>
    tpu.wait_dma2 semaphore(%arg17 : memref<!tpu.dma_semaphore, #tpu.memory_space<semaphore_mem>>) src(%dma_wait3A_32 : memref<64xi32, #tpu.memory_space<hbm>>) dst(%dma_wait3A_31 : memref<64xi32, #tpu.memory_space<vmem>>)
    %add3A_33 = arith.constant 320000 : i32
    %add3A_34 = arith.addi %add3A_33, %mul3A_2 : i32
    %add3A_35 = arith.constant 0 : i32
    %add3A_36 = arith.addi %add3A_34, %add3A_35 : i32
    %dma_wait3A_37 = arith.constant 0 : i32
    %dma_wait3A_38 = tpu.memref_slice %arg10[%dma_wait3A_37] : memref<64xi32, #tpu.memory_space<vmem>> -> memref<64xi32, #tpu.memory_space<vmem>>
    %dma_wait3A_39 = tpu.memref_slice %arg4[%add3A_36] : memref<640000xi32, #tpu.memory_space<hbm>> -> memref<64xi32, #tpu.memory_space<hbm>>
    %dma_wait3A_40 = arith.constant 0 : i32
    %dma_wait3A_41 = tpu.memref_slice %arg10[%dma_wait3A_40] : memref<64xi32, #tpu.memory_space<vmem>> -> memref<64xi32, #tpu.memory_space<vmem>>
    %dma_wait3A_42 = tpu.memref_slice %arg4[%add3A_36] : memref<640000xi32, #tpu.memory_space<hbm>> -> memref<64xi32, #tpu.memory_space<hbm>>
    tpu.wait_dma2 semaphore(%arg19 : memref<!tpu.dma_semaphore, #tpu.memory_space<semaphore_mem>>) src(%dma_wait3A_42 : memref<64xi32, #tpu.memory_space<hbm>>) dst(%dma_wait3A_41 : memref<64xi32, #tpu.memory_space<vmem>>)
    %add3A_43 = arith.constant 64 : i32
    %add3A_44 = arith.addi %mul3A_2, %add3A_43 : i32
    %dma_start3A_45 = arith.constant 0 : i32
    %dma_start3A_46 = tpu.memref_slice %arg9[%dma_start3A_45] : memref<64xi32, #tpu.memory_space<vmem>> -> memref<64xi32, #tpu.memory_space<vmem>>
    %dma_start3A_47 = tpu.memref_slice %arg4[%add3A_44] : memref<640000xi32, #tpu.memory_space<hbm>> -> memref<64xi32, #tpu.memory_space<hbm>>
    %dma_start3A_48 = arith.constant 0 : i32
    %dma_start3A_49 = tpu.memref_slice %arg9[%dma_start3A_48] : memref<64xi32, #tpu.memory_space<vmem>> -> memref<64xi32, #tpu.memory_space<vmem>>
    %dma_start3A_50 = tpu.memref_slice %arg4[%add3A_44] : memref<640000xi32, #tpu.memory_space<hbm>> -> memref<64xi32, #tpu.memory_space<hbm>>
    tpu.enqueue_dma source(%dma_start3A_50 : memref<64xi32, #tpu.memory_space<hbm>>) target(%dma_start3A_49 : memref<64xi32, #tpu.memory_space<vmem>>) target_semaphore(%arg18 : memref<!tpu.dma_semaphore, #tpu.memory_space<semaphore_mem>>)
    %add3A_51 = arith.constant 320000 : i32
    %add3A_52 = arith.addi %add3A_51, %mul3A_2 : i32
    %add3A_53 = arith.constant 64 : i32
    %add3A_54 = arith.addi %add3A_52, %add3A_53 : i32
    %dma_start3A_55 = arith.constant 0 : i32
    %dma_start3A_56 = tpu.memref_slice %arg11[%dma_start3A_55] : memref<64xi32, #tpu.memory_space<vmem>> -> memref<64xi32, #tpu.memory_space<vmem>>
    %dma_start3A_57 = tpu.memref_slice %arg4[%add3A_54] : memref<640000xi32, #tpu.memory_space<hbm>> -> memref<64xi32, #tpu.memory_space<hbm>>
    %dma_start3A_58 = arith.constant 0 : i32
    %dma_start3A_59 = tpu.memref_slice %arg11[%dma_start3A_58] : memref<64xi32, #tpu.memory_space<vmem>> -> memref<64xi32, #tpu.memory_space<vmem>>
    %dma_start3A_60 = tpu.memref_slice %arg4[%add3A_54] : memref<640000xi32, #tpu.memory_space<hbm>> -> memref<64xi32, #tpu.memory_space<hbm>>
    tpu.enqueue_dma source(%dma_start3A_60 : memref<64xi32, #tpu.memory_space<hbm>>) target(%dma_start3A_59 : memref<64xi32, #tpu.memory_space<vmem>>) target_semaphore(%arg20 : memref<!tpu.dma_semaphore, #tpu.memory_space<semaphore_mem>>)
    %dma_start3A_61 = arith.constant 0 : i32
    %dma_start3A_62 = arith.constant 0 : i32
    %dma_start3A_63 = tpu.memref_slice %arg12[%dma_start3A_61, %dma_start3A_62] : memref<64x128xf32, #tpu.memory_space<vmem>> -> memref<64x128xf32, #tpu.memory_space<vmem>>
    %dma_start3A_64 = arith.constant 0 : i32
    %dma_start3A_65 = tpu.memref_slice %arg8[%dma_start3A_64] : memref<64xi32, #tpu.memory_space<vmem>> -> memref<64xi32, #tpu.memory_space<vmem>>
    %dma_start3A_66 = arith.constant 0 : i32
    %dma_start3A_67 = arith.constant 0 : i32
    %dma_start3A_68 = tpu.memref_slice %arg16[%dma_start3A_66, %dma_start3A_67] : memref<10000x128xf32, #tpu.memory_space<vmem_shared>> -> memref<10000x128xf32, #tpu.memory_space<vmem_shared>>
    tpu.enqueue_indirect_dma source(%dma_start3A_68 : memref<10000x128xf32, #tpu.memory_space<vmem_shared>>) target(%dma_start3A_63 : memref<64x128xf32, #tpu.memory_space<vmem>>) offsets(%dma_start3A_65 : memref<64xi32, #tpu.memory_space<vmem>>) semaphore(%arg21 : memref<!tpu.dma_semaphore, #tpu.memory_space<semaphore_mem>>)
    %get3A = arith.constant 0 : index
    %get3A_69 = tpu.vector_load %arg8[%get3A] {strides = array<i32>} : memref<64xi32, #tpu.memory_space<vmem>>, vector<16xi32>,
    %mul3A_70 = arith.constant 3 : i32
    %mul3A_71 = vector.broadcast %mul3A_70 : i32 to vector<16xi32>
    %mul3A_72 = arith.muli %get3A_69, %mul3A_71 : vector<16xi32>
    %get3A_73 = arith.constant 0 : index
    %get3A_74 = tpu.vector_load %arg10[%get3A_73] {strides = array<i32>} : memref<64xi32, #tpu.memory_space<vmem>>, vector<16xi32>,
    %mul3A_75 = arith.constant 3 : i32
    %mul3A_76 = vector.broadcast %mul3A_75 : i32 to vector<16xi32>
    %mul3A_77 = arith.muli %get3A_74, %mul3A_76 : vector<16xi32>
    %broadcast_in_dim3A = arith.constant 9.99999997E-7 : f32
    %broadcast_in_dim3A_78 = vector.broadcast %broadcast_in_dim3A : f32 to vector<16xf32>
    %add3A_79 = arith.constant 0 : i32
    %add3A_80 = vector.broadcast %add3A_79 : i32 to vector<16xi32>
    %add3A_81 = arith.addi %mul3A_72, %add3A_80 : vector<16xi32>
    %gather3A = tpu.vector_load_idx %arg7[%add3A_81] : memref<30000xf32, #tpu.memory_space<vmem>>[vector<16xi32>], vector<16xf32>,
    %add3A_82 = arith.constant 0 : i32
    %add3A_83 = vector.broadcast %add3A_82 : i32 to vector<16xi32>
    %add3A_84 = arith.addi %mul3A_77, %add3A_83 : vector<16xi32>
    %gather3A_85 = tpu.vector_load_idx %arg7[%add3A_84] : memref<30000xf32, #tpu.memory_space<vmem>>[vector<16xi32>], vector<16xf32>,
    %sub3A = arith.subf %gather3A, %gather3A_85 : vector<16xf32>
    %mul3A_86 = arith.mulf %sub3A, %sub3A : vector<16xf32>
    %add3A_87 = arith.addf %broadcast_in_dim3A_78, %mul3A_86 : vector<16xf32>
    %add3A_88 = arith.constant 1 : i32
    %add3A_89 = vector.broadcast %add3A_88 : i32 to vector<16xi32>
    %add3A_90 = arith.addi %mul3A_72, %add3A_89 : vector<16xi32>
    %gather3A_91 = tpu.vector_load_idx %arg7[%add3A_90] : memref<30000xf32, #tpu.memory_space<vmem>>[vector<16xi32>], vector<16xf32>,
    %add3A_92 = arith.constant 1 : i32
    %add3A_93 = vector.broadcast %add3A_92 : i32 to vector<16xi32>
    %add3A_94 = arith.addi %mul3A_77, %add3A_93 : vector<16xi32>
    %gather3A_95 = tpu.vector_load_idx %arg7[%add3A_94] : memref<30000xf32, #tpu.memory_space<vmem>>[vector<16xi32>], vector<16xf32>,
    %sub3A_96 = arith.subf %gather3A_91, %gather3A_95 : vector<16xf32>
    %mul3A_97 = arith.mulf %sub3A_96, %sub3A_96 : vector<16xf32>
    %add3A_98 = arith.addf %add3A_87, %mul3A_97 : vector<16xf32>
    %add3A_99 = arith.constant 2 : i32
    %add3A_100 = vector.broadcast %add3A_99 : i32 to vector<16xi32>
    %add3A_101 = arith.addi %mul3A_72, %add3A_100 : vector<16xi32>
    %gather3A_102 = tpu.vector_load_idx %arg7[%add3A_101] : memref<30000xf32, #tpu.memory_space<vmem>>[vector<16xi32>], vector<16xf32>,
    %add3A_103 = arith.constant 2 : i32
    %add3A_104 = vector.broadcast %add3A_103 : i32 to vector<16xi32>
    %add3A_105 = arith.addi %mul3A_77, %add3A_104 : vector<16xi32>
    %gather3A_106 = tpu.vector_load_idx %arg7[%add3A_105] : memref<30000xf32, #tpu.memory_space<vmem>>[vector<16xi32>], vector<16xf32>,
    %sub3A_107 = arith.subf %gather3A_102, %gather3A_106 : vector<16xf32>
    %mul3A_108 = arith.mulf %sub3A_107, %sub3A_107 : vector<16xf32>
    %add3A_109 = arith.addf %add3A_98, %mul3A_108 : vector<16xf32>
    %div3A = arith.constant 1.000000e+00 : f32
    %div3A_110 = vector.broadcast %div3A : f32 to vector<16xf32>
    %div3A_111 = arith.divf %div3A_110, %add3A_109 : vector<16xf32>
    %swap3A = arith.constant 0 : index
    %swap3A_112 = tpu.vector_load %arg14[%swap3A] {strides = array<i32>} : memref<64xf32, #tpu.memory_space<vmem>>, vector<16xf32>,
    tpu.vector_store %arg14[%swap3A], %div3A_111 {strides = array<i32>} : memref<64xf32, #tpu.memory_space<vmem>>, vector<16xf32>,
    %get3A_113 = arith.constant 16 : index
    %get3A_114 = tpu.vector_load %arg8[%get3A_113] {strides = array<i32>} : memref<64xi32, #tpu.memory_space<vmem>>, vector<16xi32>,
    %mul3A_115 = arith.constant 3 : i32
    %mul3A_116 = vector.broadcast %mul3A_115 : i32 to vector<16xi32>
    %mul3A_117 = arith.muli %get3A_114, %mul3A_116 : vector<16xi32>
    %get3A_118 = arith.constant 16 : index
    %get3A_119 = tpu.vector_load %arg10[%get3A_118] {strides = array<i32>} : memref<64xi32, #tpu.memory_space<vmem>>, vector<16xi32>,
    %mul3A_120 = arith.constant 3 : i32
    %mul3A_121 = vector.broadcast %mul3A_120 : i32 to vector<16xi32>
    %mul3A_122 = arith.muli %get3A_119, %mul3A_121 : vector<16xi32>
    %broadcast_in_dim3A_123 = arith.constant 9.99999997E-7 : f32
    %broadcast_in_dim3A_124 = vector.broadcast %broadcast_in_dim3A_123 : f32 to vector<16xf32>
    %add3A_125 = arith.constant 0 : i32
    %add3A_126 = vector.broadcast %add3A_125 : i32 to vector<16xi32>
    %add3A_127 = arith.addi %mul3A_117, %add3A_126 : vector<16xi32>
    %gather3A_128 = tpu.vector_load_idx %arg7[%add3A_127] : memref<30000xf32, #tpu.memory_space<vmem>>[vector<16xi32>], vector<16xf32>,
    %add3A_129 = arith.constant 0 : i32
    %add3A_130 = vector.broadcast %add3A_129 : i32 to vector<16xi32>
    %add3A_131 = arith.addi %mul3A_122, %add3A_130 : vector<16xi32>
    %gather3A_132 = tpu.vector_load_idx %arg7[%add3A_131] : memref<30000xf32, #tpu.memory_space<vmem>>[vector<16xi32>], vector<16xf32>,
    %sub3A_133 = arith.subf %gather3A_128, %gather3A_132 : vector<16xf32>
    %mul3A_134 = arith.mulf %sub3A_133, %sub3A_133 : vector<16xf32>
    %add3A_135 = arith.addf %broadcast_in_dim3A_124, %mul3A_134 : vector<16xf32>
    %add3A_136 = arith.constant 1 : i32
    %add3A_137 = vector.broadcast %add3A_136 : i32 to vector<16xi32>
    %add3A_138 = arith.addi %mul3A_117, %add3A_137 : vector<16xi32>
    %gather3A_139 = tpu.vector_load_idx %arg7[%add3A_138] : memref<30000xf32, #tpu.memory_space<vmem>>[vector<16xi32>], vector<16xf32>,
    %add3A_140 = arith.constant 1 : i32
    %add3A_141 = vector.broadcast %add3A_140 : i32 to vector<16xi32>
    %add3A_142 = arith.addi %mul3A_122, %add3A_141 : vector<16xi32>
    %gather3A_143 = tpu.vector_load_idx %arg7[%add3A_142] : memref<30000xf32, #tpu.memory_space<vmem>>[vector<16xi32>], vector<16xf32>,
    %sub3A_144 = arith.subf %gather3A_139, %gather3A_143 : vector<16xf32>
    %mul3A_145 = arith.mulf %sub3A_144, %sub3A_144 : vector<16xf32>
    %add3A_146 = arith.addf %add3A_135, %mul3A_145 : vector<16xf32>
    %add3A_147 = arith.constant 2 : i32
    %add3A_148 = vector.broadcast %add3A_147 : i32 to vector<16xi32>
    %add3A_149 = arith.addi %mul3A_117, %add3A_148 : vector<16xi32>
    %gather3A_150 = tpu.vector_load_idx %arg7[%add3A_149] : memref<30000xf32, #tpu.memory_space<vmem>>[vector<16xi32>], vector<16xf32>,
    %add3A_151 = arith.constant 2 : i32
    %add3A_152 = vector.broadcast %add3A_151 : i32 to vector<16xi32>
    %add3A_153 = arith.addi %mul3A_122, %add3A_152 : vector<16xi32>
    %gather3A_154 = tpu.vector_load_idx %arg7[%add3A_153] : memref<30000xf32, #tpu.memory_space<vmem>>[vector<16xi32>], vector<16xf32>,
    %sub3A_155 = arith.subf %gather3A_150, %gather3A_154 : vector<16xf32>
    %mul3A_156 = arith.mulf %sub3A_155, %sub3A_155 : vector<16xf32>
    %add3A_157 = arith.addf %add3A_146, %mul3A_156 : vector<16xf32>
    %div3A_158 = arith.constant 1.000000e+00 : f32
    %div3A_159 = vector.broadcast %div3A_158 : f32 to vector<16xf32>
    %div3A_160 = arith.divf %div3A_159, %add3A_157 : vector<16xf32>
    %swap3A_161 = arith.constant 16 : index
    %swap3A_162 = tpu.vector_load %arg14[%swap3A_161] {strides = array<i32>} : memref<64xf32, #tpu.memory_space<vmem>>, vector<16xf32>,
    tpu.vector_store %arg14[%swap3A_161], %div3A_160 {strides = array<i32>} : memref<64xf32, #tpu.memory_space<vmem>>, vector<16xf32>,
    %get3A_163 = arith.constant 32 : index
    %get3A_164 = tpu.vector_load %arg8[%get3A_163] {strides = array<i32>} : memref<64xi32, #tpu.memory_space<vmem>>, vector<16xi32>,
    %mul3A_165 = arith.constant 3 : i32
    %mul3A_166 = vector.broadcast %mul3A_165 : i32 to vector<16xi32>
    %mul3A_167 = arith.muli %get3A_164, %mul3A_166 : vector<16xi32>
    %get3A_168 = arith.constant 32 : index
    %get3A_169 = tpu.vector_load %arg10[%get3A_168] {strides = array<i32>} : memref<64xi32, #tpu.memory_space<vmem>>, vector<16xi32>,
    %mul3A_170 = arith.constant 3 : i32
    %mul3A_171 = vector.broadcast %mul3A_170 : i32 to vector<16xi32>
    %mul3A_172 = arith.muli %get3A_169, %mul3A_171 : vector<16xi32>
    %broadcast_in_dim3A_173 = arith.constant 9.99999997E-7 : f32
    %broadcast_in_dim3A_174 = vector.broadcast %broadcast_in_dim3A_173 : f32 to vector<16xf32>
    %add3A_175 = arith.constant 0 : i32
    %add3A_176 = vector.broadcast %add3A_175 : i32 to vector<16xi32>
    %add3A_177 = arith.addi %mul3A_167, %add3A_176 : vector<16xi32>
    %gather3A_178 = tpu.vector_load_idx %arg7[%add3A_177] : memref<30000xf32, #tpu.memory_space<vmem>>[vector<16xi32>], vector<16xf32>,
    %add3A_179 = arith.constant 0 : i32
    %add3A_180 = vector.broadcast %add3A_179 : i32 to vector<16xi32>
    %add3A_181 = arith.addi %mul3A_172, %add3A_180 : vector<16xi32>
    %gather3A_182 = tpu.vector_load_idx %arg7[%add3A_181] : memref<30000xf32, #tpu.memory_space<vmem>>[vector<16xi32>], vector<16xf32>,
    %sub3A_183 = arith.subf %gather3A_178, %gather3A_182 : vector<16xf32>
    %mul3A_184 = arith.mulf %sub3A_183, %sub3A_183 : vector<16xf32>
    %add3A_185 = arith.addf %broadcast_in_dim3A_174, %mul3A_184 : vector<16xf32>
    %add3A_186 = arith.constant 1 : i32
    %add3A_187 = vector.broadcast %add3A_186 : i32 to vector<16xi32>
    %add3A_188 = arith.addi %mul3A_167, %add3A_187 : vector<16xi32>
    %gather3A_189 = tpu.vector_load_idx %arg7[%add3A_188] : memref<30000xf32, #tpu.memory_space<vmem>>[vector<16xi32>], vector<16xf32>,
    %add3A_190 = arith.constant 1 : i32
    %add3A_191 = vector.broadcast %add3A_190 : i32 to vector<16xi32>
    %add3A_192 = arith.addi %mul3A_172, %add3A_191 : vector<16xi32>
    %gather3A_193 = tpu.vector_load_idx %arg7[%add3A_192] : memref<30000xf32, #tpu.memory_space<vmem>>[vector<16xi32>], vector<16xf32>,
    %sub3A_194 = arith.subf %gather3A_189, %gather3A_193 : vector<16xf32>
    %mul3A_195 = arith.mulf %sub3A_194, %sub3A_194 : vector<16xf32>
    %add3A_196 = arith.addf %add3A_185, %mul3A_195 : vector<16xf32>
    %add3A_197 = arith.constant 2 : i32
    %add3A_198 = vector.broadcast %add3A_197 : i32 to vector<16xi32>
    %add3A_199 = arith.addi %mul3A_167, %add3A_198 : vector<16xi32>
    %gather3A_200 = tpu.vector_load_idx %arg7[%add3A_199] : memref<30000xf32, #tpu.memory_space<vmem>>[vector<16xi32>], vector<16xf32>,
    %add3A_201 = arith.constant 2 : i32
    %add3A_202 = vector.broadcast %add3A_201 : i32 to vector<16xi32>
    %add3A_203 = arith.addi %mul3A_172, %add3A_202 : vector<16xi32>
    %gather3A_204 = tpu.vector_load_idx %arg7[%add3A_203] : memref<30000xf32, #tpu.memory_space<vmem>>[vector<16xi32>], vector<16xf32>,
    %sub3A_205 = arith.subf %gather3A_200, %gather3A_204 : vector<16xf32>
    %mul3A_206 = arith.mulf %sub3A_205, %sub3A_205 : vector<16xf32>
    %add3A_207 = arith.addf %add3A_196, %mul3A_206 : vector<16xf32>
    %div3A_208 = arith.constant 1.000000e+00 : f32
    %div3A_209 = vector.broadcast %div3A_208 : f32 to vector<16xf32>
    %div3A_210 = arith.divf %div3A_209, %add3A_207 : vector<16xf32>
    %swap3A_211 = arith.constant 32 : index
    %swap3A_212 = tpu.vector_load %arg14[%swap3A_211] {strides = array<i32>} : memref<64xf32, #tpu.memory_space<vmem>>, vector<16xf32>,
    tpu.vector_store %arg14[%swap3A_211], %div3A_210 {strides = array<i32>} : memref<64xf32, #tpu.memory_space<vmem>>, vector<16xf32>,
    %get3A_213 = arith.constant 48 : index
    %get3A_214 = tpu.vector_load %arg8[%get3A_213] {strides = array<i32>} : memref<64xi32, #tpu.memory_space<vmem>>, vector<16xi32>,
    %mul3A_215 = arith.constant 3 : i32
    %mul3A_216 = vector.broadcast %mul3A_215 : i32 to vector<16xi32>
    %mul3A_217 = arith.muli %get3A_214, %mul3A_216 : vector<16xi32>
    %get3A_218 = arith.constant 48 : index
    %get3A_219 = tpu.vector_load %arg10[%get3A_218] {strides = array<i32>} : memref<64xi32, #tpu.memory_space<vmem>>, vector<16xi32>,
    %mul3A_220 = arith.constant 3 : i32
    %mul3A_221 = vector.broadcast %mul3A_220 : i32 to vector<16xi32>
    %mul3A_222 = arith.muli %get3A_219, %mul3A_221 : vector<16xi32>
    %broadcast_in_dim3A_223 = arith.constant 9.99999997E-7 : f32
    %broadcast_in_dim3A_224 = vector.broadcast %broadcast_in_dim3A_223 : f32 to vector<16xf32>
    %add3A_225 = arith.constant 0 : i32
    %add3A_226 = vector.broadcast %add3A_225 : i32 to vector<16xi32>
    %add3A_227 = arith.addi %mul3A_217, %add3A_226 : vector<16xi32>
    %gather3A_228 = tpu.vector_load_idx %arg7[%add3A_227] : memref<30000xf32, #tpu.memory_space<vmem>>[vector<16xi32>], vector<16xf32>,
    %add3A_229 = arith.constant 0 : i32
    %add3A_230 = vector.broadcast %add3A_229 : i32 to vector<16xi32>
    %add3A_231 = arith.addi %mul3A_222, %add3A_230 : vector<16xi32>
    %gather3A_232 = tpu.vector_load_idx %arg7[%add3A_231] : memref<30000xf32, #tpu.memory_space<vmem>>[vector<16xi32>], vector<16xf32>,
    %sub3A_233 = arith.subf %gather3A_228, %gather3A_232 : vector<16xf32>
    %mul3A_234 = arith.mulf %sub3A_233, %sub3A_233 : vector<16xf32>
    %add3A_235 = arith.addf %broadcast_in_dim3A_224, %mul3A_234 : vector<16xf32>
    %add3A_236 = arith.constant 1 : i32
    %add3A_237 = vector.broadcast %add3A_236 : i32 to vector<16xi32>
    %add3A_238 = arith.addi %mul3A_217, %add3A_237 : vector<16xi32>
    %gather3A_239 = tpu.vector_load_idx %arg7[%add3A_238] : memref<30000xf32, #tpu.memory_space<vmem>>[vector<16xi32>], vector<16xf32>,
    %add3A_240 = arith.constant 1 : i32
    %add3A_241 = vector.broadcast %add3A_240 : i32 to vector<16xi32>
    %add3A_242 = arith.addi %mul3A_222, %add3A_241 : vector<16xi32>
    %gather3A_243 = tpu.vector_load_idx %arg7[%add3A_242] : memref<30000xf32, #tpu.memory_space<vmem>>[vector<16xi32>], vector<16xf32>,
    %sub3A_244 = arith.subf %gather3A_239, %gather3A_243 : vector<16xf32>
    %mul3A_245 = arith.mulf %sub3A_244, %sub3A_244 : vector<16xf32>
    %add3A_246 = arith.addf %add3A_235, %mul3A_245 : vector<16xf32>
    %add3A_247 = arith.constant 2 : i32
    %add3A_248 = vector.broadcast %add3A_247 : i32 to vector<16xi32>
    %add3A_249 = arith.addi %mul3A_217, %add3A_248 : vector<16xi32>
    %gather3A_250 = tpu.vector_load_idx %arg7[%add3A_249] : memref<30000xf32, #tpu.memory_space<vmem>>[vector<16xi32>], vector<16xf32>,
    %add3A_251 = arith.constant 2 : i32
    %add3A_252 = vector.broadcast %add3A_251 : i32 to vector<16xi32>
    %add3A_253 = arith.addi %mul3A_222, %add3A_252 : vector<16xi32>
    %gather3A_254 = tpu.vector_load_idx %arg7[%add3A_253] : memref<30000xf32, #tpu.memory_space<vmem>>[vector<16xi32>], vector<16xf32>,
    %sub3A_255 = arith.subf %gather3A_250, %gather3A_254 : vector<16xf32>
    %mul3A_256 = arith.mulf %sub3A_255, %sub3A_255 : vector<16xf32>
    %add3A_257 = arith.addf %add3A_246, %mul3A_256 : vector<16xf32>
    %div3A_258 = arith.constant 1.000000e+00 : f32
    %div3A_259 = vector.broadcast %div3A_258 : f32 to vector<16xf32>
    %div3A_260 = arith.divf %div3A_259, %add3A_257 : vector<16xf32>
    %swap3A_261 = arith.constant 48 : index
    %swap3A_262 = tpu.vector_load %arg14[%swap3A_261] {strides = array<i32>} : memref<64xf32, #tpu.memory_space<vmem>>, vector<16xf32>,
    tpu.vector_store %arg14[%swap3A_261], %div3A_260 {strides = array<i32>} : memref<64xf32, #tpu.memory_space<vmem>>, vector<16xf32>,
    %add3A_263 = arith.constant 0 : i32
    %add3A_264 = arith.addi %mul3A_2, %add3A_263 : i32
    %dma_start3A_265 = arith.constant 0 : i32
    %dma_start3A_266 = tpu.memref_slice %arg14[%dma_start3A_265] : memref<64xf32, #tpu.memory_space<vmem>> -> memref<64xf32, #tpu.memory_space<vmem>>
    %dma_start3A_267 = tpu.memref_slice %arg6[%add3A_264] : memref<320000xf32, #tpu.memory_space<hbm>> -> memref<64xf32, #tpu.memory_space<hbm>>
    %dma_start3A_268 = tpu.memref_slice %arg6[%add3A_264] : memref<320000xf32, #tpu.memory_space<hbm>> -> memref<64xf32, #tpu.memory_space<hbm>>
    %dma_start3A_269 = arith.constant 0 : i32
    %dma_start3A_270 = tpu.memref_slice %arg14[%dma_start3A_269] : memref<64xf32, #tpu.memory_space<vmem>> -> memref<64xf32, #tpu.memory_space<vmem>>
    tpu.enqueue_dma source(%dma_start3A_270 : memref<64xf32, #tpu.memory_space<vmem>>) target(%dma_start3A_268 : memref<64xf32, #tpu.memory_space<hbm>>) target_semaphore(%arg25 : memref<!tpu.dma_semaphore, #tpu.memory_space<semaphore_mem>>)
    %dma_wait3A_271 = arith.constant 0 : i32
    %dma_wait3A_272 = arith.constant 0 : i32
    %dma_wait3A_273 = tpu.memref_slice %arg12[%dma_wait3A_271, %dma_wait3A_272] : memref<64x128xf32, #tpu.memory_space<vmem>> -> memref<64x128xf32, #tpu.memory_space<vmem>>
    %dma_wait3A_274 = arith.constant 0 : i32
    %dma_wait3A_275 = tpu.memref_slice %arg8[%dma_wait3A_274] : memref<64xi32, #tpu.memory_space<vmem>> -> memref<64xi32, #tpu.memory_space<vmem>>
    %dma_wait3A_276 = arith.constant 0 : i32
    %dma_wait3A_277 = arith.constant 0 : i32
    %dma_wait3A_278 = tpu.memref_slice %arg16[%dma_wait3A_276, %dma_wait3A_277] : memref<10000x128xf32, #tpu.memory_space<vmem_shared>> -> memref<10000x128xf32, #tpu.memory_space<vmem_shared>>
    tpu.wait_indirect_dma semaphore(%arg21 : memref<!tpu.dma_semaphore, #tpu.memory_space<semaphore_mem>>) src(%dma_wait3A_278 : memref<10000x128xf32, #tpu.memory_space<vmem_shared>>) dst(%dma_wait3A_273 : memref<64x128xf32, #tpu.memory_space<vmem>>)
    %add3A_279 = arith.constant 0 : i32
    %add3A_280 = arith.addi %mul3A_2, %add3A_279 : i32
    %dma_start3A_281 = arith.constant 0 : i32
    %dma_start3A_282 = arith.constant 0 : i32
    %dma_start3A_283 = tpu.memref_slice %arg12[%dma_start3A_281, %dma_start3A_282] : memref<64x128xf32, #tpu.memory_space<vmem>> -> memref<64x128xf32, #tpu.memory_space<vmem>>
    %dma_start3A_284 = arith.constant 0 : i32
    %dma_start3A_285 = tpu.memref_slice %arg5[%add3A_280, %dma_start3A_284] : memref<320000x128xf32, #tpu.memory_space<hbm>> -> memref<64x128xf32, #tpu.memory_space<hbm>>
    %dma_start3A_286 = arith.constant 0 : i32
    %dma_start3A_287 = tpu.memref_slice %arg5[%add3A_280, %dma_start3A_286] : memref<320000x128xf32, #tpu.memory_space<hbm>> -> memref<64x128xf32, #tpu.memory_space<hbm>>
    %dma_start3A_288 = arith.constant 0 : i32
    %dma_start3A_289 = arith.constant 0 : i32
    %dma_start3A_290 = tpu.memref_slice %arg12[%dma_start3A_288, %dma_start3A_289] : memref<64x128xf32, #tpu.memory_space<vmem>> -> memref<64x128xf32, #tpu.memory_space<vmem>>
    tpu.enqueue_dma source(%dma_start3A_290 : memref<64x128xf32, #tpu.memory_space<vmem>>) target(%dma_start3A_287 : memref<64x128xf32, #tpu.memory_space<hbm>>) target_semaphore(%arg23 : memref<!tpu.dma_semaphore, #tpu.memory_space<semaphore_mem>>)
    %add3A_291 = arith.constant 64 : i32
    %add3A_292 = arith.addi %mul3A_2, %add3A_291 : i32
    %dma_wait3A_293 = arith.constant 0 : i32
    %dma_wait3A_294 = tpu.memref_slice %arg9[%dma_wait3A_293] : memref<64xi32, #tpu.memory_space<vmem>> -> memref<64xi32, #tpu.memory_space<vmem>>
    %dma_wait3A_295 = tpu.memref_slice %arg4[%add3A_292] : memref<640000xi32, #tpu.memory_space<hbm>> -> memref<64xi32, #tpu.memory_space<hbm>>
    %dma_wait3A_296 = arith.constant 0 : i32
    %dma_wait3A_297 = tpu.memref_slice %arg9[%dma_wait3A_296] : memref<64xi32, #tpu.memory_space<vmem>> -> memref<64xi32, #tpu.memory_space<vmem>>
    %dma_wait3A_298 = tpu.memref_slice %arg4[%add3A_292] : memref<640000xi32, #tpu.memory_space<hbm>> -> memref<64xi32, #tpu.memory_space<hbm>>
    tpu.wait_dma2 semaphore(%arg18 : memref<!tpu.dma_semaphore, #tpu.memory_space<semaphore_mem>>) src(%dma_wait3A_298 : memref<64xi32, #tpu.memory_space<hbm>>) dst(%dma_wait3A_297 : memref<64xi32, #tpu.memory_space<vmem>>)
    %add3A_299 = arith.constant 320000 : i32
    %add3A_300 = arith.addi %add3A_299, %mul3A_2 : i32
    %add3A_301 = arith.constant 64 : i32
    %add3A_302 = arith.addi %add3A_300, %add3A_301 : i32
    %dma_wait3A_303 = arith.constant 0 : i32
    %dma_wait3A_304 = tpu.memref_slice %arg11[%dma_wait3A_303] : memref<64xi32, #tpu.memory_space<vmem>> -> memref<64xi32, #tpu.memory_space<vmem>>
    %dma_wait3A_305 = tpu.memref_slice %arg4[%add3A_302] : memref<640000xi32, #tpu.memory_space<hbm>> -> memref<64xi32, #tpu.memory_space<hbm>>
    %dma_wait3A_306 = arith.constant 0 : i32
    %dma_wait3A_307 = tpu.memref_slice %arg11[%dma_wait3A_306] : memref<64xi32, #tpu.memory_space<vmem>> -> memref<64xi32, #tpu.memory_space<vmem>>
    %dma_wait3A_308 = tpu.memref_slice %arg4[%add3A_302] : memref<640000xi32, #tpu.memory_space<hbm>> -> memref<64xi32, #tpu.memory_space<hbm>>
    tpu.wait_dma2 semaphore(%arg20 : memref<!tpu.dma_semaphore, #tpu.memory_space<semaphore_mem>>) src(%dma_wait3A_308 : memref<64xi32, #tpu.memory_space<hbm>>) dst(%dma_wait3A_307 : memref<64xi32, #tpu.memory_space<vmem>>)
    %add3A_309 = arith.constant 128 : i32
    %add3A_310 = arith.addi %mul3A_2, %add3A_309 : i32
    %dma_start3A_311 = arith.constant 0 : i32
    %dma_start3A_312 = tpu.memref_slice %arg8[%dma_start3A_311] : memref<64xi32, #tpu.memory_space<vmem>> -> memref<64xi32, #tpu.memory_space<vmem>>
    %dma_start3A_313 = tpu.memref_slice %arg4[%add3A_310] : memref<640000xi32, #tpu.memory_space<hbm>> -> memref<64xi32, #tpu.memory_space<hbm>>
    %dma_start3A_314 = arith.constant 0 : i32
    %dma_start3A_315 = tpu.memref_slice %arg8[%dma_start3A_314] : memref<64xi32, #tpu.memory_space<vmem>> -> memref<64xi32, #tpu.memory_space<vmem>>
    %dma_start3A_316 = tpu.memref_slice %arg4[%add3A_310] : memref<640000xi32, #tpu.memory_space<hbm>> -> memref<64xi32, #tpu.memory_space<hbm>>
    tpu.enqueue_dma source(%dma_start3A_316 : memref<64xi32, #tpu.memory_space<hbm>>) target(%dma_start3A_315 : memref<64xi32, #tpu.memory_space<vmem>>) target_semaphore(%arg17 : memref<!tpu.dma_semaphore, #tpu.memory_space<semaphore_mem>>)
    %add3A_317 = arith.constant 320000 : i32
    %add3A_318 = arith.addi %add3A_317, %mul3A_2 : i32
    %add3A_319 = arith.constant 128 : i32
    %add3A_320 = arith.addi %add3A_318, %add3A_319 : i32
    %dma_start3A_321 = arith.constant 0 : i32
    %dma_start3A_322 = tpu.memref_slice %arg10[%dma_start3A_321] : memref<64xi32, #tpu.memory_space<vmem>> -> memref<64xi32, #tpu.memory_space<vmem>>
    %dma_start3A_323 = tpu.memref_slice %arg4[%add3A_320] : memref<640000xi32, #tpu.memory_space<hbm>> -> memref<64xi32, #tpu.memory_space<hbm>>
    %dma_start3A_324 = arith.constant 0 : i32
    %dma_start3A_325 = tpu.memref_slice %arg10[%dma_start3A_324] : memref<64xi32, #tpu.memory_space<vmem>> -> memref<64xi32, #tpu.memory_space<vmem>>
    %dma_start3A_326 = tpu.memref_slice %arg4[%add3A_320] : memref<640000xi32, #tpu.memory_space<hbm>> -> memref<64xi32, #tpu.memory_space<hbm>>
    tpu.enqueue_dma source(%dma_start3A_326 : memref<64xi32, #tpu.memory_space<hbm>>) target(%dma_start3A_325 : memref<64xi32, #tpu.memory_space<vmem>>) target_semaphore(%arg19 : memref<!tpu.dma_semaphore, #tpu.memory_space<semaphore_mem>>)
    %dma_start3A_327 = arith.constant 0 : i32
    %dma_start3A_328 = arith.constant 0 : i32
    %dma_start3A_329 = tpu.memref_slice %arg13[%dma_start3A_327, %dma_start3A_328] : memref<64x128xf32, #tpu.memory_space<vmem>> -> memref<64x128xf32, #tpu.memory_space<vmem>>
    %dma_start3A_330 = arith.constant 0 : i32
    %dma_start3A_331 = tpu.memref_slice %arg9[%dma_start3A_330] : memref<64xi32, #tpu.memory_space<vmem>> -> memref<64xi32, #tpu.memory_space<vmem>>
    %dma_start3A_332 = arith.constant 0 : i32
    %dma_start3A_333 = arith.constant 0 : i32
    %dma_start3A_334 = tpu.memref_slice %arg16[%dma_start3A_332, %dma_start3A_333] : memref<10000x128xf32, #tpu.memory_space<vmem_shared>> -> memref<10000x128xf32, #tpu.memory_space<vmem_shared>>
    tpu.enqueue_indirect_dma source(%dma_start3A_334 : memref<10000x128xf32, #tpu.memory_space<vmem_shared>>) target(%dma_start3A_329 : memref<64x128xf32, #tpu.memory_space<vmem>>) offsets(%dma_start3A_331 : memref<64xi32, #tpu.memory_space<vmem>>) semaphore(%arg22 : memref<!tpu.dma_semaphore, #tpu.memory_space<semaphore_mem>>)
    %get3A_335 = arith.constant 0 : index
    %get3A_336 = tpu.vector_load %arg9[%get3A_335] {strides = array<i32>} : memref<64xi32, #tpu.memory_space<vmem>>, vector<16xi32>,
    %mul3A_337 = arith.constant 3 : i32
    %mul3A_338 = vector.broadcast %mul3A_337 : i32 to vector<16xi32>
    %mul3A_339 = arith.muli %get3A_336, %mul3A_338 : vector<16xi32>
    %get3A_340 = arith.constant 0 : index
    %get3A_341 = tpu.vector_load %arg11[%get3A_340] {strides = array<i32>} : memref<64xi32, #tpu.memory_space<vmem>>, vector<16xi32>,
    %mul3A_342 = arith.constant 3 : i32
    %mul3A_343 = vector.broadcast %mul3A_342 : i32 to vector<16xi32>
    %mul3A_344 = arith.muli %get3A_341, %mul3A_343 : vector<16xi32>
    %broadcast_in_dim3A_345 = arith.constant 9.99999997E-7 : f32
    %broadcast_in_dim3A_346 = vector.broadcast %broadcast_in_dim3A_345 : f32 to vector<16xf32>
    %add3A_347 = arith.constant 0 : i32
    %add3A_348 = vector.broadcast %add3A_347 : i32 to vector<16xi32>
    %add3A_349 = arith.addi %mul3A_339, %add3A_348 : vector<16xi32>
    %gather3A_350 = tpu.vector_load_idx %arg7[%add3A_349] : memref<30000xf32, #tpu.memory_space<vmem>>[vector<16xi32>], vector<16xf32>,
    %add3A_351 = arith.constant 0 : i32
    %add3A_352 = vector.broadcast %add3A_351 : i32 to vector<16xi32>
    %add3A_353 = arith.addi %mul3A_344, %add3A_352 : vector<16xi32>
    %gather3A_354 = tpu.vector_load_idx %arg7[%add3A_353] : memref<30000xf32, #tpu.memory_space<vmem>>[vector<16xi32>], vector<16xf32>,
    %sub3A_355 = arith.subf %gather3A_350, %gather3A_354 : vector<16xf32>
    %mul3A_356 = arith.mulf %sub3A_355, %sub3A_355 : vector<16xf32>
    %add3A_357 = arith.addf %broadcast_in_dim3A_346, %mul3A_356 : vector<16xf32>
    %add3A_358 = arith.constant 1 : i32
    %add3A_359 = vector.broadcast %add3A_358 : i32 to vector<16xi32>
    %add3A_360 = arith.addi %mul3A_339, %add3A_359 : vector<16xi32>
    %gather3A_361 = tpu.vector_load_idx %arg7[%add3A_360] : memref<30000xf32, #tpu.memory_space<vmem>>[vector<16xi32>], vector<16xf32>,
    %add3A_362 = arith.constant 1 : i32
    %add3A_363 = vector.broadcast %add3A_362 : i32 to vector<16xi32>
    %add3A_364 = arith.addi %mul3A_344, %add3A_363 : vector<16xi32>
    %gather3A_365 = tpu.vector_load_idx %arg7[%add3A_364] : memref<30000xf32, #tpu.memory_space<vmem>>[vector<16xi32>], vector<16xf32>,
    %sub3A_366 = arith.subf %gather3A_361, %gather3A_365 : vector<16xf32>
    %mul3A_367 = arith.mulf %sub3A_366, %sub3A_366 : vector<16xf32>
    %add3A_368 = arith.addf %add3A_357, %mul3A_367 : vector<16xf32>
    %add3A_369 = arith.constant 2 : i32
    %add3A_370 = vector.broadcast %add3A_369 : i32 to vector<16xi32>
    %add3A_371 = arith.addi %mul3A_339, %add3A_370 : vector<16xi32>
    %gather3A_372 = tpu.vector_load_idx %arg7[%add3A_371] : memref<30000xf32, #tpu.memory_space<vmem>>[vector<16xi32>], vector<16xf32>,
    %add3A_373 = arith.constant 2 : i32
    %add3A_374 = vector.broadcast %add3A_373 : i32 to vector<16xi32>
    %add3A_375 = arith.addi %mul3A_344, %add3A_374 : vector<16xi32>
    %gather3A_376 = tpu.vector_load_idx %arg7[%add3A_375] : memref<30000xf32, #tpu.memory_space<vmem>>[vector<16xi32>], vector<16xf32>,
    %sub3A_377 = arith.subf %gather3A_372, %gather3A_376 : vector<16xf32>
    %mul3A_378 = arith.mulf %sub3A_377, %sub3A_377 : vector<16xf32>
    %add3A_379 = arith.addf %add3A_368, %mul3A_378 : vector<16xf32>
    %div3A_380 = arith.constant 1.000000e+00 : f32
    %div3A_381 = vector.broadcast %div3A_380 : f32 to vector<16xf32>
    %div3A_382 = arith.divf %div3A_381, %add3A_379 : vector<16xf32>
    %swap3A_383 = arith.constant 0 : index
    %swap3A_384 = tpu.vector_load %arg15[%swap3A_383] {strides = array<i32>} : memref<64xf32, #tpu.memory_space<vmem>>, vector<16xf32>,
    tpu.vector_store %arg15[%swap3A_383], %div3A_382 {strides = array<i32>} : memref<64xf32, #tpu.memory_space<vmem>>, vector<16xf32>,
    %get3A_385 = arith.constant 16 : index
    %get3A_386 = tpu.vector_load %arg9[%get3A_385] {strides = array<i32>} : memref<64xi32, #tpu.memory_space<vmem>>, vector<16xi32>,
    %mul3A_387 = arith.constant 3 : i32
    %mul3A_388 = vector.broadcast %mul3A_387 : i32 to vector<16xi32>
    %mul3A_389 = arith.muli %get3A_386, %mul3A_388 : vector<16xi32>
    %get3A_390 = arith.constant 16 : index
    %get3A_391 = tpu.vector_load %arg11[%get3A_390] {strides = array<i32>} : memref<64xi32, #tpu.memory_space<vmem>>, vector<16xi32>,
    %mul3A_392 = arith.constant 3 : i32
    %mul3A_393 = vector.broadcast %mul3A_392 : i32 to vector<16xi32>
    %mul3A_394 = arith.muli %get3A_391, %mul3A_393 : vector<16xi32>
    %broadcast_in_dim3A_395 = arith.constant 9.99999997E-7 : f32
    %broadcast_in_dim3A_396 = vector.broadcast %broadcast_in_dim3A_395 : f32 to vector<16xf32>
    %add3A_397 = arith.constant 0 : i32
    %add3A_398 = vector.broadcast %add3A_397 : i32 to vector<16xi32>
    %add3A_399 = arith.addi %mul3A_389, %add3A_398 : vector<16xi32>
    %gather3A_400 = tpu.vector_load_idx %arg7[%add3A_399] : memref<30000xf32, #tpu.memory_space<vmem>>[vector<16xi32>], vector<16xf32>,
    %add3A_401 = arith.constant 0 : i32
    %add3A_402 = vector.broadcast %add3A_401 : i32 to vector<16xi32>
    %add3A_403 = arith.addi %mul3A_394, %add3A_402 : vector<16xi32>
    %gather3A_404 = tpu.vector_load_idx %arg7[%add3A_403] : memref<30000xf32, #tpu.memory_space<vmem>>[vector<16xi32>], vector<16xf32>,
    %sub3A_405 = arith.subf %gather3A_400, %gather3A_404 : vector<16xf32>
    %mul3A_406 = arith.mulf %sub3A_405, %sub3A_405 : vector<16xf32>
    %add3A_407 = arith.addf %broadcast_in_dim3A_396, %mul3A_406 : vector<16xf32>
    %add3A_408 = arith.constant 1 : i32
    %add3A_409 = vector.broadcast %add3A_408 : i32 to vector<16xi32>
    %add3A_410 = arith.addi %mul3A_389, %add3A_409 : vector<16xi32>
    %gather3A_411 = tpu.vector_load_idx %arg7[%add3A_410] : memref<30000xf32, #tpu.memory_space<vmem>>[vector<16xi32>], vector<16xf32>,
    %add3A_412 = arith.constant 1 : i32
    %add3A_413 = vector.broadcast %add3A_412 : i32 to vector<16xi32>
    %add3A_414 = arith.addi %mul3A_394, %add3A_413 : vector<16xi32>
    %gather3A_415 = tpu.vector_load_idx %arg7[%add3A_414] : memref<30000xf32, #tpu.memory_space<vmem>>[vector<16xi32>], vector<16xf32>,
    %sub3A_416 = arith.subf %gather3A_411, %gather3A_415 : vector<16xf32>
    %mul3A_417 = arith.mulf %sub3A_416, %sub3A_416 : vector<16xf32>
    %add3A_418 = arith.addf %add3A_407, %mul3A_417 : vector<16xf32>
    %add3A_419 = arith.constant 2 : i32
    %add3A_420 = vector.broadcast %add3A_419 : i32 to vector<16xi32>
    %add3A_421 = arith.addi %mul3A_389, %add3A_420 : vector<16xi32>
    %gather3A_422 = tpu.vector_load_idx %arg7[%add3A_421] : memref<30000xf32, #tpu.memory_space<vmem>>[vector<16xi32>], vector<16xf32>,
    %add3A_423 = arith.constant 2 : i32
    %add3A_424 = vector.broadcast %add3A_423 : i32 to vector<16xi32>
    %add3A_425 = arith.addi %mul3A_394, %add3A_424 : vector<16xi32>
    %gather3A_426 = tpu.vector_load_idx %arg7[%add3A_425] : memref<30000xf32, #tpu.memory_space<vmem>>[vector<16xi32>], vector<16xf32>,
    %sub3A_427 = arith.subf %gather3A_422, %gather3A_426 : vector<16xf32>
    %mul3A_428 = arith.mulf %sub3A_427, %sub3A_427 : vector<16xf32>
    %add3A_429 = arith.addf %add3A_418, %mul3A_428 : vector<16xf32>
    %div3A_430 = arith.constant 1.000000e+00 : f32
    %div3A_431 = vector.broadcast %div3A_430 : f32 to vector<16xf32>
    %div3A_432 = arith.divf %div3A_431, %add3A_429 : vector<16xf32>
    %swap3A_433 = arith.constant 16 : index
    %swap3A_434 = tpu.vector_load %arg15[%swap3A_433] {strides = array<i32>} : memref<64xf32, #tpu.memory_space<vmem>>, vector<16xf32>,
    tpu.vector_store %arg15[%swap3A_433], %div3A_432 {strides = array<i32>} : memref<64xf32, #tpu.memory_space<vmem>>, vector<16xf32>,
    %get3A_435 = arith.constant 32 : index
    %get3A_436 = tpu.vector_load %arg9[%get3A_435] {strides = array<i32>} : memref<64xi32, #tpu.memory_space<vmem>>, vector<16xi32>,
    %mul3A_437 = arith.constant 3 : i32
    %mul3A_438 = vector.broadcast %mul3A_437 : i32 to vector<16xi32>
    %mul3A_439 = arith.muli %get3A_436, %mul3A_438 : vector<16xi32>
    %get3A_440 = arith.constant 32 : index
    %get3A_441 = tpu.vector_load %arg11[%get3A_440] {strides = array<i32>} : memref<64xi32, #tpu.memory_space<vmem>>, vector<16xi32>,
    %mul3A_442 = arith.constant 3 : i32
    %mul3A_443 = vector.broadcast %mul3A_442 : i32 to vector<16xi32>
    %mul3A_444 = arith.muli %get3A_441, %mul3A_443 : vector<16xi32>
    %broadcast_in_dim3A_445 = arith.constant 9.99999997E-7 : f32
    %broadcast_in_dim3A_446 = vector.broadcast %broadcast_in_dim3A_445 : f32 to vector<16xf32>
    %add3A_447 = arith.constant 0 : i32
    %add3A_448 = vector.broadcast %add3A_447 : i32 to vector<16xi32>
    %add3A_449 = arith.addi %mul3A_439, %add3A_448 : vector<16xi32>
    %gather3A_450 = tpu.vector_load_idx %arg7[%add3A_449] : memref<30000xf32, #tpu.memory_space<vmem>>[vector<16xi32>], vector<16xf32>,
    %add3A_451 = arith.constant 0 : i32
    %add3A_452 = vector.broadcast %add3A_451 : i32 to vector<16xi32>
    %add3A_453 = arith.addi %mul3A_444, %add3A_452 : vector<16xi32>
    %gather3A_454 = tpu.vector_load_idx %arg7[%add3A_453] : memref<30000xf32, #tpu.memory_space<vmem>>[vector<16xi32>], vector<16xf32>,
    %sub3A_455 = arith.subf %gather3A_450, %gather3A_454 : vector<16xf32>
    %mul3A_456 = arith.mulf %sub3A_455, %sub3A_455 : vector<16xf32>
    %add3A_457 = arith.addf %broadcast_in_dim3A_446, %mul3A_456 : vector<16xf32>
    %add3A_458 = arith.constant 1 : i32
    %add3A_459 = vector.broadcast %add3A_458 : i32 to vector<16xi32>
    %add3A_460 = arith.addi %mul3A_439, %add3A_459 : vector<16xi32>
    %gather3A_461 = tpu.vector_load_idx %arg7[%add3A_460] : memref<30000xf32, #tpu.memory_space<vmem>>[vector<16xi32>], vector<16xf32>,
    %add3A_462 = arith.constant 1 : i32
    %add3A_463 = vector.broadcast %add3A_462 : i32 to vector<16xi32>
    %add3A_464 = arith.addi %mul3A_444, %add3A_463 : vector<16xi32>
    %gather3A_465 = tpu.vector_load_idx %arg7[%add3A_464] : memref<30000xf32, #tpu.memory_space<vmem>>[vector<16xi32>], vector<16xf32>,
    %sub3A_466 = arith.subf %gather3A_461, %gather3A_465 : vector<16xf32>
    %mul3A_467 = arith.mulf %sub3A_466, %sub3A_466 : vector<16xf32>
    %add3A_468 = arith.addf %add3A_457, %mul3A_467 : vector<16xf32>
    %add3A_469 = arith.constant 2 : i32
    %add3A_470 = vector.broadcast %add3A_469 : i32 to vector<16xi32>
    %add3A_471 = arith.addi %mul3A_439, %add3A_470 : vector<16xi32>
    %gather3A_472 = tpu.vector_load_idx %arg7[%add3A_471] : memref<30000xf32, #tpu.memory_space<vmem>>[vector<16xi32>], vector<16xf32>,
    %add3A_473 = arith.constant 2 : i32
    %add3A_474 = vector.broadcast %add3A_473 : i32 to vector<16xi32>
    %add3A_475 = arith.addi %mul3A_444, %add3A_474 : vector<16xi32>
    %gather3A_476 = tpu.vector_load_idx %arg7[%add3A_475] : memref<30000xf32, #tpu.memory_space<vmem>>[vector<16xi32>], vector<16xf32>,
    %sub3A_477 = arith.subf %gather3A_472, %gather3A_476 : vector<16xf32>
    %mul3A_478 = arith.mulf %sub3A_477, %sub3A_477 : vector<16xf32>
    %add3A_479 = arith.addf %add3A_468, %mul3A_478 : vector<16xf32>
    %div3A_480 = arith.constant 1.000000e+00 : f32
    %div3A_481 = vector.broadcast %div3A_480 : f32 to vector<16xf32>
    %div3A_482 = arith.divf %div3A_481, %add3A_479 : vector<16xf32>
    %swap3A_483 = arith.constant 32 : index
    %swap3A_484 = tpu.vector_load %arg15[%swap3A_483] {strides = array<i32>} : memref<64xf32, #tpu.memory_space<vmem>>, vector<16xf32>,
    tpu.vector_store %arg15[%swap3A_483], %div3A_482 {strides = array<i32>} : memref<64xf32, #tpu.memory_space<vmem>>, vector<16xf32>,
    %get3A_485 = arith.constant 48 : index
    %get3A_486 = tpu.vector_load %arg9[%get3A_485] {strides = array<i32>} : memref<64xi32, #tpu.memory_space<vmem>>, vector<16xi32>,
    %mul3A_487 = arith.constant 3 : i32
    %mul3A_488 = vector.broadcast %mul3A_487 : i32 to vector<16xi32>
    %mul3A_489 = arith.muli %get3A_486, %mul3A_488 : vector<16xi32>
    %get3A_490 = arith.constant 48 : index
    %get3A_491 = tpu.vector_load %arg11[%get3A_490] {strides = array<i32>} : memref<64xi32, #tpu.memory_space<vmem>>, vector<16xi32>,
    %mul3A_492 = arith.constant 3 : i32
    %mul3A_493 = vector.broadcast %mul3A_492 : i32 to vector<16xi32>
    %mul3A_494 = arith.muli %get3A_491, %mul3A_493 : vector<16xi32>
    %broadcast_in_dim3A_495 = arith.constant 9.99999997E-7 : f32
    %broadcast_in_dim3A_496 = vector.broadcast %broadcast_in_dim3A_495 : f32 to vector<16xf32>
    %add3A_497 = arith.constant 0 : i32
    %add3A_498 = vector.broadcast %add3A_497 : i32 to vector<16xi32>
    %add3A_499 = arith.addi %mul3A_489, %add3A_498 : vector<16xi32>
    %gather3A_500 = tpu.vector_load_idx %arg7[%add3A_499] : memref<30000xf32, #tpu.memory_space<vmem>>[vector<16xi32>], vector<16xf32>,
    %add3A_501 = arith.constant 0 : i32
    %add3A_502 = vector.broadcast %add3A_501 : i32 to vector<16xi32>
    %add3A_503 = arith.addi %mul3A_494, %add3A_502 : vector<16xi32>
    %gather3A_504 = tpu.vector_load_idx %arg7[%add3A_503] : memref<30000xf32, #tpu.memory_space<vmem>>[vector<16xi32>], vector<16xf32>,
    %sub3A_505 = arith.subf %gather3A_500, %gather3A_504 : vector<16xf32>
    %mul3A_506 = arith.mulf %sub3A_505, %sub3A_505 : vector<16xf32>
    %add3A_507 = arith.addf %broadcast_in_dim3A_496, %mul3A_506 : vector<16xf32>
    %add3A_508 = arith.constant 1 : i32
    %add3A_509 = vector.broadcast %add3A_508 : i32 to vector<16xi32>
    %add3A_510 = arith.addi %mul3A_489, %add3A_509 : vector<16xi32>
    %gather3A_511 = tpu.vector_load_idx %arg7[%add3A_510] : memref<30000xf32, #tpu.memory_space<vmem>>[vector<16xi32>], vector<16xf32>,
    %add3A_512 = arith.constant 1 : i32
    %add3A_513 = vector.broadcast %add3A_512 : i32 to vector<16xi32>
    %add3A_514 = arith.addi %mul3A_494, %add3A_513 : vector<16xi32>
    %gather3A_515 = tpu.vector_load_idx %arg7[%add3A_514] : memref<30000xf32, #tpu.memory_space<vmem>>[vector<16xi32>], vector<16xf32>,
    %sub3A_516 = arith.subf %gather3A_511, %gather3A_515 : vector<16xf32>
    %mul3A_517 = arith.mulf %sub3A_516, %sub3A_516 : vector<16xf32>
    %add3A_518 = arith.addf %add3A_507, %mul3A_517 : vector<16xf32>
    %add3A_519 = arith.constant 2 : i32
    %add3A_520 = vector.broadcast %add3A_519 : i32 to vector<16xi32>
    %add3A_521 = arith.addi %mul3A_489, %add3A_520 : vector<16xi32>
    %gather3A_522 = tpu.vector_load_idx %arg7[%add3A_521] : memref<30000xf32, #tpu.memory_space<vmem>>[vector<16xi32>], vector<16xf32>,
    %add3A_523 = arith.constant 2 : i32
    %add3A_524 = vector.broadcast %add3A_523 : i32 to vector<16xi32>
    %add3A_525 = arith.addi %mul3A_494, %add3A_524 : vector<16xi32>
    %gather3A_526 = tpu.vector_load_idx %arg7[%add3A_525] : memref<30000xf32, #tpu.memory_space<vmem>>[vector<16xi32>], vector<16xf32>,
    %sub3A_527 = arith.subf %gather3A_522, %gather3A_526 : vector<16xf32>
    %mul3A_528 = arith.mulf %sub3A_527, %sub3A_527 : vector<16xf32>
    %add3A_529 = arith.addf %add3A_518, %mul3A_528 : vector<16xf32>
    %div3A_530 = arith.constant 1.000000e+00 : f32
    %div3A_531 = vector.broadcast %div3A_530 : f32 to vector<16xf32>
    %div3A_532 = arith.divf %div3A_531, %add3A_529 : vector<16xf32>
    %swap3A_533 = arith.constant 48 : index
    %swap3A_534 = tpu.vector_load %arg15[%swap3A_533] {strides = array<i32>} : memref<64xf32, #tpu.memory_space<vmem>>, vector<16xf32>,
    tpu.vector_store %arg15[%swap3A_533], %div3A_532 {strides = array<i32>} : memref<64xf32, #tpu.memory_space<vmem>>, vector<16xf32>,
    %add3A_535 = arith.constant 64 : i32
    %add3A_536 = arith.addi %mul3A_2, %add3A_535 : i32
    %dma_start3A_537 = arith.constant 0 : i32
    %dma_start3A_538 = tpu.memref_slice %arg15[%dma_start3A_537] : memref<64xf32, #tpu.memory_space<vmem>> -> memref<64xf32, #tpu.memory_space<vmem>>
    %dma_start3A_539 = tpu.memref_slice %arg6[%add3A_536] : memref<320000xf32, #tpu.memory_space<hbm>> -> memref<64xf32, #tpu.memory_space<hbm>>
    %dma_start3A_540 = tpu.memref_slice %arg6[%add3A_536] : memref<320000xf32, #tpu.memory_space<hbm>> -> memref<64xf32, #tpu.memory_space<hbm>>
    %dma_start3A_541 = arith.constant 0 : i32
    %dma_start3A_542 = tpu.memref_slice %arg15[%dma_start3A_541] : memref<64xf32, #tpu.memory_space<vmem>> -> memref<64xf32, #tpu.memory_space<vmem>>
    tpu.enqueue_dma source(%dma_start3A_542 : memref<64xf32, #tpu.memory_space<vmem>>) target(%dma_start3A_540 : memref<64xf32, #tpu.memory_space<hbm>>) target_semaphore(%arg26 : memref<!tpu.dma_semaphore, #tpu.memory_space<semaphore_mem>>)
    %dma_wait3A_543 = arith.constant 0 : i32
    %dma_wait3A_544 = arith.constant 0 : i32
    %dma_wait3A_545 = tpu.memref_slice %arg13[%dma_wait3A_543, %dma_wait3A_544] : memref<64x128xf32, #tpu.memory_space<vmem>> -> memref<64x128xf32, #tpu.memory_space<vmem>>
    %dma_wait3A_546 = arith.constant 0 : i32
    %dma_wait3A_547 = tpu.memref_slice %arg9[%dma_wait3A_546] : memref<64xi32, #tpu.memory_space<vmem>> -> memref<64xi32, #tpu.memory_space<vmem>>
    %dma_wait3A_548 = arith.constant 0 : i32
    %dma_wait3A_549 = arith.constant 0 : i32
    %dma_wait3A_550 = tpu.memref_slice %arg16[%dma_wait3A_548, %dma_wait3A_549] : memref<10000x128xf32, #tpu.memory_space<vmem_shared>> -> memref<10000x128xf32, #tpu.memory_space<vmem_shared>>
    tpu.wait_indirect_dma semaphore(%arg22 : memref<!tpu.dma_semaphore, #tpu.memory_space<semaphore_mem>>) src(%dma_wait3A_550 : memref<10000x128xf32, #tpu.memory_space<vmem_shared>>) dst(%dma_wait3A_545 : memref<64x128xf32, #tpu.memory_space<vmem>>)
    %add3A_551 = arith.constant 64 : i32
    %add3A_552 = arith.addi %mul3A_2, %add3A_551 : i32
    %dma_start3A_553 = arith.constant 0 : i32
    %dma_start3A_554 = arith.constant 0 : i32
    %dma_start3A_555 = tpu.memref_slice %arg13[%dma_start3A_553, %dma_start3A_554] : memref<64x128xf32, #tpu.memory_space<vmem>> -> memref<64x128xf32, #tpu.memory_space<vmem>>
    %dma_start3A_556 = arith.constant 0 : i32
    %dma_start3A_557 = tpu.memref_slice %arg5[%add3A_552, %dma_start3A_556] : memref<320000x128xf32, #tpu.memory_space<hbm>> -> memref<64x128xf32, #tpu.memory_space<hbm>>
    %dma_start3A_558 = arith.constant 0 : i32
    %dma_start3A_559 = tpu.memref_slice %arg5[%add3A_552, %dma_start3A_558] : memref<320000x128xf32, #tpu.memory_space<hbm>> -> memref<64x128xf32, #tpu.memory_space<hbm>>
    %dma_start3A_560 = arith.constant 0 : i32
    %dma_start3A_561 = arith.constant 0 : i32
    %dma_start3A_562 = tpu.memref_slice %arg13[%dma_start3A_560, %dma_start3A_561] : memref<64x128xf32, #tpu.memory_space<vmem>> -> memref<64x128xf32, #tpu.memory_space<vmem>>
    tpu.enqueue_dma source(%dma_start3A_562 : memref<64x128xf32, #tpu.memory_space<vmem>>) target(%dma_start3A_559 : memref<64x128xf32, #tpu.memory_space<hbm>>) target_semaphore(%arg24 : memref<!tpu.dma_semaphore, #tpu.memory_space<semaphore_mem>>)
    %scan3A = arith.constant 0 : i32
    %scan3A_563 = arith.constant 1 : i32
    %scan3A_564 = arith.constant 76 : i32
    %scan3A_565 = arith.addi %scan3A_563, %scan3A_564 : i32
    %scan3A_566 = arith.constant 1 : i32
    scf.for %scan3A_1316 = %scan3A_563 to %scan3A_565 step %scan3A_566  : i32 {
      %mul3A_1317 = arith.constant 2 : i32
      %mul3A_1318 = arith.muli %mul3A_1317, %scan3A_1316 : i32
      %mul3A_1319 = arith.constant 64 : i32
      %mul3A_1320 = arith.muli %mul3A_1318, %mul3A_1319 : i32
      %add3A_1321 = arith.addi %mul3A_2, %mul3A_1320 : i32
      %dma_wait3A_1322 = arith.constant 0 : i32
      %dma_wait3A_1323 = tpu.memref_slice %arg8[%dma_wait3A_1322] : memref<64xi32, #tpu.memory_space<vmem>> -> memref<64xi32, #tpu.memory_space<vmem>>
      %dma_wait3A_1324 = tpu.memref_slice %arg4[%add3A_1321] : memref<640000xi32, #tpu.memory_space<hbm>> -> memref<64xi32, #tpu.memory_space<hbm>>
      %dma_wait3A_1325 = arith.constant 0 : i32
      %dma_wait3A_1326 = tpu.memref_slice %arg8[%dma_wait3A_1325] : memref<64xi32, #tpu.memory_space<vmem>> -> memref<64xi32, #tpu.memory_space<vmem>>
      %dma_wait3A_1327 = tpu.memref_slice %arg4[%add3A_1321] : memref<640000xi32, #tpu.memory_space<hbm>> -> memref<64xi32, #tpu.memory_space<hbm>>
      tpu.wait_dma2 semaphore(%arg17 : memref<!tpu.dma_semaphore, #tpu.memory_space<semaphore_mem>>) src(%dma_wait3A_1327 : memref<64xi32, #tpu.memory_space<hbm>>) dst(%dma_wait3A_1326 : memref<64xi32, #tpu.memory_space<vmem>>)
      %add3A_1328 = arith.constant 320000 : i32
      %add3A_1329 = arith.addi %add3A_1328, %mul3A_2 : i32
      %mul3A_1330 = arith.constant 64 : i32
      %mul3A_1331 = arith.muli %mul3A_1318, %mul3A_1330 : i32
      %add3A_1332 = arith.addi %add3A_1329, %mul3A_1331 : i32
      %dma_wait3A_1333 = arith.constant 0 : i32
      %dma_wait3A_1334 = tpu.memref_slice %arg10[%dma_wait3A_1333] : memref<64xi32, #tpu.memory_space<vmem>> -> memref<64xi32, #tpu.memory_space<vmem>>
      %dma_wait3A_1335 = tpu.memref_slice %arg4[%add3A_1332] : memref<640000xi32, #tpu.memory_space<hbm>> -> memref<64xi32, #tpu.memory_space<hbm>>
      %dma_wait3A_1336 = arith.constant 0 : i32
      %dma_wait3A_1337 = tpu.memref_slice %arg10[%dma_wait3A_1336] : memref<64xi32, #tpu.memory_space<vmem>> -> memref<64xi32, #tpu.memory_space<vmem>>
      %dma_wait3A_1338 = tpu.memref_slice %arg4[%add3A_1332] : memref<640000xi32, #tpu.memory_space<hbm>> -> memref<64xi32, #tpu.memory_space<hbm>>
      tpu.wait_dma2 semaphore(%arg19 : memref<!tpu.dma_semaphore, #tpu.memory_space<semaphore_mem>>) src(%dma_wait3A_1338 : memref<64xi32, #tpu.memory_space<hbm>>) dst(%dma_wait3A_1337 : memref<64xi32, #tpu.memory_space<vmem>>)
      %add3A_1339 = arith.constant 1 : i32
      %add3A_1340 = arith.addi %mul3A_1318, %add3A_1339 : i32
      %mul3A_1341 = arith.constant 64 : i32
      %mul3A_1342 = arith.muli %add3A_1340, %mul3A_1341 : i32
      %add3A_1343 = arith.addi %mul3A_2, %mul3A_1342 : i32
      %dma_start3A_1344 = arith.constant 0 : i32
      %dma_start3A_1345 = tpu.memref_slice %arg9[%dma_start3A_1344] : memref<64xi32, #tpu.memory_space<vmem>> -> memref<64xi32, #tpu.memory_space<vmem>>
      %dma_start3A_1346 = tpu.memref_slice %arg4[%add3A_1343] : memref<640000xi32, #tpu.memory_space<hbm>> -> memref<64xi32, #tpu.memory_space<hbm>>
      %dma_start3A_1347 = arith.constant 0 : i32
      %dma_start3A_1348 = tpu.memref_slice %arg9[%dma_start3A_1347] : memref<64xi32, #tpu.memory_space<vmem>> -> memref<64xi32, #tpu.memory_space<vmem>>
      %dma_start3A_1349 = tpu.memref_slice %arg4[%add3A_1343] : memref<640000xi32, #tpu.memory_space<hbm>> -> memref<64xi32, #tpu.memory_space<hbm>>
      tpu.enqueue_dma source(%dma_start3A_1349 : memref<64xi32, #tpu.memory_space<hbm>>) target(%dma_start3A_1348 : memref<64xi32, #tpu.memory_space<vmem>>) target_semaphore(%arg18 : memref<!tpu.dma_semaphore, #tpu.memory_space<semaphore_mem>>)
      %add3A_1350 = arith.constant 1 : i32
      %add3A_1351 = arith.addi %mul3A_1318, %add3A_1350 : i32
      %add3A_1352 = arith.constant 320000 : i32
      %add3A_1353 = arith.addi %add3A_1352, %mul3A_2 : i32
      %mul3A_1354 = arith.constant 64 : i32
      %mul3A_1355 = arith.muli %add3A_1351, %mul3A_1354 : i32
      %add3A_1356 = arith.addi %add3A_1353, %mul3A_1355 : i32
      %dma_start3A_1357 = arith.constant 0 : i32
      %dma_start3A_1358 = tpu.memref_slice %arg11[%dma_start3A_1357] : memref<64xi32, #tpu.memory_space<vmem>> -> memref<64xi32, #tpu.memory_space<vmem>>
      %dma_start3A_1359 = tpu.memref_slice %arg4[%add3A_1356] : memref<640000xi32, #tpu.memory_space<hbm>> -> memref<64xi32, #tpu.memory_space<hbm>>
      %dma_start3A_1360 = arith.constant 0 : i32
      %dma_start3A_1361 = tpu.memref_slice %arg11[%dma_start3A_1360] : memref<64xi32, #tpu.memory_space<vmem>> -> memref<64xi32, #tpu.memory_space<vmem>>
      %dma_start3A_1362 = tpu.memref_slice %arg4[%add3A_1356] : memref<640000xi32, #tpu.memory_space<hbm>> -> memref<64xi32, #tpu.memory_space<hbm>>
      tpu.enqueue_dma source(%dma_start3A_1362 : memref<64xi32, #tpu.memory_space<hbm>>) target(%dma_start3A_1361 : memref<64xi32, #tpu.memory_space<vmem>>) target_semaphore(%arg20 : memref<!tpu.dma_semaphore, #tpu.memory_space<semaphore_mem>>)
      %sub3A_1363 = arith.constant 2 : i32
      %sub3A_1364 = arith.subi %mul3A_1318, %sub3A_1363 : i32
      %mul3A_1365 = arith.constant 64 : i32
      %mul3A_1366 = arith.muli %sub3A_1364, %mul3A_1365 : i32
      %add3A_1367 = arith.addi %mul3A_2, %mul3A_1366 : i32
      %dma_wait3A_1368 = arith.constant 0 : i32
      %dma_wait3A_1369 = arith.constant 0 : i32
      %dma_wait3A_1370 = tpu.memref_slice %arg12[%dma_wait3A_1368, %dma_wait3A_1369] : memref<64x128xf32, #tpu.memory_space<vmem>> -> memref<64x128xf32, #tpu.memory_space<vmem>>
      %dma_wait3A_1371 = arith.constant 0 : i32
      %dma_wait3A_1372 = tpu.memref_slice %arg5[%add3A_1367, %dma_wait3A_1371] : memref<320000x128xf32, #tpu.memory_space<hbm>> -> memref<64x128xf32, #tpu.memory_space<hbm>>
      %dma_wait3A_1373 = arith.constant 0 : i32
      %dma_wait3A_1374 = tpu.memref_slice %arg5[%add3A_1367, %dma_wait3A_1373] : memref<320000x128xf32, #tpu.memory_space<hbm>> -> memref<64x128xf32, #tpu.memory_space<hbm>>
      %dma_wait3A_1375 = arith.constant 0 : i32
      %dma_wait3A_1376 = arith.constant 0 : i32
      %dma_wait3A_1377 = tpu.memref_slice %arg12[%dma_wait3A_1375, %dma_wait3A_1376] : memref<64x128xf32, #tpu.memory_space<vmem>> -> memref<64x128xf32, #tpu.memory_space<vmem>>
      tpu.wait_dma2 semaphore(%arg23 : memref<!tpu.dma_semaphore, #tpu.memory_space<semaphore_mem>>) src(%dma_wait3A_1377 : memref<64x128xf32, #tpu.memory_space<vmem>>) dst(%dma_wait3A_1374 : memref<64x128xf32, #tpu.memory_space<hbm>>)
      %dma_start3A_1378 = arith.constant 0 : i32
      %dma_start3A_1379 = arith.constant 0 : i32
      %dma_start3A_1380 = tpu.memref_slice %arg12[%dma_start3A_1378, %dma_start3A_1379] : memref<64x128xf32, #tpu.memory_space<vmem>> -> memref<64x128xf32, #tpu.memory_space<vmem>>
      %dma_start3A_1381 = arith.constant 0 : i32
      %dma_start3A_1382 = tpu.memref_slice %arg8[%dma_start3A_1381] : memref<64xi32, #tpu.memory_space<vmem>> -> memref<64xi32, #tpu.memory_space<vmem>>
      %dma_start3A_1383 = arith.constant 0 : i32
      %dma_start3A_1384 = arith.constant 0 : i32
      %dma_start3A_1385 = tpu.memref_slice %arg16[%dma_start3A_1383, %dma_start3A_1384] : memref<10000x128xf32, #tpu.memory_space<vmem_shared>> -> memref<10000x128xf32, #tpu.memory_space<vmem_shared>>
      tpu.enqueue_indirect_dma source(%dma_start3A_1385 : memref<10000x128xf32, #tpu.memory_space<vmem_shared>>) target(%dma_start3A_1380 : memref<64x128xf32, #tpu.memory_space<vmem>>) offsets(%dma_start3A_1382 : memref<64xi32, #tpu.memory_space<vmem>>) semaphore(%arg21 : memref<!tpu.dma_semaphore, #tpu.memory_space<semaphore_mem>>)
      %sub3A_1386 = arith.constant 2 : i32
      %sub3A_1387 = arith.subi %mul3A_1318, %sub3A_1386 : i32
      %mul3A_1388 = arith.constant 64 : i32
      %mul3A_1389 = arith.muli %sub3A_1387, %mul3A_1388 : i32
      %add3A_1390 = arith.addi %mul3A_2, %mul3A_1389 : i32
      %dma_wait3A_1391 = arith.constant 0 : i32
      %dma_wait3A_1392 = tpu.memref_slice %arg14[%dma_wait3A_1391] : memref<64xf32, #tpu.memory_space<vmem>> -> memref<64xf32, #tpu.memory_space<vmem>>
      %dma_wait3A_1393 = tpu.memref_slice %arg6[%add3A_1390] : memref<320000xf32, #tpu.memory_space<hbm>> -> memref<64xf32, #tpu.memory_space<hbm>>
      %dma_wait3A_1394 = tpu.memref_slice %arg6[%add3A_1390] : memref<320000xf32, #tpu.memory_space<hbm>> -> memref<64xf32, #tpu.memory_space<hbm>>
      %dma_wait3A_1395 = arith.constant 0 : i32
      %dma_wait3A_1396 = tpu.memref_slice %arg14[%dma_wait3A_1395] : memref<64xf32, #tpu.memory_space<vmem>> -> memref<64xf32, #tpu.memory_space<vmem>>
      tpu.wait_dma2 semaphore(%arg25 : memref<!tpu.dma_semaphore, #tpu.memory_space<semaphore_mem>>) src(%dma_wait3A_1396 : memref<64xf32, #tpu.memory_space<vmem>>) dst(%dma_wait3A_1394 : memref<64xf32, #tpu.memory_space<hbm>>)
      %get3A_1397 = arith.constant 0 : index
      %get3A_1398 = tpu.vector_load %arg8[%get3A_1397] {strides = array<i32>} : memref<64xi32, #tpu.memory_space<vmem>>, vector<16xi32>,
      %mul3A_1399 = arith.constant 3 : i32
      %mul3A_1400 = vector.broadcast %mul3A_1399 : i32 to vector<16xi32>
      %mul3A_1401 = arith.muli %get3A_1398, %mul3A_1400 : vector<16xi32>
      %get3A_1402 = arith.constant 0 : index
      %get3A_1403 = tpu.vector_load %arg10[%get3A_1402] {strides = array<i32>} : memref<64xi32, #tpu.memory_space<vmem>>, vector<16xi32>,
      %mul3A_1404 = arith.constant 3 : i32
      %mul3A_1405 = vector.broadcast %mul3A_1404 : i32 to vector<16xi32>
      %mul3A_1406 = arith.muli %get3A_1403, %mul3A_1405 : vector<16xi32>
      %broadcast_in_dim3A_1407 = arith.constant 9.99999997E-7 : f32
      %broadcast_in_dim3A_1408 = vector.broadcast %broadcast_in_dim3A_1407 : f32 to vector<16xf32>
      %add3A_1409 = arith.constant 0 : i32
      %add3A_1410 = vector.broadcast %add3A_1409 : i32 to vector<16xi32>
      %add3A_1411 = arith.addi %mul3A_1401, %add3A_1410 : vector<16xi32>
      %gather3A_1412 = tpu.vector_load_idx %arg7[%add3A_1411] : memref<30000xf32, #tpu.memory_space<vmem>>[vector<16xi32>], vector<16xf32>,
      %add3A_1413 = arith.constant 0 : i32
      %add3A_1414 = vector.broadcast %add3A_1413 : i32 to vector<16xi32>
      %add3A_1415 = arith.addi %mul3A_1406, %add3A_1414 : vector<16xi32>
      %gather3A_1416 = tpu.vector_load_idx %arg7[%add3A_1415] : memref<30000xf32, #tpu.memory_space<vmem>>[vector<16xi32>], vector<16xf32>,
      %sub3A_1417 = arith.subf %gather3A_1412, %gather3A_1416 : vector<16xf32>
      %mul3A_1418 = arith.mulf %sub3A_1417, %sub3A_1417 : vector<16xf32>
      %add3A_1419 = arith.addf %broadcast_in_dim3A_1408, %mul3A_1418 : vector<16xf32>
      %add3A_1420 = arith.constant 1 : i32
      %add3A_1421 = vector.broadcast %add3A_1420 : i32 to vector<16xi32>
      %add3A_1422 = arith.addi %mul3A_1401, %add3A_1421 : vector<16xi32>
      %gather3A_1423 = tpu.vector_load_idx %arg7[%add3A_1422] : memref<30000xf32, #tpu.memory_space<vmem>>[vector<16xi32>], vector<16xf32>,
      %add3A_1424 = arith.constant 1 : i32
      %add3A_1425 = vector.broadcast %add3A_1424 : i32 to vector<16xi32>
      %add3A_1426 = arith.addi %mul3A_1406, %add3A_1425 : vector<16xi32>
      %gather3A_1427 = tpu.vector_load_idx %arg7[%add3A_1426] : memref<30000xf32, #tpu.memory_space<vmem>>[vector<16xi32>], vector<16xf32>,
      %sub3A_1428 = arith.subf %gather3A_1423, %gather3A_1427 : vector<16xf32>
      %mul3A_1429 = arith.mulf %sub3A_1428, %sub3A_1428 : vector<16xf32>
      %add3A_1430 = arith.addf %add3A_1419, %mul3A_1429 : vector<16xf32>
      %add3A_1431 = arith.constant 2 : i32
      %add3A_1432 = vector.broadcast %add3A_1431 : i32 to vector<16xi32>
      %add3A_1433 = arith.addi %mul3A_1401, %add3A_1432 : vector<16xi32>
      %gather3A_1434 = tpu.vector_load_idx %arg7[%add3A_1433] : memref<30000xf32, #tpu.memory_space<vmem>>[vector<16xi32>], vector<16xf32>,
      %add3A_1435 = arith.constant 2 : i32
      %add3A_1436 = vector.broadcast %add3A_1435 : i32 to vector<16xi32>
      %add3A_1437 = arith.addi %mul3A_1406, %add3A_1436 : vector<16xi32>
      %gather3A_1438 = tpu.vector_load_idx %arg7[%add3A_1437] : memref<30000xf32, #tpu.memory_space<vmem>>[vector<16xi32>], vector<16xf32>,
      %sub3A_1439 = arith.subf %gather3A_1434, %gather3A_1438 : vector<16xf32>
      %mul3A_1440 = arith.mulf %sub3A_1439, %sub3A_1439 : vector<16xf32>
      %add3A_1441 = arith.addf %add3A_1430, %mul3A_1440 : vector<16xf32>
      %div3A_1442 = arith.constant 1.000000e+00 : f32
      %div3A_1443 = vector.broadcast %div3A_1442 : f32 to vector<16xf32>
      %div3A_1444 = arith.divf %div3A_1443, %add3A_1441 : vector<16xf32>
      %swap3A_1445 = arith.constant 0 : index
      %swap3A_1446 = tpu.vector_load %arg14[%swap3A_1445] {strides = array<i32>} : memref<64xf32, #tpu.memory_space<vmem>>, vector<16xf32>,
      tpu.vector_store %arg14[%swap3A_1445], %div3A_1444 {strides = array<i32>} : memref<64xf32, #tpu.memory_space<vmem>>, vector<16xf32>,
      %get3A_1447 = arith.constant 16 : index
      %get3A_1448 = tpu.vector_load %arg8[%get3A_1447] {strides = array<i32>} : memref<64xi32, #tpu.memory_space<vmem>>, vector<16xi32>,
      %mul3A_1449 = arith.constant 3 : i32
      %mul3A_1450 = vector.broadcast %mul3A_1449 : i32 to vector<16xi32>
      %mul3A_1451 = arith.muli %get3A_1448, %mul3A_1450 : vector<16xi32>
      %get3A_1452 = arith.constant 16 : index
      %get3A_1453 = tpu.vector_load %arg10[%get3A_1452] {strides = array<i32>} : memref<64xi32, #tpu.memory_space<vmem>>, vector<16xi32>,
      %mul3A_1454 = arith.constant 3 : i32
      %mul3A_1455 = vector.broadcast %mul3A_1454 : i32 to vector<16xi32>
      %mul3A_1456 = arith.muli %get3A_1453, %mul3A_1455 : vector<16xi32>
      %broadcast_in_dim3A_1457 = arith.constant 9.99999997E-7 : f32
      %broadcast_in_dim3A_1458 = vector.broadcast %broadcast_in_dim3A_1457 : f32 to vector<16xf32>
      %add3A_1459 = arith.constant 0 : i32
      %add3A_1460 = vector.broadcast %add3A_1459 : i32 to vector<16xi32>
      %add3A_1461 = arith.addi %mul3A_1451, %add3A_1460 : vector<16xi32>
      %gather3A_1462 = tpu.vector_load_idx %arg7[%add3A_1461] : memref<30000xf32, #tpu.memory_space<vmem>>[vector<16xi32>], vector<16xf32>,
      %add3A_1463 = arith.constant 0 : i32
      %add3A_1464 = vector.broadcast %add3A_1463 : i32 to vector<16xi32>
      %add3A_1465 = arith.addi %mul3A_1456, %add3A_1464 : vector<16xi32>
      %gather3A_1466 = tpu.vector_load_idx %arg7[%add3A_1465] : memref<30000xf32, #tpu.memory_space<vmem>>[vector<16xi32>], vector<16xf32>,
      %sub3A_1467 = arith.subf %gather3A_1462, %gather3A_1466 : vector<16xf32>
      %mul3A_1468 = arith.mulf %sub3A_1467, %sub3A_1467 : vector<16xf32>
      %add3A_1469 = arith.addf %broadcast_in_dim3A_1458, %mul3A_1468 : vector<16xf32>
      %add3A_1470 = arith.constant 1 : i32
      %add3A_1471 = vector.broadcast %add3A_1470 : i32 to vector<16xi32>
      %add3A_1472 = arith.addi %mul3A_1451, %add3A_1471 : vector<16xi32>
      %gather3A_1473 = tpu.vector_load_idx %arg7[%add3A_1472] : memref<30000xf32, #tpu.memory_space<vmem>>[vector<16xi32>], vector<16xf32>,
      %add3A_1474 = arith.constant 1 : i32
      %add3A_1475 = vector.broadcast %add3A_1474 : i32 to vector<16xi32>
      %add3A_1476 = arith.addi %mul3A_1456, %add3A_1475 : vector<16xi32>
      %gather3A_1477 = tpu.vector_load_idx %arg7[%add3A_1476] : memref<30000xf32, #tpu.memory_space<vmem>>[vector<16xi32>], vector<16xf32>,
      %sub3A_1478 = arith.subf %gather3A_1473, %gather3A_1477 : vector<16xf32>
      %mul3A_1479 = arith.mulf %sub3A_1478, %sub3A_1478 : vector<16xf32>
      %add3A_1480 = arith.addf %add3A_1469, %mul3A_1479 : vector<16xf32>
      %add3A_1481 = arith.constant 2 : i32
      %add3A_1482 = vector.broadcast %add3A_1481 : i32 to vector<16xi32>
      %add3A_1483 = arith.addi %mul3A_1451, %add3A_1482 : vector<16xi32>
      %gather3A_1484 = tpu.vector_load_idx %arg7[%add3A_1483] : memref<30000xf32, #tpu.memory_space<vmem>>[vector<16xi32>], vector<16xf32>,
      %add3A_1485 = arith.constant 2 : i32
      %add3A_1486 = vector.broadcast %add3A_1485 : i32 to vector<16xi32>
      %add3A_1487 = arith.addi %mul3A_1456, %add3A_1486 : vector<16xi32>
      %gather3A_1488 = tpu.vector_load_idx %arg7[%add3A_1487] : memref<30000xf32, #tpu.memory_space<vmem>>[vector<16xi32>], vector<16xf32>,
      %sub3A_1489 = arith.subf %gather3A_1484, %gather3A_1488 : vector<16xf32>
      %mul3A_1490 = arith.mulf %sub3A_1489, %sub3A_1489 : vector<16xf32>
      %add3A_1491 = arith.addf %add3A_1480, %mul3A_1490 : vector<16xf32>
      %div3A_1492 = arith.constant 1.000000e+00 : f32
      %div3A_1493 = vector.broadcast %div3A_1492 : f32 to vector<16xf32>
      %div3A_1494 = arith.divf %div3A_1493, %add3A_1491 : vector<16xf32>
      %swap3A_1495 = arith.constant 16 : index
      %swap3A_1496 = tpu.vector_load %arg14[%swap3A_1495] {strides = array<i32>} : memref<64xf32, #tpu.memory_space<vmem>>, vector<16xf32>,
      tpu.vector_store %arg14[%swap3A_1495], %div3A_1494 {strides = array<i32>} : memref<64xf32, #tpu.memory_space<vmem>>, vector<16xf32>,
      %get3A_1497 = arith.constant 32 : index
      %get3A_1498 = tpu.vector_load %arg8[%get3A_1497] {strides = array<i32>} : memref<64xi32, #tpu.memory_space<vmem>>, vector<16xi32>,
      %mul3A_1499 = arith.constant 3 : i32
      %mul3A_1500 = vector.broadcast %mul3A_1499 : i32 to vector<16xi32>
      %mul3A_1501 = arith.muli %get3A_1498, %mul3A_1500 : vector<16xi32>
      %get3A_1502 = arith.constant 32 : index
      %get3A_1503 = tpu.vector_load %arg10[%get3A_1502] {strides = array<i32>} : memref<64xi32, #tpu.memory_space<vmem>>, vector<16xi32>,
      %mul3A_1504 = arith.constant 3 : i32
      %mul3A_1505 = vector.broadcast %mul3A_1504 : i32 to vector<16xi32>
      %mul3A_1506 = arith.muli %get3A_1503, %mul3A_1505 : vector<16xi32>
      %broadcast_in_dim3A_1507 = arith.constant 9.99999997E-7 : f32
      %broadcast_in_dim3A_1508 = vector.broadcast %broadcast_in_dim3A_1507 : f32 to vector<16xf32>
      %add3A_1509 = arith.constant 0 : i32
      %add3A_1510 = vector.broadcast %add3A_1509 : i32 to vector<16xi32>
      %add3A_1511 = arith.addi %mul3A_1501, %add3A_1510 : vector<16xi32>
      %gather3A_1512 = tpu.vector_load_idx %arg7[%add3A_1511] : memref<30000xf32, #tpu.memory_space<vmem>>[vector<16xi32>], vector<16xf32>,
      %add3A_1513 = arith.constant 0 : i32
      %add3A_1514 = vector.broadcast %add3A_1513 : i32 to vector<16xi32>
      %add3A_1515 = arith.addi %mul3A_1506, %add3A_1514 : vector<16xi32>
      %gather3A_1516 = tpu.vector_load_idx %arg7[%add3A_1515] : memref<30000xf32, #tpu.memory_space<vmem>>[vector<16xi32>], vector<16xf32>,
      %sub3A_1517 = arith.subf %gather3A_1512, %gather3A_1516 : vector<16xf32>
      %mul3A_1518 = arith.mulf %sub3A_1517, %sub3A_1517 : vector<16xf32>
      %add3A_1519 = arith.addf %broadcast_in_dim3A_1508, %mul3A_1518 : vector<16xf32>
      %add3A_1520 = arith.constant 1 : i32
      %add3A_1521 = vector.broadcast %add3A_1520 : i32 to vector<16xi32>
      %add3A_1522 = arith.addi %mul3A_1501, %add3A_1521 : vector<16xi32>
      %gather3A_1523 = tpu.vector_load_idx %arg7[%add3A_1522] : memref<30000xf32, #tpu.memory_space<vmem>>[vector<16xi32>], vector<16xf32>,
      %add3A_1524 = arith.constant 1 : i32
      %add3A_1525 = vector.broadcast %add3A_1524 : i32 to vector<16xi32>
      %add3A_1526 = arith.addi %mul3A_1506, %add3A_1525 : vector<16xi32>
      %gather3A_1527 = tpu.vector_load_idx %arg7[%add3A_1526] : memref<30000xf32, #tpu.memory_space<vmem>>[vector<16xi32>], vector<16xf32>,
      %sub3A_1528 = arith.subf %gather3A_1523, %gather3A_1527 : vector<16xf32>
      %mul3A_1529 = arith.mulf %sub3A_1528, %sub3A_1528 : vector<16xf32>
      %add3A_1530 = arith.addf %add3A_1519, %mul3A_1529 : vector<16xf32>
      %add3A_1531 = arith.constant 2 : i32
      %add3A_1532 = vector.broadcast %add3A_1531 : i32 to vector<16xi32>
      %add3A_1533 = arith.addi %mul3A_1501, %add3A_1532 : vector<16xi32>
      %gather3A_1534 = tpu.vector_load_idx %arg7[%add3A_1533] : memref<30000xf32, #tpu.memory_space<vmem>>[vector<16xi32>], vector<16xf32>,
      %add3A_1535 = arith.constant 2 : i32
      %add3A_1536 = vector.broadcast %add3A_1535 : i32 to vector<16xi32>
      %add3A_1537 = arith.addi %mul3A_1506, %add3A_1536 : vector<16xi32>
      %gather3A_1538 = tpu.vector_load_idx %arg7[%add3A_1537] : memref<30000xf32, #tpu.memory_space<vmem>>[vector<16xi32>], vector<16xf32>,
      %sub3A_1539 = arith.subf %gather3A_1534, %gather3A_1538 : vector<16xf32>
      %mul3A_1540 = arith.mulf %sub3A_1539, %sub3A_1539 : vector<16xf32>
      %add3A_1541 = arith.addf %add3A_1530, %mul3A_1540 : vector<16xf32>
      %div3A_1542 = arith.constant 1.000000e+00 : f32
      %div3A_1543 = vector.broadcast %div3A_1542 : f32 to vector<16xf32>
      %div3A_1544 = arith.divf %div3A_1543, %add3A_1541 : vector<16xf32>
      %swap3A_1545 = arith.constant 32 : index
      %swap3A_1546 = tpu.vector_load %arg14[%swap3A_1545] {strides = array<i32>} : memref<64xf32, #tpu.memory_space<vmem>>, vector<16xf32>,
      tpu.vector_store %arg14[%swap3A_1545], %div3A_1544 {strides = array<i32>} : memref<64xf32, #tpu.memory_space<vmem>>, vector<16xf32>,
      %get3A_1547 = arith.constant 48 : index
      %get3A_1548 = tpu.vector_load %arg8[%get3A_1547] {strides = array<i32>} : memref<64xi32, #tpu.memory_space<vmem>>, vector<16xi32>,
      %mul3A_1549 = arith.constant 3 : i32
      %mul3A_1550 = vector.broadcast %mul3A_1549 : i32 to vector<16xi32>
      %mul3A_1551 = arith.muli %get3A_1548, %mul3A_1550 : vector<16xi32>
      %get3A_1552 = arith.constant 48 : index
      %get3A_1553 = tpu.vector_load %arg10[%get3A_1552] {strides = array<i32>} : memref<64xi32, #tpu.memory_space<vmem>>, vector<16xi32>,
      %mul3A_1554 = arith.constant 3 : i32
      %mul3A_1555 = vector.broadcast %mul3A_1554 : i32 to vector<16xi32>
      %mul3A_1556 = arith.muli %get3A_1553, %mul3A_1555 : vector<16xi32>
      %broadcast_in_dim3A_1557 = arith.constant 9.99999997E-7 : f32
      %broadcast_in_dim3A_1558 = vector.broadcast %broadcast_in_dim3A_1557 : f32 to vector<16xf32>
      %add3A_1559 = arith.constant 0 : i32
      %add3A_1560 = vector.broadcast %add3A_1559 : i32 to vector<16xi32>
      %add3A_1561 = arith.addi %mul3A_1551, %add3A_1560 : vector<16xi32>
      %gather3A_1562 = tpu.vector_load_idx %arg7[%add3A_1561] : memref<30000xf32, #tpu.memory_space<vmem>>[vector<16xi32>], vector<16xf32>,
      %add3A_1563 = arith.constant 0 : i32
      %add3A_1564 = vector.broadcast %add3A_1563 : i32 to vector<16xi32>
      %add3A_1565 = arith.addi %mul3A_1556, %add3A_1564 : vector<16xi32>
      %gather3A_1566 = tpu.vector_load_idx %arg7[%add3A_1565] : memref<30000xf32, #tpu.memory_space<vmem>>[vector<16xi32>], vector<16xf32>,
      %sub3A_1567 = arith.subf %gather3A_1562, %gather3A_1566 : vector<16xf32>
      %mul3A_1568 = arith.mulf %sub3A_1567, %sub3A_1567 : vector<16xf32>
      %add3A_1569 = arith.addf %broadcast_in_dim3A_1558, %mul3A_1568 : vector<16xf32>
      %add3A_1570 = arith.constant 1 : i32
      %add3A_1571 = vector.broadcast %add3A_1570 : i32 to vector<16xi32>
      %add3A_1572 = arith.addi %mul3A_1551, %add3A_1571 : vector<16xi32>
      %gather3A_1573 = tpu.vector_load_idx %arg7[%add3A_1572] : memref<30000xf32, #tpu.memory_space<vmem>>[vector<16xi32>], vector<16xf32>,
      %add3A_1574 = arith.constant 1 : i32
      %add3A_1575 = vector.broadcast %add3A_1574 : i32 to vector<16xi32>
      %add3A_1576 = arith.addi %mul3A_1556, %add3A_1575 : vector<16xi32>
      %gather3A_1577 = tpu.vector_load_idx %arg7[%add3A_1576] : memref<30000xf32, #tpu.memory_space<vmem>>[vector<16xi32>], vector<16xf32>,
      %sub3A_1578 = arith.subf %gather3A_1573, %gather3A_1577 : vector<16xf32>
      %mul3A_1579 = arith.mulf %sub3A_1578, %sub3A_1578 : vector<16xf32>
      %add3A_1580 = arith.addf %add3A_1569, %mul3A_1579 : vector<16xf32>
      %add3A_1581 = arith.constant 2 : i32
      %add3A_1582 = vector.broadcast %add3A_1581 : i32 to vector<16xi32>
      %add3A_1583 = arith.addi %mul3A_1551, %add3A_1582 : vector<16xi32>
      %gather3A_1584 = tpu.vector_load_idx %arg7[%add3A_1583] : memref<30000xf32, #tpu.memory_space<vmem>>[vector<16xi32>], vector<16xf32>,
      %add3A_1585 = arith.constant 2 : i32
      %add3A_1586 = vector.broadcast %add3A_1585 : i32 to vector<16xi32>
      %add3A_1587 = arith.addi %mul3A_1556, %add3A_1586 : vector<16xi32>
      %gather3A_1588 = tpu.vector_load_idx %arg7[%add3A_1587] : memref<30000xf32, #tpu.memory_space<vmem>>[vector<16xi32>], vector<16xf32>,
      %sub3A_1589 = arith.subf %gather3A_1584, %gather3A_1588 : vector<16xf32>
      %mul3A_1590 = arith.mulf %sub3A_1589, %sub3A_1589 : vector<16xf32>
      %add3A_1591 = arith.addf %add3A_1580, %mul3A_1590 : vector<16xf32>
      %div3A_1592 = arith.constant 1.000000e+00 : f32
      %div3A_1593 = vector.broadcast %div3A_1592 : f32 to vector<16xf32>
      %div3A_1594 = arith.divf %div3A_1593, %add3A_1591 : vector<16xf32>
      %swap3A_1595 = arith.constant 48 : index
      %swap3A_1596 = tpu.vector_load %arg14[%swap3A_1595] {strides = array<i32>} : memref<64xf32, #tpu.memory_space<vmem>>, vector<16xf32>,
      tpu.vector_store %arg14[%swap3A_1595], %div3A_1594 {strides = array<i32>} : memref<64xf32, #tpu.memory_space<vmem>>, vector<16xf32>,
      %mul3A_1597 = arith.constant 64 : i32
      %mul3A_1598 = arith.muli %mul3A_1318, %mul3A_1597 : i32
      %add3A_1599 = arith.addi %mul3A_2, %mul3A_1598 : i32
      %dma_start3A_1600 = arith.constant 0 : i32
      %dma_start3A_1601 = tpu.memref_slice %arg14[%dma_start3A_1600] : memref<64xf32, #tpu.memory_space<vmem>> -> memref<64xf32, #tpu.memory_space<vmem>>
      %dma_start3A_1602 = tpu.memref_slice %arg6[%add3A_1599] : memref<320000xf32, #tpu.memory_space<hbm>> -> memref<64xf32, #tpu.memory_space<hbm>>
      %dma_start3A_1603 = tpu.memref_slice %arg6[%add3A_1599] : memref<320000xf32, #tpu.memory_space<hbm>> -> memref<64xf32, #tpu.memory_space<hbm>>
      %dma_start3A_1604 = arith.constant 0 : i32
      %dma_start3A_1605 = tpu.memref_slice %arg14[%dma_start3A_1604] : memref<64xf32, #tpu.memory_space<vmem>> -> memref<64xf32, #tpu.memory_space<vmem>>
      tpu.enqueue_dma source(%dma_start3A_1605 : memref<64xf32, #tpu.memory_space<vmem>>) target(%dma_start3A_1603 : memref<64xf32, #tpu.memory_space<hbm>>) target_semaphore(%arg25 : memref<!tpu.dma_semaphore, #tpu.memory_space<semaphore_mem>>)
      %dma_wait3A_1606 = arith.constant 0 : i32
      %dma_wait3A_1607 = arith.constant 0 : i32
      %dma_wait3A_1608 = tpu.memref_slice %arg12[%dma_wait3A_1606, %dma_wait3A_1607] : memref<64x128xf32, #tpu.memory_space<vmem>> -> memref<64x128xf32, #tpu.memory_space<vmem>>
      %dma_wait3A_1609 = arith.constant 0 : i32
      %dma_wait3A_1610 = tpu.memref_slice %arg8[%dma_wait3A_1609] : memref<64xi32, #tpu.memory_space<vmem>> -> memref<64xi32, #tpu.memory_space<vmem>>
      %dma_wait3A_1611 = arith.constant 0 : i32
      %dma_wait3A_1612 = arith.constant 0 : i32
      %dma_wait3A_1613 = tpu.memref_slice %arg16[%dma_wait3A_1611, %dma_wait3A_1612] : memref<10000x128xf32, #tpu.memory_space<vmem_shared>> -> memref<10000x128xf32, #tpu.memory_space<vmem_shared>>
      tpu.wait_indirect_dma semaphore(%arg21 : memref<!tpu.dma_semaphore, #tpu.memory_space<semaphore_mem>>) src(%dma_wait3A_1613 : memref<10000x128xf32, #tpu.memory_space<vmem_shared>>) dst(%dma_wait3A_1608 : memref<64x128xf32, #tpu.memory_space<vmem>>)
      %mul3A_1614 = arith.constant 64 : i32
      %mul3A_1615 = arith.muli %mul3A_1318, %mul3A_1614 : i32
      %add3A_1616 = arith.addi %mul3A_2, %mul3A_1615 : i32
      %dma_start3A_1617 = arith.constant 0 : i32
      %dma_start3A_1618 = arith.constant 0 : i32
      %dma_start3A_1619 = tpu.memref_slice %arg12[%dma_start3A_1617, %dma_start3A_1618] : memref<64x128xf32, #tpu.memory_space<vmem>> -> memref<64x128xf32, #tpu.memory_space<vmem>>
      %dma_start3A_1620 = arith.constant 0 : i32
      %dma_start3A_1621 = tpu.memref_slice %arg5[%add3A_1616, %dma_start3A_1620] : memref<320000x128xf32, #tpu.memory_space<hbm>> -> memref<64x128xf32, #tpu.memory_space<hbm>>
      %dma_start3A_1622 = arith.constant 0 : i32
      %dma_start3A_1623 = tpu.memref_slice %arg5[%add3A_1616, %dma_start3A_1622] : memref<320000x128xf32, #tpu.memory_space<hbm>> -> memref<64x128xf32, #tpu.memory_space<hbm>>
      %dma_start3A_1624 = arith.constant 0 : i32
      %dma_start3A_1625 = arith.constant 0 : i32
      %dma_start3A_1626 = tpu.memref_slice %arg12[%dma_start3A_1624, %dma_start3A_1625] : memref<64x128xf32, #tpu.memory_space<vmem>> -> memref<64x128xf32, #tpu.memory_space<vmem>>
      tpu.enqueue_dma source(%dma_start3A_1626 : memref<64x128xf32, #tpu.memory_space<vmem>>) target(%dma_start3A_1623 : memref<64x128xf32, #tpu.memory_space<hbm>>) target_semaphore(%arg23 : memref<!tpu.dma_semaphore, #tpu.memory_space<semaphore_mem>>)
      %add3A_1627 = arith.constant 1 : i32
      %add3A_1628 = arith.addi %mul3A_1318, %add3A_1627 : i32
      %mul3A_1629 = arith.constant 64 : i32
      %mul3A_1630 = arith.muli %add3A_1628, %mul3A_1629 : i32
      %add3A_1631 = arith.addi %mul3A_2, %mul3A_1630 : i32
      %dma_wait3A_1632 = arith.constant 0 : i32
      %dma_wait3A_1633 = tpu.memref_slice %arg9[%dma_wait3A_1632] : memref<64xi32, #tpu.memory_space<vmem>> -> memref<64xi32, #tpu.memory_space<vmem>>
      %dma_wait3A_1634 = tpu.memref_slice %arg4[%add3A_1631] : memref<640000xi32, #tpu.memory_space<hbm>> -> memref<64xi32, #tpu.memory_space<hbm>>
      %dma_wait3A_1635 = arith.constant 0 : i32
      %dma_wait3A_1636 = tpu.memref_slice %arg9[%dma_wait3A_1635] : memref<64xi32, #tpu.memory_space<vmem>> -> memref<64xi32, #tpu.memory_space<vmem>>
      %dma_wait3A_1637 = tpu.memref_slice %arg4[%add3A_1631] : memref<640000xi32, #tpu.memory_space<hbm>> -> memref<64xi32, #tpu.memory_space<hbm>>
      tpu.wait_dma2 semaphore(%arg18 : memref<!tpu.dma_semaphore, #tpu.memory_space<semaphore_mem>>) src(%dma_wait3A_1637 : memref<64xi32, #tpu.memory_space<hbm>>) dst(%dma_wait3A_1636 : memref<64xi32, #tpu.memory_space<vmem>>)
      %add3A_1638 = arith.constant 320000 : i32
      %add3A_1639 = arith.addi %add3A_1638, %mul3A_2 : i32
      %mul3A_1640 = arith.constant 64 : i32
      %mul3A_1641 = arith.muli %add3A_1628, %mul3A_1640 : i32
      %add3A_1642 = arith.addi %add3A_1639, %mul3A_1641 : i32
      %dma_wait3A_1643 = arith.constant 0 : i32
      %dma_wait3A_1644 = tpu.memref_slice %arg11[%dma_wait3A_1643] : memref<64xi32, #tpu.memory_space<vmem>> -> memref<64xi32, #tpu.memory_space<vmem>>
      %dma_wait3A_1645 = tpu.memref_slice %arg4[%add3A_1642] : memref<640000xi32, #tpu.memory_space<hbm>> -> memref<64xi32, #tpu.memory_space<hbm>>
      %dma_wait3A_1646 = arith.constant 0 : i32
      %dma_wait3A_1647 = tpu.memref_slice %arg11[%dma_wait3A_1646] : memref<64xi32, #tpu.memory_space<vmem>> -> memref<64xi32, #tpu.memory_space<vmem>>
      %dma_wait3A_1648 = tpu.memref_slice %arg4[%add3A_1642] : memref<640000xi32, #tpu.memory_space<hbm>> -> memref<64xi32, #tpu.memory_space<hbm>>
      tpu.wait_dma2 semaphore(%arg20 : memref<!tpu.dma_semaphore, #tpu.memory_space<semaphore_mem>>) src(%dma_wait3A_1648 : memref<64xi32, #tpu.memory_space<hbm>>) dst(%dma_wait3A_1647 : memref<64xi32, #tpu.memory_space<vmem>>)
      %add3A_1649 = arith.constant 1 : i32
      %add3A_1650 = arith.addi %add3A_1628, %add3A_1649 : i32
      %mul3A_1651 = arith.constant 64 : i32
      %mul3A_1652 = arith.muli %add3A_1650, %mul3A_1651 : i32
      %add3A_1653 = arith.addi %mul3A_2, %mul3A_1652 : i32
      %dma_start3A_1654 = arith.constant 0 : i32
      %dma_start3A_1655 = tpu.memref_slice %arg8[%dma_start3A_1654] : memref<64xi32, #tpu.memory_space<vmem>> -> memref<64xi32, #tpu.memory_space<vmem>>
      %dma_start3A_1656 = tpu.memref_slice %arg4[%add3A_1653] : memref<640000xi32, #tpu.memory_space<hbm>> -> memref<64xi32, #tpu.memory_space<hbm>>
      %dma_start3A_1657 = arith.constant 0 : i32
      %dma_start3A_1658 = tpu.memref_slice %arg8[%dma_start3A_1657] : memref<64xi32, #tpu.memory_space<vmem>> -> memref<64xi32, #tpu.memory_space<vmem>>
      %dma_start3A_1659 = tpu.memref_slice %arg4[%add3A_1653] : memref<640000xi32, #tpu.memory_space<hbm>> -> memref<64xi32, #tpu.memory_space<hbm>>
      tpu.enqueue_dma source(%dma_start3A_1659 : memref<64xi32, #tpu.memory_space<hbm>>) target(%dma_start3A_1658 : memref<64xi32, #tpu.memory_space<vmem>>) target_semaphore(%arg17 : memref<!tpu.dma_semaphore, #tpu.memory_space<semaphore_mem>>)
      %add3A_1660 = arith.constant 1 : i32
      %add3A_1661 = arith.addi %add3A_1628, %add3A_1660 : i32
      %add3A_1662 = arith.constant 320000 : i32
      %add3A_1663 = arith.addi %add3A_1662, %mul3A_2 : i32
      %mul3A_1664 = arith.constant 64 : i32
      %mul3A_1665 = arith.muli %add3A_1661, %mul3A_1664 : i32
      %add3A_1666 = arith.addi %add3A_1663, %mul3A_1665 : i32
      %dma_start3A_1667 = arith.constant 0 : i32
      %dma_start3A_1668 = tpu.memref_slice %arg10[%dma_start3A_1667] : memref<64xi32, #tpu.memory_space<vmem>> -> memref<64xi32, #tpu.memory_space<vmem>>
      %dma_start3A_1669 = tpu.memref_slice %arg4[%add3A_1666] : memref<640000xi32, #tpu.memory_space<hbm>> -> memref<64xi32, #tpu.memory_space<hbm>>
      %dma_start3A_1670 = arith.constant 0 : i32
      %dma_start3A_1671 = tpu.memref_slice %arg10[%dma_start3A_1670] : memref<64xi32, #tpu.memory_space<vmem>> -> memref<64xi32, #tpu.memory_space<vmem>>
      %dma_start3A_1672 = tpu.memref_slice %arg4[%add3A_1666] : memref<640000xi32, #tpu.memory_space<hbm>> -> memref<64xi32, #tpu.memory_space<hbm>>
      tpu.enqueue_dma source(%dma_start3A_1672 : memref<64xi32, #tpu.memory_space<hbm>>) target(%dma_start3A_1671 : memref<64xi32, #tpu.memory_space<vmem>>) target_semaphore(%arg19 : memref<!tpu.dma_semaphore, #tpu.memory_space<semaphore_mem>>)
      %sub3A_1673 = arith.constant 2 : i32
      %sub3A_1674 = arith.subi %add3A_1628, %sub3A_1673 : i32
      %mul3A_1675 = arith.constant 64 : i32
      %mul3A_1676 = arith.muli %sub3A_1674, %mul3A_1675 : i32
      %add3A_1677 = arith.addi %mul3A_2, %mul3A_1676 : i32
      %dma_wait3A_1678 = arith.constant 0 : i32
      %dma_wait3A_1679 = arith.constant 0 : i32
      %dma_wait3A_1680 = tpu.memref_slice %arg13[%dma_wait3A_1678, %dma_wait3A_1679] : memref<64x128xf32, #tpu.memory_space<vmem>> -> memref<64x128xf32, #tpu.memory_space<vmem>>
      %dma_wait3A_1681 = arith.constant 0 : i32
      %dma_wait3A_1682 = tpu.memref_slice %arg5[%add3A_1677, %dma_wait3A_1681] : memref<320000x128xf32, #tpu.memory_space<hbm>> -> memref<64x128xf32, #tpu.memory_space<hbm>>
      %dma_wait3A_1683 = arith.constant 0 : i32
      %dma_wait3A_1684 = tpu.memref_slice %arg5[%add3A_1677, %dma_wait3A_1683] : memref<320000x128xf32, #tpu.memory_space<hbm>> -> memref<64x128xf32, #tpu.memory_space<hbm>>
      %dma_wait3A_1685 = arith.constant 0 : i32
      %dma_wait3A_1686 = arith.constant 0 : i32
      %dma_wait3A_1687 = tpu.memref_slice %arg13[%dma_wait3A_1685, %dma_wait3A_1686] : memref<64x128xf32, #tpu.memory_space<vmem>> -> memref<64x128xf32, #tpu.memory_space<vmem>>
      tpu.wait_dma2 semaphore(%arg24 : memref<!tpu.dma_semaphore, #tpu.memory_space<semaphore_mem>>) src(%dma_wait3A_1687 : memref<64x128xf32, #tpu.memory_space<vmem>>) dst(%dma_wait3A_1684 : memref<64x128xf32, #tpu.memory_space<hbm>>)
      %dma_start3A_1688 = arith.constant 0 : i32
      %dma_start3A_1689 = arith.constant 0 : i32
      %dma_start3A_1690 = tpu.memref_slice %arg13[%dma_start3A_1688, %dma_start3A_1689] : memref<64x128xf32, #tpu.memory_space<vmem>> -> memref<64x128xf32, #tpu.memory_space<vmem>>
      %dma_start3A_1691 = arith.constant 0 : i32
      %dma_start3A_1692 = tpu.memref_slice %arg9[%dma_start3A_1691] : memref<64xi32, #tpu.memory_space<vmem>> -> memref<64xi32, #tpu.memory_space<vmem>>
      %dma_start3A_1693 = arith.constant 0 : i32
      %dma_start3A_1694 = arith.constant 0 : i32
      %dma_start3A_1695 = tpu.memref_slice %arg16[%dma_start3A_1693, %dma_start3A_1694] : memref<10000x128xf32, #tpu.memory_space<vmem_shared>> -> memref<10000x128xf32, #tpu.memory_space<vmem_shared>>
      tpu.enqueue_indirect_dma source(%dma_start3A_1695 : memref<10000x128xf32, #tpu.memory_space<vmem_shared>>) target(%dma_start3A_1690 : memref<64x128xf32, #tpu.memory_space<vmem>>) offsets(%dma_start3A_1692 : memref<64xi32, #tpu.memory_space<vmem>>) semaphore(%arg22 : memref<!tpu.dma_semaphore, #tpu.memory_space<semaphore_mem>>)
      %sub3A_1696 = arith.constant 2 : i32
      %sub3A_1697 = arith.subi %add3A_1628, %sub3A_1696 : i32
      %mul3A_1698 = arith.constant 64 : i32
      %mul3A_1699 = arith.muli %sub3A_1697, %mul3A_1698 : i32
      %add3A_1700 = arith.addi %mul3A_2, %mul3A_1699 : i32
      %dma_wait3A_1701 = arith.constant 0 : i32
      %dma_wait3A_1702 = tpu.memref_slice %arg15[%dma_wait3A_1701] : memref<64xf32, #tpu.memory_space<vmem>> -> memref<64xf32, #tpu.memory_space<vmem>>
      %dma_wait3A_1703 = tpu.memref_slice %arg6[%add3A_1700] : memref<320000xf32, #tpu.memory_space<hbm>> -> memref<64xf32, #tpu.memory_space<hbm>>
      %dma_wait3A_1704 = tpu.memref_slice %arg6[%add3A_1700] : memref<320000xf32, #tpu.memory_space<hbm>> -> memref<64xf32, #tpu.memory_space<hbm>>
      %dma_wait3A_1705 = arith.constant 0 : i32
      %dma_wait3A_1706 = tpu.memref_slice %arg15[%dma_wait3A_1705] : memref<64xf32, #tpu.memory_space<vmem>> -> memref<64xf32, #tpu.memory_space<vmem>>
      tpu.wait_dma2 semaphore(%arg26 : memref<!tpu.dma_semaphore, #tpu.memory_space<semaphore_mem>>) src(%dma_wait3A_1706 : memref<64xf32, #tpu.memory_space<vmem>>) dst(%dma_wait3A_1704 : memref<64xf32, #tpu.memory_space<hbm>>)
      %get3A_1707 = arith.constant 0 : index
      %get3A_1708 = tpu.vector_load %arg9[%get3A_1707] {strides = array<i32>} : memref<64xi32, #tpu.memory_space<vmem>>, vector<16xi32>,
      %mul3A_1709 = arith.constant 3 : i32
      %mul3A_1710 = vector.broadcast %mul3A_1709 : i32 to vector<16xi32>
      %mul3A_1711 = arith.muli %get3A_1708, %mul3A_1710 : vector<16xi32>
      %get3A_1712 = arith.constant 0 : index
      %get3A_1713 = tpu.vector_load %arg11[%get3A_1712] {strides = array<i32>} : memref<64xi32, #tpu.memory_space<vmem>>, vector<16xi32>,
      %mul3A_1714 = arith.constant 3 : i32
      %mul3A_1715 = vector.broadcast %mul3A_1714 : i32 to vector<16xi32>
      %mul3A_1716 = arith.muli %get3A_1713, %mul3A_1715 : vector<16xi32>
      %broadcast_in_dim3A_1717 = arith.constant 9.99999997E-7 : f32
      %broadcast_in_dim3A_1718 = vector.broadcast %broadcast_in_dim3A_1717 : f32 to vector<16xf32>
      %add3A_1719 = arith.constant 0 : i32
      %add3A_1720 = vector.broadcast %add3A_1719 : i32 to vector<16xi32>
      %add3A_1721 = arith.addi %mul3A_1711, %add3A_1720 : vector<16xi32>
      %gather3A_1722 = tpu.vector_load_idx %arg7[%add3A_1721] : memref<30000xf32, #tpu.memory_space<vmem>>[vector<16xi32>], vector<16xf32>,
      %add3A_1723 = arith.constant 0 : i32
      %add3A_1724 = vector.broadcast %add3A_1723 : i32 to vector<16xi32>
      %add3A_1725 = arith.addi %mul3A_1716, %add3A_1724 : vector<16xi32>
      %gather3A_1726 = tpu.vector_load_idx %arg7[%add3A_1725] : memref<30000xf32, #tpu.memory_space<vmem>>[vector<16xi32>], vector<16xf32>,
      %sub3A_1727 = arith.subf %gather3A_1722, %gather3A_1726 : vector<16xf32>
      %mul3A_1728 = arith.mulf %sub3A_1727, %sub3A_1727 : vector<16xf32>
      %add3A_1729 = arith.addf %broadcast_in_dim3A_1718, %mul3A_1728 : vector<16xf32>
      %add3A_1730 = arith.constant 1 : i32
      %add3A_1731 = vector.broadcast %add3A_1730 : i32 to vector<16xi32>
      %add3A_1732 = arith.addi %mul3A_1711, %add3A_1731 : vector<16xi32>
      %gather3A_1733 = tpu.vector_load_idx %arg7[%add3A_1732] : memref<30000xf32, #tpu.memory_space<vmem>>[vector<16xi32>], vector<16xf32>,
      %add3A_1734 = arith.constant 1 : i32
      %add3A_1735 = vector.broadcast %add3A_1734 : i32 to vector<16xi32>
      %add3A_1736 = arith.addi %mul3A_1716, %add3A_1735 : vector<16xi32>
      %gather3A_1737 = tpu.vector_load_idx %arg7[%add3A_1736] : memref<30000xf32, #tpu.memory_space<vmem>>[vector<16xi32>], vector<16xf32>,
      %sub3A_1738 = arith.subf %gather3A_1733, %gather3A_1737 : vector<16xf32>
      %mul3A_1739 = arith.mulf %sub3A_1738, %sub3A_1738 : vector<16xf32>
      %add3A_1740 = arith.addf %add3A_1729, %mul3A_1739 : vector<16xf32>
      %add3A_1741 = arith.constant 2 : i32
      %add3A_1742 = vector.broadcast %add3A_1741 : i32 to vector<16xi32>
      %add3A_1743 = arith.addi %mul3A_1711, %add3A_1742 : vector<16xi32>
      %gather3A_1744 = tpu.vector_load_idx %arg7[%add3A_1743] : memref<30000xf32, #tpu.memory_space<vmem>>[vector<16xi32>], vector<16xf32>,
      %add3A_1745 = arith.constant 2 : i32
      %add3A_1746 = vector.broadcast %add3A_1745 : i32 to vector<16xi32>
      %add3A_1747 = arith.addi %mul3A_1716, %add3A_1746 : vector<16xi32>
      %gather3A_1748 = tpu.vector_load_idx %arg7[%add3A_1747] : memref<30000xf32, #tpu.memory_space<vmem>>[vector<16xi32>], vector<16xf32>,
      %sub3A_1749 = arith.subf %gather3A_1744, %gather3A_1748 : vector<16xf32>
      %mul3A_1750 = arith.mulf %sub3A_1749, %sub3A_1749 : vector<16xf32>
      %add3A_1751 = arith.addf %add3A_1740, %mul3A_1750 : vector<16xf32>
      %div3A_1752 = arith.constant 1.000000e+00 : f32
      %div3A_1753 = vector.broadcast %div3A_1752 : f32 to vector<16xf32>
      %div3A_1754 = arith.divf %div3A_1753, %add3A_1751 : vector<16xf32>
      %swap3A_1755 = arith.constant 0 : index
      %swap3A_1756 = tpu.vector_load %arg15[%swap3A_1755] {strides = array<i32>} : memref<64xf32, #tpu.memory_space<vmem>>, vector<16xf32>,
      tpu.vector_store %arg15[%swap3A_1755], %div3A_1754 {strides = array<i32>} : memref<64xf32, #tpu.memory_space<vmem>>, vector<16xf32>,
      %get3A_1757 = arith.constant 16 : index
      %get3A_1758 = tpu.vector_load %arg9[%get3A_1757] {strides = array<i32>} : memref<64xi32, #tpu.memory_space<vmem>>, vector<16xi32>,
      %mul3A_1759 = arith.constant 3 : i32
      %mul3A_1760 = vector.broadcast %mul3A_1759 : i32 to vector<16xi32>
      %mul3A_1761 = arith.muli %get3A_1758, %mul3A_1760 : vector<16xi32>
      %get3A_1762 = arith.constant 16 : index
      %get3A_1763 = tpu.vector_load %arg11[%get3A_1762] {strides = array<i32>} : memref<64xi32, #tpu.memory_space<vmem>>, vector<16xi32>,
      %mul3A_1764 = arith.constant 3 : i32
      %mul3A_1765 = vector.broadcast %mul3A_1764 : i32 to vector<16xi32>
      %mul3A_1766 = arith.muli %get3A_1763, %mul3A_1765 : vector<16xi32>
      %broadcast_in_dim3A_1767 = arith.constant 9.99999997E-7 : f32
      %broadcast_in_dim3A_1768 = vector.broadcast %broadcast_in_dim3A_1767 : f32 to vector<16xf32>
      %add3A_1769 = arith.constant 0 : i32
      %add3A_1770 = vector.broadcast %add3A_1769 : i32 to vector<16xi32>
      %add3A_1771 = arith.addi %mul3A_1761, %add3A_1770 : vector<16xi32>
      %gather3A_1772 = tpu.vector_load_idx %arg7[%add3A_1771] : memref<30000xf32, #tpu.memory_space<vmem>>[vector<16xi32>], vector<16xf32>,
      %add3A_1773 = arith.constant 0 : i32
      %add3A_1774 = vector.broadcast %add3A_1773 : i32 to vector<16xi32>
      %add3A_1775 = arith.addi %mul3A_1766, %add3A_1774 : vector<16xi32>
      %gather3A_1776 = tpu.vector_load_idx %arg7[%add3A_1775] : memref<30000xf32, #tpu.memory_space<vmem>>[vector<16xi32>], vector<16xf32>,
      %sub3A_1777 = arith.subf %gather3A_1772, %gather3A_1776 : vector<16xf32>
      %mul3A_1778 = arith.mulf %sub3A_1777, %sub3A_1777 : vector<16xf32>
      %add3A_1779 = arith.addf %broadcast_in_dim3A_1768, %mul3A_1778 : vector<16xf32>
      %add3A_1780 = arith.constant 1 : i32
      %add3A_1781 = vector.broadcast %add3A_1780 : i32 to vector<16xi32>
      %add3A_1782 = arith.addi %mul3A_1761, %add3A_1781 : vector<16xi32>
      %gather3A_1783 = tpu.vector_load_idx %arg7[%add3A_1782] : memref<30000xf32, #tpu.memory_space<vmem>>[vector<16xi32>], vector<16xf32>,
      %add3A_1784 = arith.constant 1 : i32
      %add3A_1785 = vector.broadcast %add3A_1784 : i32 to vector<16xi32>
      %add3A_1786 = arith.addi %mul3A_1766, %add3A_1785 : vector<16xi32>
      %gather3A_1787 = tpu.vector_load_idx %arg7[%add3A_1786] : memref<30000xf32, #tpu.memory_space<vmem>>[vector<16xi32>], vector<16xf32>,
      %sub3A_1788 = arith.subf %gather3A_1783, %gather3A_1787 : vector<16xf32>
      %mul3A_1789 = arith.mulf %sub3A_1788, %sub3A_1788 : vector<16xf32>
      %add3A_1790 = arith.addf %add3A_1779, %mul3A_1789 : vector<16xf32>
      %add3A_1791 = arith.constant 2 : i32
      %add3A_1792 = vector.broadcast %add3A_1791 : i32 to vector<16xi32>
      %add3A_1793 = arith.addi %mul3A_1761, %add3A_1792 : vector<16xi32>
      %gather3A_1794 = tpu.vector_load_idx %arg7[%add3A_1793] : memref<30000xf32, #tpu.memory_space<vmem>>[vector<16xi32>], vector<16xf32>,
      %add3A_1795 = arith.constant 2 : i32
      %add3A_1796 = vector.broadcast %add3A_1795 : i32 to vector<16xi32>
      %add3A_1797 = arith.addi %mul3A_1766, %add3A_1796 : vector<16xi32>
      %gather3A_1798 = tpu.vector_load_idx %arg7[%add3A_1797] : memref<30000xf32, #tpu.memory_space<vmem>>[vector<16xi32>], vector<16xf32>,
      %sub3A_1799 = arith.subf %gather3A_1794, %gather3A_1798 : vector<16xf32>
      %mul3A_1800 = arith.mulf %sub3A_1799, %sub3A_1799 : vector<16xf32>
      %add3A_1801 = arith.addf %add3A_1790, %mul3A_1800 : vector<16xf32>
      %div3A_1802 = arith.constant 1.000000e+00 : f32
      %div3A_1803 = vector.broadcast %div3A_1802 : f32 to vector<16xf32>
      %div3A_1804 = arith.divf %div3A_1803, %add3A_1801 : vector<16xf32>
      %swap3A_1805 = arith.constant 16 : index
      %swap3A_1806 = tpu.vector_load %arg15[%swap3A_1805] {strides = array<i32>} : memref<64xf32, #tpu.memory_space<vmem>>, vector<16xf32>,
      tpu.vector_store %arg15[%swap3A_1805], %div3A_1804 {strides = array<i32>} : memref<64xf32, #tpu.memory_space<vmem>>, vector<16xf32>,
      %get3A_1807 = arith.constant 32 : index
      %get3A_1808 = tpu.vector_load %arg9[%get3A_1807] {strides = array<i32>} : memref<64xi32, #tpu.memory_space<vmem>>, vector<16xi32>,
      %mul3A_1809 = arith.constant 3 : i32
      %mul3A_1810 = vector.broadcast %mul3A_1809 : i32 to vector<16xi32>
      %mul3A_1811 = arith.muli %get3A_1808, %mul3A_1810 : vector<16xi32>
      %get3A_1812 = arith.constant 32 : index
      %get3A_1813 = tpu.vector_load %arg11[%get3A_1812] {strides = array<i32>} : memref<64xi32, #tpu.memory_space<vmem>>, vector<16xi32>,
      %mul3A_1814 = arith.constant 3 : i32
      %mul3A_1815 = vector.broadcast %mul3A_1814 : i32 to vector<16xi32>
      %mul3A_1816 = arith.muli %get3A_1813, %mul3A_1815 : vector<16xi32>
      %broadcast_in_dim3A_1817 = arith.constant 9.99999997E-7 : f32
      %broadcast_in_dim3A_1818 = vector.broadcast %broadcast_in_dim3A_1817 : f32 to vector<16xf32>
      %add3A_1819 = arith.constant 0 : i32
      %add3A_1820 = vector.broadcast %add3A_1819 : i32 to vector<16xi32>
      %add3A_1821 = arith.addi %mul3A_1811, %add3A_1820 : vector<16xi32>
      %gather3A_1822 = tpu.vector_load_idx %arg7[%add3A_1821] : memref<30000xf32, #tpu.memory_space<vmem>>[vector<16xi32>], vector<16xf32>,
      %add3A_1823 = arith.constant 0 : i32
      %add3A_1824 = vector.broadcast %add3A_1823 : i32 to vector<16xi32>
      %add3A_1825 = arith.addi %mul3A_1816, %add3A_1824 : vector<16xi32>
      %gather3A_1826 = tpu.vector_load_idx %arg7[%add3A_1825] : memref<30000xf32, #tpu.memory_space<vmem>>[vector<16xi32>], vector<16xf32>,
      %sub3A_1827 = arith.subf %gather3A_1822, %gather3A_1826 : vector<16xf32>
      %mul3A_1828 = arith.mulf %sub3A_1827, %sub3A_1827 : vector<16xf32>
      %add3A_1829 = arith.addf %broadcast_in_dim3A_1818, %mul3A_1828 : vector<16xf32>
      %add3A_1830 = arith.constant 1 : i32
      %add3A_1831 = vector.broadcast %add3A_1830 : i32 to vector<16xi32>
      %add3A_1832 = arith.addi %mul3A_1811, %add3A_1831 : vector<16xi32>
      %gather3A_1833 = tpu.vector_load_idx %arg7[%add3A_1832] : memref<30000xf32, #tpu.memory_space<vmem>>[vector<16xi32>], vector<16xf32>,
      %add3A_1834 = arith.constant 1 : i32
      %add3A_1835 = vector.broadcast %add3A_1834 : i32 to vector<16xi32>
      %add3A_1836 = arith.addi %mul3A_1816, %add3A_1835 : vector<16xi32>
      %gather3A_1837 = tpu.vector_load_idx %arg7[%add3A_1836] : memref<30000xf32, #tpu.memory_space<vmem>>[vector<16xi32>], vector<16xf32>,
      %sub3A_1838 = arith.subf %gather3A_1833, %gather3A_1837 : vector<16xf32>
      %mul3A_1839 = arith.mulf %sub3A_1838, %sub3A_1838 : vector<16xf32>
      %add3A_1840 = arith.addf %add3A_1829, %mul3A_1839 : vector<16xf32>
      %add3A_1841 = arith.constant 2 : i32
      %add3A_1842 = vector.broadcast %add3A_1841 : i32 to vector<16xi32>
      %add3A_1843 = arith.addi %mul3A_1811, %add3A_1842 : vector<16xi32>
      %gather3A_1844 = tpu.vector_load_idx %arg7[%add3A_1843] : memref<30000xf32, #tpu.memory_space<vmem>>[vector<16xi32>], vector<16xf32>,
      %add3A_1845 = arith.constant 2 : i32
      %add3A_1846 = vector.broadcast %add3A_1845 : i32 to vector<16xi32>
      %add3A_1847 = arith.addi %mul3A_1816, %add3A_1846 : vector<16xi32>
      %gather3A_1848 = tpu.vector_load_idx %arg7[%add3A_1847] : memref<30000xf32, #tpu.memory_space<vmem>>[vector<16xi32>], vector<16xf32>,
      %sub3A_1849 = arith.subf %gather3A_1844, %gather3A_1848 : vector<16xf32>
      %mul3A_1850 = arith.mulf %sub3A_1849, %sub3A_1849 : vector<16xf32>
      %add3A_1851 = arith.addf %add3A_1840, %mul3A_1850 : vector<16xf32>
      %div3A_1852 = arith.constant 1.000000e+00 : f32
      %div3A_1853 = vector.broadcast %div3A_1852 : f32 to vector<16xf32>
      %div3A_1854 = arith.divf %div3A_1853, %add3A_1851 : vector<16xf32>
      %swap3A_1855 = arith.constant 32 : index
      %swap3A_1856 = tpu.vector_load %arg15[%swap3A_1855] {strides = array<i32>} : memref<64xf32, #tpu.memory_space<vmem>>, vector<16xf32>,
      tpu.vector_store %arg15[%swap3A_1855], %div3A_1854 {strides = array<i32>} : memref<64xf32, #tpu.memory_space<vmem>>, vector<16xf32>,
      %get3A_1857 = arith.constant 48 : index
      %get3A_1858 = tpu.vector_load %arg9[%get3A_1857] {strides = array<i32>} : memref<64xi32, #tpu.memory_space<vmem>>, vector<16xi32>,
      %mul3A_1859 = arith.constant 3 : i32
      %mul3A_1860 = vector.broadcast %mul3A_1859 : i32 to vector<16xi32>
      %mul3A_1861 = arith.muli %get3A_1858, %mul3A_1860 : vector<16xi32>
      %get3A_1862 = arith.constant 48 : index
      %get3A_1863 = tpu.vector_load %arg11[%get3A_1862] {strides = array<i32>} : memref<64xi32, #tpu.memory_space<vmem>>, vector<16xi32>,
      %mul3A_1864 = arith.constant 3 : i32
      %mul3A_1865 = vector.broadcast %mul3A_1864 : i32 to vector<16xi32>
      %mul3A_1866 = arith.muli %get3A_1863, %mul3A_1865 : vector<16xi32>
      %broadcast_in_dim3A_1867 = arith.constant 9.99999997E-7 : f32
      %broadcast_in_dim3A_1868 = vector.broadcast %broadcast_in_dim3A_1867 : f32 to vector<16xf32>
      %add3A_1869 = arith.constant 0 : i32
      %add3A_1870 = vector.broadcast %add3A_1869 : i32 to vector<16xi32>
      %add3A_1871 = arith.addi %mul3A_1861, %add3A_1870 : vector<16xi32>
      %gather3A_1872 = tpu.vector_load_idx %arg7[%add3A_1871] : memref<30000xf32, #tpu.memory_space<vmem>>[vector<16xi32>], vector<16xf32>,
      %add3A_1873 = arith.constant 0 : i32
      %add3A_1874 = vector.broadcast %add3A_1873 : i32 to vector<16xi32>
      %add3A_1875 = arith.addi %mul3A_1866, %add3A_1874 : vector<16xi32>
      %gather3A_1876 = tpu.vector_load_idx %arg7[%add3A_1875] : memref<30000xf32, #tpu.memory_space<vmem>>[vector<16xi32>], vector<16xf32>,
      %sub3A_1877 = arith.subf %gather3A_1872, %gather3A_1876 : vector<16xf32>
      %mul3A_1878 = arith.mulf %sub3A_1877, %sub3A_1877 : vector<16xf32>
      %add3A_1879 = arith.addf %broadcast_in_dim3A_1868, %mul3A_1878 : vector<16xf32>
      %add3A_1880 = arith.constant 1 : i32
      %add3A_1881 = vector.broadcast %add3A_1880 : i32 to vector<16xi32>
      %add3A_1882 = arith.addi %mul3A_1861, %add3A_1881 : vector<16xi32>
      %gather3A_1883 = tpu.vector_load_idx %arg7[%add3A_1882] : memref<30000xf32, #tpu.memory_space<vmem>>[vector<16xi32>], vector<16xf32>,
      %add3A_1884 = arith.constant 1 : i32
      %add3A_1885 = vector.broadcast %add3A_1884 : i32 to vector<16xi32>
      %add3A_1886 = arith.addi %mul3A_1866, %add3A_1885 : vector<16xi32>
      %gather3A_1887 = tpu.vector_load_idx %arg7[%add3A_1886] : memref<30000xf32, #tpu.memory_space<vmem>>[vector<16xi32>], vector<16xf32>,
      %sub3A_1888 = arith.subf %gather3A_1883, %gather3A_1887 : vector<16xf32>
      %mul3A_1889 = arith.mulf %sub3A_1888, %sub3A_1888 : vector<16xf32>
      %add3A_1890 = arith.addf %add3A_1879, %mul3A_1889 : vector<16xf32>
      %add3A_1891 = arith.constant 2 : i32
      %add3A_1892 = vector.broadcast %add3A_1891 : i32 to vector<16xi32>
      %add3A_1893 = arith.addi %mul3A_1861, %add3A_1892 : vector<16xi32>
      %gather3A_1894 = tpu.vector_load_idx %arg7[%add3A_1893] : memref<30000xf32, #tpu.memory_space<vmem>>[vector<16xi32>], vector<16xf32>,
      %add3A_1895 = arith.constant 2 : i32
      %add3A_1896 = vector.broadcast %add3A_1895 : i32 to vector<16xi32>
      %add3A_1897 = arith.addi %mul3A_1866, %add3A_1896 : vector<16xi32>
      %gather3A_1898 = tpu.vector_load_idx %arg7[%add3A_1897] : memref<30000xf32, #tpu.memory_space<vmem>>[vector<16xi32>], vector<16xf32>,
      %sub3A_1899 = arith.subf %gather3A_1894, %gather3A_1898 : vector<16xf32>
      %mul3A_1900 = arith.mulf %sub3A_1899, %sub3A_1899 : vector<16xf32>
      %add3A_1901 = arith.addf %add3A_1890, %mul3A_1900 : vector<16xf32>
      %div3A_1902 = arith.constant 1.000000e+00 : f32
      %div3A_1903 = vector.broadcast %div3A_1902 : f32 to vector<16xf32>
      %div3A_1904 = arith.divf %div3A_1903, %add3A_1901 : vector<16xf32>
      %swap3A_1905 = arith.constant 48 : index
      %swap3A_1906 = tpu.vector_load %arg15[%swap3A_1905] {strides = array<i32>} : memref<64xf32, #tpu.memory_space<vmem>>, vector<16xf32>,
      tpu.vector_store %arg15[%swap3A_1905], %div3A_1904 {strides = array<i32>} : memref<64xf32, #tpu.memory_space<vmem>>, vector<16xf32>,
      %mul3A_1907 = arith.constant 64 : i32
      %mul3A_1908 = arith.muli %add3A_1628, %mul3A_1907 : i32
      %add3A_1909 = arith.addi %mul3A_2, %mul3A_1908 : i32
      %dma_start3A_1910 = arith.constant 0 : i32
      %dma_start3A_1911 = tpu.memref_slice %arg15[%dma_start3A_1910] : memref<64xf32, #tpu.memory_space<vmem>> -> memref<64xf32, #tpu.memory_space<vmem>>
      %dma_start3A_1912 = tpu.memref_slice %arg6[%add3A_1909] : memref<320000xf32, #tpu.memory_space<hbm>> -> memref<64xf32, #tpu.memory_space<hbm>>
      %dma_start3A_1913 = tpu.memref_slice %arg6[%add3A_1909] : memref<320000xf32, #tpu.memory_space<hbm>> -> memref<64xf32, #tpu.memory_space<hbm>>
      %dma_start3A_1914 = arith.constant 0 : i32
      %dma_start3A_1915 = tpu.memref_slice %arg15[%dma_start3A_1914] : memref<64xf32, #tpu.memory_space<vmem>> -> memref<64xf32, #tpu.memory_space<vmem>>
      tpu.enqueue_dma source(%dma_start3A_1915 : memref<64xf32, #tpu.memory_space<vmem>>) target(%dma_start3A_1913 : memref<64xf32, #tpu.memory_space<hbm>>) target_semaphore(%arg26 : memref<!tpu.dma_semaphore, #tpu.memory_space<semaphore_mem>>)
      %dma_wait3A_1916 = arith.constant 0 : i32
      %dma_wait3A_1917 = arith.constant 0 : i32
      %dma_wait3A_1918 = tpu.memref_slice %arg13[%dma_wait3A_1916, %dma_wait3A_1917] : memref<64x128xf32, #tpu.memory_space<vmem>> -> memref<64x128xf32, #tpu.memory_space<vmem>>
      %dma_wait3A_1919 = arith.constant 0 : i32
      %dma_wait3A_1920 = tpu.memref_slice %arg9[%dma_wait3A_1919] : memref<64xi32, #tpu.memory_space<vmem>> -> memref<64xi32, #tpu.memory_space<vmem>>
      %dma_wait3A_1921 = arith.constant 0 : i32
      %dma_wait3A_1922 = arith.constant 0 : i32
      %dma_wait3A_1923 = tpu.memref_slice %arg16[%dma_wait3A_1921, %dma_wait3A_1922] : memref<10000x128xf32, #tpu.memory_space<vmem_shared>> -> memref<10000x128xf32, #tpu.memory_space<vmem_shared>>
      tpu.wait_indirect_dma semaphore(%arg22 : memref<!tpu.dma_semaphore, #tpu.memory_space<semaphore_mem>>) src(%dma_wait3A_1923 : memref<10000x128xf32, #tpu.memory_space<vmem_shared>>) dst(%dma_wait3A_1918 : memref<64x128xf32, #tpu.memory_space<vmem>>)
      %mul3A_1924 = arith.constant 64 : i32
      %mul3A_1925 = arith.muli %add3A_1628, %mul3A_1924 : i32
      %add3A_1926 = arith.addi %mul3A_2, %mul3A_1925 : i32
      %dma_start3A_1927 = arith.constant 0 : i32
      %dma_start3A_1928 = arith.constant 0 : i32
      %dma_start3A_1929 = tpu.memref_slice %arg13[%dma_start3A_1927, %dma_start3A_1928] : memref<64x128xf32, #tpu.memory_space<vmem>> -> memref<64x128xf32, #tpu.memory_space<vmem>>
      %dma_start3A_1930 = arith.constant 0 : i32
      %dma_start3A_1931 = tpu.memref_slice %arg5[%add3A_1926, %dma_start3A_1930] : memref<320000x128xf32, #tpu.memory_space<hbm>> -> memref<64x128xf32, #tpu.memory_space<hbm>>
      %dma_start3A_1932 = arith.constant 0 : i32
      %dma_start3A_1933 = tpu.memref_slice %arg5[%add3A_1926, %dma_start3A_1932] : memref<320000x128xf32, #tpu.memory_space<hbm>> -> memref<64x128xf32, #tpu.memory_space<hbm>>
      %dma_start3A_1934 = arith.constant 0 : i32
      %dma_start3A_1935 = arith.constant 0 : i32
      %dma_start3A_1936 = tpu.memref_slice %arg13[%dma_start3A_1934, %dma_start3A_1935] : memref<64x128xf32, #tpu.memory_space<vmem>> -> memref<64x128xf32, #tpu.memory_space<vmem>>
      tpu.enqueue_dma source(%dma_start3A_1936 : memref<64x128xf32, #tpu.memory_space<vmem>>) target(%dma_start3A_1933 : memref<64x128xf32, #tpu.memory_space<hbm>>) target_semaphore(%arg24 : memref<!tpu.dma_semaphore, #tpu.memory_space<semaphore_mem>>)
    }
    %scan3A_567 = arith.constant 76 : i32
    %add3A_568 = arith.constant 9856 : i32
    %add3A_569 = arith.addi %mul3A_2, %add3A_568 : i32
    %dma_wait3A_570 = arith.constant 0 : i32
    %dma_wait3A_571 = tpu.memref_slice %arg8[%dma_wait3A_570] : memref<64xi32, #tpu.memory_space<vmem>> -> memref<64xi32, #tpu.memory_space<vmem>>
    %dma_wait3A_572 = tpu.memref_slice %arg4[%add3A_569] : memref<640000xi32, #tpu.memory_space<hbm>> -> memref<64xi32, #tpu.memory_space<hbm>>
    %dma_wait3A_573 = arith.constant 0 : i32
    %dma_wait3A_574 = tpu.memref_slice %arg8[%dma_wait3A_573] : memref<64xi32, #tpu.memory_space<vmem>> -> memref<64xi32, #tpu.memory_space<vmem>>
    %dma_wait3A_575 = tpu.memref_slice %arg4[%add3A_569] : memref<640000xi32, #tpu.memory_space<hbm>> -> memref<64xi32, #tpu.memory_space<hbm>>
    tpu.wait_dma2 semaphore(%arg17 : memref<!tpu.dma_semaphore, #tpu.memory_space<semaphore_mem>>) src(%dma_wait3A_575 : memref<64xi32, #tpu.memory_space<hbm>>) dst(%dma_wait3A_574 : memref<64xi32, #tpu.memory_space<vmem>>)
    %add3A_576 = arith.constant 320000 : i32
    %add3A_577 = arith.addi %add3A_576, %mul3A_2 : i32
    %add3A_578 = arith.constant 9856 : i32
    %add3A_579 = arith.addi %add3A_577, %add3A_578 : i32
    %dma_wait3A_580 = arith.constant 0 : i32
    %dma_wait3A_581 = tpu.memref_slice %arg10[%dma_wait3A_580] : memref<64xi32, #tpu.memory_space<vmem>> -> memref<64xi32, #tpu.memory_space<vmem>>
    %dma_wait3A_582 = tpu.memref_slice %arg4[%add3A_579] : memref<640000xi32, #tpu.memory_space<hbm>> -> memref<64xi32, #tpu.memory_space<hbm>>
    %dma_wait3A_583 = arith.constant 0 : i32
    %dma_wait3A_584 = tpu.memref_slice %arg10[%dma_wait3A_583] : memref<64xi32, #tpu.memory_space<vmem>> -> memref<64xi32, #tpu.memory_space<vmem>>
    %dma_wait3A_585 = tpu.memref_slice %arg4[%add3A_579] : memref<640000xi32, #tpu.memory_space<hbm>> -> memref<64xi32, #tpu.memory_space<hbm>>
    tpu.wait_dma2 semaphore(%arg19 : memref<!tpu.dma_semaphore, #tpu.memory_space<semaphore_mem>>) src(%dma_wait3A_585 : memref<64xi32, #tpu.memory_space<hbm>>) dst(%dma_wait3A_584 : memref<64xi32, #tpu.memory_space<vmem>>)
    %add3A_586 = arith.constant 9920 : i32
    %add3A_587 = arith.addi %mul3A_2, %add3A_586 : i32
    %dma_start3A_588 = arith.constant 0 : i32
    %dma_start3A_589 = tpu.memref_slice %arg9[%dma_start3A_588] : memref<64xi32, #tpu.memory_space<vmem>> -> memref<64xi32, #tpu.memory_space<vmem>>
    %dma_start3A_590 = tpu.memref_slice %arg4[%add3A_587] : memref<640000xi32, #tpu.memory_space<hbm>> -> memref<64xi32, #tpu.memory_space<hbm>>
    %dma_start3A_591 = arith.constant 0 : i32
    %dma_start3A_592 = tpu.memref_slice %arg9[%dma_start3A_591] : memref<64xi32, #tpu.memory_space<vmem>> -> memref<64xi32, #tpu.memory_space<vmem>>
    %dma_start3A_593 = tpu.memref_slice %arg4[%add3A_587] : memref<640000xi32, #tpu.memory_space<hbm>> -> memref<64xi32, #tpu.memory_space<hbm>>
    tpu.enqueue_dma source(%dma_start3A_593 : memref<64xi32, #tpu.memory_space<hbm>>) target(%dma_start3A_592 : memref<64xi32, #tpu.memory_space<vmem>>) target_semaphore(%arg18 : memref<!tpu.dma_semaphore, #tpu.memory_space<semaphore_mem>>)
    %add3A_594 = arith.constant 320000 : i32
    %add3A_595 = arith.addi %add3A_594, %mul3A_2 : i32
    %add3A_596 = arith.constant 9920 : i32
    %add3A_597 = arith.addi %add3A_595, %add3A_596 : i32
    %dma_start3A_598 = arith.constant 0 : i32
    %dma_start3A_599 = tpu.memref_slice %arg11[%dma_start3A_598] : memref<64xi32, #tpu.memory_space<vmem>> -> memref<64xi32, #tpu.memory_space<vmem>>
    %dma_start3A_600 = tpu.memref_slice %arg4[%add3A_597] : memref<640000xi32, #tpu.memory_space<hbm>> -> memref<64xi32, #tpu.memory_space<hbm>>
    %dma_start3A_601 = arith.constant 0 : i32
    %dma_start3A_602 = tpu.memref_slice %arg11[%dma_start3A_601] : memref<64xi32, #tpu.memory_space<vmem>> -> memref<64xi32, #tpu.memory_space<vmem>>
    %dma_start3A_603 = tpu.memref_slice %arg4[%add3A_597] : memref<640000xi32, #tpu.memory_space<hbm>> -> memref<64xi32, #tpu.memory_space<hbm>>
    tpu.enqueue_dma source(%dma_start3A_603 : memref<64xi32, #tpu.memory_space<hbm>>) target(%dma_start3A_602 : memref<64xi32, #tpu.memory_space<vmem>>) target_semaphore(%arg20 : memref<!tpu.dma_semaphore, #tpu.memory_space<semaphore_mem>>)
    %add3A_604 = arith.constant 9728 : i32
    %add3A_605 = arith.addi %mul3A_2, %add3A_604 : i32
    %dma_wait3A_606 = arith.constant 0 : i32
    %dma_wait3A_607 = arith.constant 0 : i32
    %dma_wait3A_608 = tpu.memref_slice %arg12[%dma_wait3A_606, %dma_wait3A_607] : memref<64x128xf32, #tpu.memory_space<vmem>> -> memref<64x128xf32, #tpu.memory_space<vmem>>
    %dma_wait3A_609 = arith.constant 0 : i32
    %dma_wait3A_610 = tpu.memref_slice %arg5[%add3A_605, %dma_wait3A_609] : memref<320000x128xf32, #tpu.memory_space<hbm>> -> memref<64x128xf32, #tpu.memory_space<hbm>>
    %dma_wait3A_611 = arith.constant 0 : i32
    %dma_wait3A_612 = tpu.memref_slice %arg5[%add3A_605, %dma_wait3A_611] : memref<320000x128xf32, #tpu.memory_space<hbm>> -> memref<64x128xf32, #tpu.memory_space<hbm>>
    %dma_wait3A_613 = arith.constant 0 : i32
    %dma_wait3A_614 = arith.constant 0 : i32
    %dma_wait3A_615 = tpu.memref_slice %arg12[%dma_wait3A_613, %dma_wait3A_614] : memref<64x128xf32, #tpu.memory_space<vmem>> -> memref<64x128xf32, #tpu.memory_space<vmem>>
    tpu.wait_dma2 semaphore(%arg23 : memref<!tpu.dma_semaphore, #tpu.memory_space<semaphore_mem>>) src(%dma_wait3A_615 : memref<64x128xf32, #tpu.memory_space<vmem>>) dst(%dma_wait3A_612 : memref<64x128xf32, #tpu.memory_space<hbm>>)
    %dma_start3A_616 = arith.constant 0 : i32
    %dma_start3A_617 = arith.constant 0 : i32
    %dma_start3A_618 = tpu.memref_slice %arg12[%dma_start3A_616, %dma_start3A_617] : memref<64x128xf32, #tpu.memory_space<vmem>> -> memref<64x128xf32, #tpu.memory_space<vmem>>
    %dma_start3A_619 = arith.constant 0 : i32
    %dma_start3A_620 = tpu.memref_slice %arg8[%dma_start3A_619] : memref<64xi32, #tpu.memory_space<vmem>> -> memref<64xi32, #tpu.memory_space<vmem>>
    %dma_start3A_621 = arith.constant 0 : i32
    %dma_start3A_622 = arith.constant 0 : i32
    %dma_start3A_623 = tpu.memref_slice %arg16[%dma_start3A_621, %dma_start3A_622] : memref<10000x128xf32, #tpu.memory_space<vmem_shared>> -> memref<10000x128xf32, #tpu.memory_space<vmem_shared>>
    tpu.enqueue_indirect_dma source(%dma_start3A_623 : memref<10000x128xf32, #tpu.memory_space<vmem_shared>>) target(%dma_start3A_618 : memref<64x128xf32, #tpu.memory_space<vmem>>) offsets(%dma_start3A_620 : memref<64xi32, #tpu.memory_space<vmem>>) semaphore(%arg21 : memref<!tpu.dma_semaphore, #tpu.memory_space<semaphore_mem>>)
    %add3A_624 = arith.constant 9728 : i32
    %add3A_625 = arith.addi %mul3A_2, %add3A_624 : i32
    %dma_wait3A_626 = arith.constant 0 : i32
    %dma_wait3A_627 = tpu.memref_slice %arg14[%dma_wait3A_626] : memref<64xf32, #tpu.memory_space<vmem>> -> memref<64xf32, #tpu.memory_space<vmem>>
    %dma_wait3A_628 = tpu.memref_slice %arg6[%add3A_625] : memref<320000xf32, #tpu.memory_space<hbm>> -> memref<64xf32, #tpu.memory_space<hbm>>
    %dma_wait3A_629 = tpu.memref_slice %arg6[%add3A_625] : memref<320000xf32, #tpu.memory_space<hbm>> -> memref<64xf32, #tpu.memory_space<hbm>>
    %dma_wait3A_630 = arith.constant 0 : i32
    %dma_wait3A_631 = tpu.memref_slice %arg14[%dma_wait3A_630] : memref<64xf32, #tpu.memory_space<vmem>> -> memref<64xf32, #tpu.memory_space<vmem>>
    tpu.wait_dma2 semaphore(%arg25 : memref<!tpu.dma_semaphore, #tpu.memory_space<semaphore_mem>>) src(%dma_wait3A_631 : memref<64xf32, #tpu.memory_space<vmem>>) dst(%dma_wait3A_629 : memref<64xf32, #tpu.memory_space<hbm>>)
    %get3A_632 = arith.constant 0 : index
    %get3A_633 = tpu.vector_load %arg8[%get3A_632] {strides = array<i32>} : memref<64xi32, #tpu.memory_space<vmem>>, vector<16xi32>,
    %mul3A_634 = arith.constant 3 : i32
    %mul3A_635 = vector.broadcast %mul3A_634 : i32 to vector<16xi32>
    %mul3A_636 = arith.muli %get3A_633, %mul3A_635 : vector<16xi32>
    %get3A_637 = arith.constant 0 : index
    %get3A_638 = tpu.vector_load %arg10[%get3A_637] {strides = array<i32>} : memref<64xi32, #tpu.memory_space<vmem>>, vector<16xi32>,
    %mul3A_639 = arith.constant 3 : i32
    %mul3A_640 = vector.broadcast %mul3A_639 : i32 to vector<16xi32>
    %mul3A_641 = arith.muli %get3A_638, %mul3A_640 : vector<16xi32>
    %broadcast_in_dim3A_642 = arith.constant 9.99999997E-7 : f32
    %broadcast_in_dim3A_643 = vector.broadcast %broadcast_in_dim3A_642 : f32 to vector<16xf32>
    %add3A_644 = arith.constant 0 : i32
    %add3A_645 = vector.broadcast %add3A_644 : i32 to vector<16xi32>
    %add3A_646 = arith.addi %mul3A_636, %add3A_645 : vector<16xi32>
    %gather3A_647 = tpu.vector_load_idx %arg7[%add3A_646] : memref<30000xf32, #tpu.memory_space<vmem>>[vector<16xi32>], vector<16xf32>,
    %add3A_648 = arith.constant 0 : i32
    %add3A_649 = vector.broadcast %add3A_648 : i32 to vector<16xi32>
    %add3A_650 = arith.addi %mul3A_641, %add3A_649 : vector<16xi32>
    %gather3A_651 = tpu.vector_load_idx %arg7[%add3A_650] : memref<30000xf32, #tpu.memory_space<vmem>>[vector<16xi32>], vector<16xf32>,
    %sub3A_652 = arith.subf %gather3A_647, %gather3A_651 : vector<16xf32>
    %mul3A_653 = arith.mulf %sub3A_652, %sub3A_652 : vector<16xf32>
    %add3A_654 = arith.addf %broadcast_in_dim3A_643, %mul3A_653 : vector<16xf32>
    %add3A_655 = arith.constant 1 : i32
    %add3A_656 = vector.broadcast %add3A_655 : i32 to vector<16xi32>
    %add3A_657 = arith.addi %mul3A_636, %add3A_656 : vector<16xi32>
    %gather3A_658 = tpu.vector_load_idx %arg7[%add3A_657] : memref<30000xf32, #tpu.memory_space<vmem>>[vector<16xi32>], vector<16xf32>,
    %add3A_659 = arith.constant 1 : i32
    %add3A_660 = vector.broadcast %add3A_659 : i32 to vector<16xi32>
    %add3A_661 = arith.addi %mul3A_641, %add3A_660 : vector<16xi32>
    %gather3A_662 = tpu.vector_load_idx %arg7[%add3A_661] : memref<30000xf32, #tpu.memory_space<vmem>>[vector<16xi32>], vector<16xf32>,
    %sub3A_663 = arith.subf %gather3A_658, %gather3A_662 : vector<16xf32>
    %mul3A_664 = arith.mulf %sub3A_663, %sub3A_663 : vector<16xf32>
    %add3A_665 = arith.addf %add3A_654, %mul3A_664 : vector<16xf32>
    %add3A_666 = arith.constant 2 : i32
    %add3A_667 = vector.broadcast %add3A_666 : i32 to vector<16xi32>
    %add3A_668 = arith.addi %mul3A_636, %add3A_667 : vector<16xi32>
    %gather3A_669 = tpu.vector_load_idx %arg7[%add3A_668] : memref<30000xf32, #tpu.memory_space<vmem>>[vector<16xi32>], vector<16xf32>,
    %add3A_670 = arith.constant 2 : i32
    %add3A_671 = vector.broadcast %add3A_670 : i32 to vector<16xi32>
    %add3A_672 = arith.addi %mul3A_641, %add3A_671 : vector<16xi32>
    %gather3A_673 = tpu.vector_load_idx %arg7[%add3A_672] : memref<30000xf32, #tpu.memory_space<vmem>>[vector<16xi32>], vector<16xf32>,
    %sub3A_674 = arith.subf %gather3A_669, %gather3A_673 : vector<16xf32>
    %mul3A_675 = arith.mulf %sub3A_674, %sub3A_674 : vector<16xf32>
    %add3A_676 = arith.addf %add3A_665, %mul3A_675 : vector<16xf32>
    %div3A_677 = arith.constant 1.000000e+00 : f32
    %div3A_678 = vector.broadcast %div3A_677 : f32 to vector<16xf32>
    %div3A_679 = arith.divf %div3A_678, %add3A_676 : vector<16xf32>
    %swap3A_680 = arith.constant 0 : index
    %swap3A_681 = tpu.vector_load %arg14[%swap3A_680] {strides = array<i32>} : memref<64xf32, #tpu.memory_space<vmem>>, vector<16xf32>,
    tpu.vector_store %arg14[%swap3A_680], %div3A_679 {strides = array<i32>} : memref<64xf32, #tpu.memory_space<vmem>>, vector<16xf32>,
    %get3A_682 = arith.constant 16 : index
    %get3A_683 = tpu.vector_load %arg8[%get3A_682] {strides = array<i32>} : memref<64xi32, #tpu.memory_space<vmem>>, vector<16xi32>,
    %mul3A_684 = arith.constant 3 : i32
    %mul3A_685 = vector.broadcast %mul3A_684 : i32 to vector<16xi32>
    %mul3A_686 = arith.muli %get3A_683, %mul3A_685 : vector<16xi32>
    %get3A_687 = arith.constant 16 : index
    %get3A_688 = tpu.vector_load %arg10[%get3A_687] {strides = array<i32>} : memref<64xi32, #tpu.memory_space<vmem>>, vector<16xi32>,
    %mul3A_689 = arith.constant 3 : i32
    %mul3A_690 = vector.broadcast %mul3A_689 : i32 to vector<16xi32>
    %mul3A_691 = arith.muli %get3A_688, %mul3A_690 : vector<16xi32>
    %broadcast_in_dim3A_692 = arith.constant 9.99999997E-7 : f32
    %broadcast_in_dim3A_693 = vector.broadcast %broadcast_in_dim3A_692 : f32 to vector<16xf32>
    %add3A_694 = arith.constant 0 : i32
    %add3A_695 = vector.broadcast %add3A_694 : i32 to vector<16xi32>
    %add3A_696 = arith.addi %mul3A_686, %add3A_695 : vector<16xi32>
    %gather3A_697 = tpu.vector_load_idx %arg7[%add3A_696] : memref<30000xf32, #tpu.memory_space<vmem>>[vector<16xi32>], vector<16xf32>,
    %add3A_698 = arith.constant 0 : i32
    %add3A_699 = vector.broadcast %add3A_698 : i32 to vector<16xi32>
    %add3A_700 = arith.addi %mul3A_691, %add3A_699 : vector<16xi32>
    %gather3A_701 = tpu.vector_load_idx %arg7[%add3A_700] : memref<30000xf32, #tpu.memory_space<vmem>>[vector<16xi32>], vector<16xf32>,
    %sub3A_702 = arith.subf %gather3A_697, %gather3A_701 : vector<16xf32>
    %mul3A_703 = arith.mulf %sub3A_702, %sub3A_702 : vector<16xf32>
    %add3A_704 = arith.addf %broadcast_in_dim3A_693, %mul3A_703 : vector<16xf32>
    %add3A_705 = arith.constant 1 : i32
    %add3A_706 = vector.broadcast %add3A_705 : i32 to vector<16xi32>
    %add3A_707 = arith.addi %mul3A_686, %add3A_706 : vector<16xi32>
    %gather3A_708 = tpu.vector_load_idx %arg7[%add3A_707] : memref<30000xf32, #tpu.memory_space<vmem>>[vector<16xi32>], vector<16xf32>,
    %add3A_709 = arith.constant 1 : i32
    %add3A_710 = vector.broadcast %add3A_709 : i32 to vector<16xi32>
    %add3A_711 = arith.addi %mul3A_691, %add3A_710 : vector<16xi32>
    %gather3A_712 = tpu.vector_load_idx %arg7[%add3A_711] : memref<30000xf32, #tpu.memory_space<vmem>>[vector<16xi32>], vector<16xf32>,
    %sub3A_713 = arith.subf %gather3A_708, %gather3A_712 : vector<16xf32>
    %mul3A_714 = arith.mulf %sub3A_713, %sub3A_713 : vector<16xf32>
    %add3A_715 = arith.addf %add3A_704, %mul3A_714 : vector<16xf32>
    %add3A_716 = arith.constant 2 : i32
    %add3A_717 = vector.broadcast %add3A_716 : i32 to vector<16xi32>
    %add3A_718 = arith.addi %mul3A_686, %add3A_717 : vector<16xi32>
    %gather3A_719 = tpu.vector_load_idx %arg7[%add3A_718] : memref<30000xf32, #tpu.memory_space<vmem>>[vector<16xi32>], vector<16xf32>,
    %add3A_720 = arith.constant 2 : i32
    %add3A_721 = vector.broadcast %add3A_720 : i32 to vector<16xi32>
    %add3A_722 = arith.addi %mul3A_691, %add3A_721 : vector<16xi32>
    %gather3A_723 = tpu.vector_load_idx %arg7[%add3A_722] : memref<30000xf32, #tpu.memory_space<vmem>>[vector<16xi32>], vector<16xf32>,
    %sub3A_724 = arith.subf %gather3A_719, %gather3A_723 : vector<16xf32>
    %mul3A_725 = arith.mulf %sub3A_724, %sub3A_724 : vector<16xf32>
    %add3A_726 = arith.addf %add3A_715, %mul3A_725 : vector<16xf32>
    %div3A_727 = arith.constant 1.000000e+00 : f32
    %div3A_728 = vector.broadcast %div3A_727 : f32 to vector<16xf32>
    %div3A_729 = arith.divf %div3A_728, %add3A_726 : vector<16xf32>
    %swap3A_730 = arith.constant 16 : index
    %swap3A_731 = tpu.vector_load %arg14[%swap3A_730] {strides = array<i32>} : memref<64xf32, #tpu.memory_space<vmem>>, vector<16xf32>,
    tpu.vector_store %arg14[%swap3A_730], %div3A_729 {strides = array<i32>} : memref<64xf32, #tpu.memory_space<vmem>>, vector<16xf32>,
    %get3A_732 = arith.constant 32 : index
    %get3A_733 = tpu.vector_load %arg8[%get3A_732] {strides = array<i32>} : memref<64xi32, #tpu.memory_space<vmem>>, vector<16xi32>,
    %mul3A_734 = arith.constant 3 : i32
    %mul3A_735 = vector.broadcast %mul3A_734 : i32 to vector<16xi32>
    %mul3A_736 = arith.muli %get3A_733, %mul3A_735 : vector<16xi32>
    %get3A_737 = arith.constant 32 : index
    %get3A_738 = tpu.vector_load %arg10[%get3A_737] {strides = array<i32>} : memref<64xi32, #tpu.memory_space<vmem>>, vector<16xi32>,
    %mul3A_739 = arith.constant 3 : i32
    %mul3A_740 = vector.broadcast %mul3A_739 : i32 to vector<16xi32>
    %mul3A_741 = arith.muli %get3A_738, %mul3A_740 : vector<16xi32>
    %broadcast_in_dim3A_742 = arith.constant 9.99999997E-7 : f32
    %broadcast_in_dim3A_743 = vector.broadcast %broadcast_in_dim3A_742 : f32 to vector<16xf32>
    %add3A_744 = arith.constant 0 : i32
    %add3A_745 = vector.broadcast %add3A_744 : i32 to vector<16xi32>
    %add3A_746 = arith.addi %mul3A_736, %add3A_745 : vector<16xi32>
    %gather3A_747 = tpu.vector_load_idx %arg7[%add3A_746] : memref<30000xf32, #tpu.memory_space<vmem>>[vector<16xi32>], vector<16xf32>,
    %add3A_748 = arith.constant 0 : i32
    %add3A_749 = vector.broadcast %add3A_748 : i32 to vector<16xi32>
    %add3A_750 = arith.addi %mul3A_741, %add3A_749 : vector<16xi32>
    %gather3A_751 = tpu.vector_load_idx %arg7[%add3A_750] : memref<30000xf32, #tpu.memory_space<vmem>>[vector<16xi32>], vector<16xf32>,
    %sub3A_752 = arith.subf %gather3A_747, %gather3A_751 : vector<16xf32>
    %mul3A_753 = arith.mulf %sub3A_752, %sub3A_752 : vector<16xf32>
    %add3A_754 = arith.addf %broadcast_in_dim3A_743, %mul3A_753 : vector<16xf32>
    %add3A_755 = arith.constant 1 : i32
    %add3A_756 = vector.broadcast %add3A_755 : i32 to vector<16xi32>
    %add3A_757 = arith.addi %mul3A_736, %add3A_756 : vector<16xi32>
    %gather3A_758 = tpu.vector_load_idx %arg7[%add3A_757] : memref<30000xf32, #tpu.memory_space<vmem>>[vector<16xi32>], vector<16xf32>,
    %add3A_759 = arith.constant 1 : i32
    %add3A_760 = vector.broadcast %add3A_759 : i32 to vector<16xi32>
    %add3A_761 = arith.addi %mul3A_741, %add3A_760 : vector<16xi32>
    %gather3A_762 = tpu.vector_load_idx %arg7[%add3A_761] : memref<30000xf32, #tpu.memory_space<vmem>>[vector<16xi32>], vector<16xf32>,
    %sub3A_763 = arith.subf %gather3A_758, %gather3A_762 : vector<16xf32>
    %mul3A_764 = arith.mulf %sub3A_763, %sub3A_763 : vector<16xf32>
    %add3A_765 = arith.addf %add3A_754, %mul3A_764 : vector<16xf32>
    %add3A_766 = arith.constant 2 : i32
    %add3A_767 = vector.broadcast %add3A_766 : i32 to vector<16xi32>
    %add3A_768 = arith.addi %mul3A_736, %add3A_767 : vector<16xi32>
    %gather3A_769 = tpu.vector_load_idx %arg7[%add3A_768] : memref<30000xf32, #tpu.memory_space<vmem>>[vector<16xi32>], vector<16xf32>,
    %add3A_770 = arith.constant 2 : i32
    %add3A_771 = vector.broadcast %add3A_770 : i32 to vector<16xi32>
    %add3A_772 = arith.addi %mul3A_741, %add3A_771 : vector<16xi32>
    %gather3A_773 = tpu.vector_load_idx %arg7[%add3A_772] : memref<30000xf32, #tpu.memory_space<vmem>>[vector<16xi32>], vector<16xf32>,
    %sub3A_774 = arith.subf %gather3A_769, %gather3A_773 : vector<16xf32>
    %mul3A_775 = arith.mulf %sub3A_774, %sub3A_774 : vector<16xf32>
    %add3A_776 = arith.addf %add3A_765, %mul3A_775 : vector<16xf32>
    %div3A_777 = arith.constant 1.000000e+00 : f32
    %div3A_778 = vector.broadcast %div3A_777 : f32 to vector<16xf32>
    %div3A_779 = arith.divf %div3A_778, %add3A_776 : vector<16xf32>
    %swap3A_780 = arith.constant 32 : index
    %swap3A_781 = tpu.vector_load %arg14[%swap3A_780] {strides = array<i32>} : memref<64xf32, #tpu.memory_space<vmem>>, vector<16xf32>,
    tpu.vector_store %arg14[%swap3A_780], %div3A_779 {strides = array<i32>} : memref<64xf32, #tpu.memory_space<vmem>>, vector<16xf32>,
    %get3A_782 = arith.constant 48 : index
    %get3A_783 = tpu.vector_load %arg8[%get3A_782] {strides = array<i32>} : memref<64xi32, #tpu.memory_space<vmem>>, vector<16xi32>,
    %mul3A_784 = arith.constant 3 : i32
    %mul3A_785 = vector.broadcast %mul3A_784 : i32 to vector<16xi32>
    %mul3A_786 = arith.muli %get3A_783, %mul3A_785 : vector<16xi32>
    %get3A_787 = arith.constant 48 : index
    %get3A_788 = tpu.vector_load %arg10[%get3A_787] {strides = array<i32>} : memref<64xi32, #tpu.memory_space<vmem>>, vector<16xi32>,
    %mul3A_789 = arith.constant 3 : i32
    %mul3A_790 = vector.broadcast %mul3A_789 : i32 to vector<16xi32>
    %mul3A_791 = arith.muli %get3A_788, %mul3A_790 : vector<16xi32>
    %broadcast_in_dim3A_792 = arith.constant 9.99999997E-7 : f32
    %broadcast_in_dim3A_793 = vector.broadcast %broadcast_in_dim3A_792 : f32 to vector<16xf32>
    %add3A_794 = arith.constant 0 : i32
    %add3A_795 = vector.broadcast %add3A_794 : i32 to vector<16xi32>
    %add3A_796 = arith.addi %mul3A_786, %add3A_795 : vector<16xi32>
    %gather3A_797 = tpu.vector_load_idx %arg7[%add3A_796] : memref<30000xf32, #tpu.memory_space<vmem>>[vector<16xi32>], vector<16xf32>,
    %add3A_798 = arith.constant 0 : i32
    %add3A_799 = vector.broadcast %add3A_798 : i32 to vector<16xi32>
    %add3A_800 = arith.addi %mul3A_791, %add3A_799 : vector<16xi32>
    %gather3A_801 = tpu.vector_load_idx %arg7[%add3A_800] : memref<30000xf32, #tpu.memory_space<vmem>>[vector<16xi32>], vector<16xf32>,
    %sub3A_802 = arith.subf %gather3A_797, %gather3A_801 : vector<16xf32>
    %mul3A_803 = arith.mulf %sub3A_802, %sub3A_802 : vector<16xf32>
    %add3A_804 = arith.addf %broadcast_in_dim3A_793, %mul3A_803 : vector<16xf32>
    %add3A_805 = arith.constant 1 : i32
    %add3A_806 = vector.broadcast %add3A_805 : i32 to vector<16xi32>
    %add3A_807 = arith.addi %mul3A_786, %add3A_806 : vector<16xi32>
    %gather3A_808 = tpu.vector_load_idx %arg7[%add3A_807] : memref<30000xf32, #tpu.memory_space<vmem>>[vector<16xi32>], vector<16xf32>,
    %add3A_809 = arith.constant 1 : i32
    %add3A_810 = vector.broadcast %add3A_809 : i32 to vector<16xi32>
    %add3A_811 = arith.addi %mul3A_791, %add3A_810 : vector<16xi32>
    %gather3A_812 = tpu.vector_load_idx %arg7[%add3A_811] : memref<30000xf32, #tpu.memory_space<vmem>>[vector<16xi32>], vector<16xf32>,
    %sub3A_813 = arith.subf %gather3A_808, %gather3A_812 : vector<16xf32>
    %mul3A_814 = arith.mulf %sub3A_813, %sub3A_813 : vector<16xf32>
    %add3A_815 = arith.addf %add3A_804, %mul3A_814 : vector<16xf32>
    %add3A_816 = arith.constant 2 : i32
    %add3A_817 = vector.broadcast %add3A_816 : i32 to vector<16xi32>
    %add3A_818 = arith.addi %mul3A_786, %add3A_817 : vector<16xi32>
    %gather3A_819 = tpu.vector_load_idx %arg7[%add3A_818] : memref<30000xf32, #tpu.memory_space<vmem>>[vector<16xi32>], vector<16xf32>,
    %add3A_820 = arith.constant 2 : i32
    %add3A_821 = vector.broadcast %add3A_820 : i32 to vector<16xi32>
    %add3A_822 = arith.addi %mul3A_791, %add3A_821 : vector<16xi32>
    %gather3A_823 = tpu.vector_load_idx %arg7[%add3A_822] : memref<30000xf32, #tpu.memory_space<vmem>>[vector<16xi32>], vector<16xf32>,
    %sub3A_824 = arith.subf %gather3A_819, %gather3A_823 : vector<16xf32>
    %mul3A_825 = arith.mulf %sub3A_824, %sub3A_824 : vector<16xf32>
    %add3A_826 = arith.addf %add3A_815, %mul3A_825 : vector<16xf32>
    %div3A_827 = arith.constant 1.000000e+00 : f32
    %div3A_828 = vector.broadcast %div3A_827 : f32 to vector<16xf32>
    %div3A_829 = arith.divf %div3A_828, %add3A_826 : vector<16xf32>
    %swap3A_830 = arith.constant 48 : index
    %swap3A_831 = tpu.vector_load %arg14[%swap3A_830] {strides = array<i32>} : memref<64xf32, #tpu.memory_space<vmem>>, vector<16xf32>,
    tpu.vector_store %arg14[%swap3A_830], %div3A_829 {strides = array<i32>} : memref<64xf32, #tpu.memory_space<vmem>>, vector<16xf32>,
    %add3A_832 = arith.constant 9856 : i32
    %add3A_833 = arith.addi %mul3A_2, %add3A_832 : i32
    %dma_start3A_834 = arith.constant 0 : i32
    %dma_start3A_835 = tpu.memref_slice %arg14[%dma_start3A_834] : memref<64xf32, #tpu.memory_space<vmem>> -> memref<64xf32, #tpu.memory_space<vmem>>
    %dma_start3A_836 = tpu.memref_slice %arg6[%add3A_833] : memref<320000xf32, #tpu.memory_space<hbm>> -> memref<64xf32, #tpu.memory_space<hbm>>
    %dma_start3A_837 = tpu.memref_slice %arg6[%add3A_833] : memref<320000xf32, #tpu.memory_space<hbm>> -> memref<64xf32, #tpu.memory_space<hbm>>
    %dma_start3A_838 = arith.constant 0 : i32
    %dma_start3A_839 = tpu.memref_slice %arg14[%dma_start3A_838] : memref<64xf32, #tpu.memory_space<vmem>> -> memref<64xf32, #tpu.memory_space<vmem>>
    tpu.enqueue_dma source(%dma_start3A_839 : memref<64xf32, #tpu.memory_space<vmem>>) target(%dma_start3A_837 : memref<64xf32, #tpu.memory_space<hbm>>) target_semaphore(%arg25 : memref<!tpu.dma_semaphore, #tpu.memory_space<semaphore_mem>>)
    %dma_wait3A_840 = arith.constant 0 : i32
    %dma_wait3A_841 = arith.constant 0 : i32
    %dma_wait3A_842 = tpu.memref_slice %arg12[%dma_wait3A_840, %dma_wait3A_841] : memref<64x128xf32, #tpu.memory_space<vmem>> -> memref<64x128xf32, #tpu.memory_space<vmem>>
    %dma_wait3A_843 = arith.constant 0 : i32
    %dma_wait3A_844 = tpu.memref_slice %arg8[%dma_wait3A_843] : memref<64xi32, #tpu.memory_space<vmem>> -> memref<64xi32, #tpu.memory_space<vmem>>
    %dma_wait3A_845 = arith.constant 0 : i32
    %dma_wait3A_846 = arith.constant 0 : i32
    %dma_wait3A_847 = tpu.memref_slice %arg16[%dma_wait3A_845, %dma_wait3A_846] : memref<10000x128xf32, #tpu.memory_space<vmem_shared>> -> memref<10000x128xf32, #tpu.memory_space<vmem_shared>>
    tpu.wait_indirect_dma semaphore(%arg21 : memref<!tpu.dma_semaphore, #tpu.memory_space<semaphore_mem>>) src(%dma_wait3A_847 : memref<10000x128xf32, #tpu.memory_space<vmem_shared>>) dst(%dma_wait3A_842 : memref<64x128xf32, #tpu.memory_space<vmem>>)
    %add3A_848 = arith.constant 9856 : i32
    %add3A_849 = arith.addi %mul3A_2, %add3A_848 : i32
    %dma_start3A_850 = arith.constant 0 : i32
    %dma_start3A_851 = arith.constant 0 : i32
    %dma_start3A_852 = tpu.memref_slice %arg12[%dma_start3A_850, %dma_start3A_851] : memref<64x128xf32, #tpu.memory_space<vmem>> -> memref<64x128xf32, #tpu.memory_space<vmem>>
    %dma_start3A_853 = arith.constant 0 : i32
    %dma_start3A_854 = tpu.memref_slice %arg5[%add3A_849, %dma_start3A_853] : memref<320000x128xf32, #tpu.memory_space<hbm>> -> memref<64x128xf32, #tpu.memory_space<hbm>>
    %dma_start3A_855 = arith.constant 0 : i32
    %dma_start3A_856 = tpu.memref_slice %arg5[%add3A_849, %dma_start3A_855] : memref<320000x128xf32, #tpu.memory_space<hbm>> -> memref<64x128xf32, #tpu.memory_space<hbm>>
    %dma_start3A_857 = arith.constant 0 : i32
    %dma_start3A_858 = arith.constant 0 : i32
    %dma_start3A_859 = tpu.memref_slice %arg12[%dma_start3A_857, %dma_start3A_858] : memref<64x128xf32, #tpu.memory_space<vmem>> -> memref<64x128xf32, #tpu.memory_space<vmem>>
    tpu.enqueue_dma source(%dma_start3A_859 : memref<64x128xf32, #tpu.memory_space<vmem>>) target(%dma_start3A_856 : memref<64x128xf32, #tpu.memory_space<hbm>>) target_semaphore(%arg23 : memref<!tpu.dma_semaphore, #tpu.memory_space<semaphore_mem>>)
    %add3A_860 = arith.constant 9920 : i32
    %add3A_861 = arith.addi %mul3A_2, %add3A_860 : i32
    %dma_wait3A_862 = arith.constant 0 : i32
    %dma_wait3A_863 = tpu.memref_slice %arg9[%dma_wait3A_862] : memref<64xi32, #tpu.memory_space<vmem>> -> memref<64xi32, #tpu.memory_space<vmem>>
    %dma_wait3A_864 = tpu.memref_slice %arg4[%add3A_861] : memref<640000xi32, #tpu.memory_space<hbm>> -> memref<64xi32, #tpu.memory_space<hbm>>
    %dma_wait3A_865 = arith.constant 0 : i32
    %dma_wait3A_866 = tpu.memref_slice %arg9[%dma_wait3A_865] : memref<64xi32, #tpu.memory_space<vmem>> -> memref<64xi32, #tpu.memory_space<vmem>>
    %dma_wait3A_867 = tpu.memref_slice %arg4[%add3A_861] : memref<640000xi32, #tpu.memory_space<hbm>> -> memref<64xi32, #tpu.memory_space<hbm>>
    tpu.wait_dma2 semaphore(%arg18 : memref<!tpu.dma_semaphore, #tpu.memory_space<semaphore_mem>>) src(%dma_wait3A_867 : memref<64xi32, #tpu.memory_space<hbm>>) dst(%dma_wait3A_866 : memref<64xi32, #tpu.memory_space<vmem>>)
    %add3A_868 = arith.constant 320000 : i32
    %add3A_869 = arith.addi %add3A_868, %mul3A_2 : i32
    %add3A_870 = arith.constant 9920 : i32
    %add3A_871 = arith.addi %add3A_869, %add3A_870 : i32
    %dma_wait3A_872 = arith.constant 0 : i32
    %dma_wait3A_873 = tpu.memref_slice %arg11[%dma_wait3A_872] : memref<64xi32, #tpu.memory_space<vmem>> -> memref<64xi32, #tpu.memory_space<vmem>>
    %dma_wait3A_874 = tpu.memref_slice %arg4[%add3A_871] : memref<640000xi32, #tpu.memory_space<hbm>> -> memref<64xi32, #tpu.memory_space<hbm>>
    %dma_wait3A_875 = arith.constant 0 : i32
    %dma_wait3A_876 = tpu.memref_slice %arg11[%dma_wait3A_875] : memref<64xi32, #tpu.memory_space<vmem>> -> memref<64xi32, #tpu.memory_space<vmem>>
    %dma_wait3A_877 = tpu.memref_slice %arg4[%add3A_871] : memref<640000xi32, #tpu.memory_space<hbm>> -> memref<64xi32, #tpu.memory_space<hbm>>
    tpu.wait_dma2 semaphore(%arg20 : memref<!tpu.dma_semaphore, #tpu.memory_space<semaphore_mem>>) src(%dma_wait3A_877 : memref<64xi32, #tpu.memory_space<hbm>>) dst(%dma_wait3A_876 : memref<64xi32, #tpu.memory_space<vmem>>)
    %add3A_878 = arith.constant 9984 : i32
    %add3A_879 = arith.addi %mul3A_2, %add3A_878 : i32
    %dma_start3A_880 = arith.constant 0 : i32
    %dma_start3A_881 = tpu.memref_slice %arg8[%dma_start3A_880] : memref<64xi32, #tpu.memory_space<vmem>> -> memref<16xi32, #tpu.memory_space<vmem>>
    %dma_start3A_882 = tpu.memref_slice %arg4[%add3A_879] : memref<640000xi32, #tpu.memory_space<hbm>> -> memref<16xi32, #tpu.memory_space<hbm>>
    %dma_start3A_883 = arith.constant 0 : i32
    %dma_start3A_884 = tpu.memref_slice %arg8[%dma_start3A_883] : memref<64xi32, #tpu.memory_space<vmem>> -> memref<16xi32, #tpu.memory_space<vmem>>
    %dma_start3A_885 = tpu.memref_slice %arg4[%add3A_879] : memref<640000xi32, #tpu.memory_space<hbm>> -> memref<16xi32, #tpu.memory_space<hbm>>
    tpu.enqueue_dma source(%dma_start3A_885 : memref<16xi32, #tpu.memory_space<hbm>>) target(%dma_start3A_884 : memref<16xi32, #tpu.memory_space<vmem>>) target_semaphore(%arg17 : memref<!tpu.dma_semaphore, #tpu.memory_space<semaphore_mem>>)
    %add3A_886 = arith.constant 320000 : i32
    %add3A_887 = arith.addi %add3A_886, %mul3A_2 : i32
    %add3A_888 = arith.constant 9984 : i32
    %add3A_889 = arith.addi %add3A_887, %add3A_888 : i32
    %dma_start3A_890 = arith.constant 0 : i32
    %dma_start3A_891 = tpu.memref_slice %arg10[%dma_start3A_890] : memref<64xi32, #tpu.memory_space<vmem>> -> memref<16xi32, #tpu.memory_space<vmem>>
    %dma_start3A_892 = tpu.memref_slice %arg4[%add3A_889] : memref<640000xi32, #tpu.memory_space<hbm>> -> memref<16xi32, #tpu.memory_space<hbm>>
    %dma_start3A_893 = arith.constant 0 : i32
    %dma_start3A_894 = tpu.memref_slice %arg10[%dma_start3A_893] : memref<64xi32, #tpu.memory_space<vmem>> -> memref<16xi32, #tpu.memory_space<vmem>>
    %dma_start3A_895 = tpu.memref_slice %arg4[%add3A_889] : memref<640000xi32, #tpu.memory_space<hbm>> -> memref<16xi32, #tpu.memory_space<hbm>>
    tpu.enqueue_dma source(%dma_start3A_895 : memref<16xi32, #tpu.memory_space<hbm>>) target(%dma_start3A_894 : memref<16xi32, #tpu.memory_space<vmem>>) target_semaphore(%arg19 : memref<!tpu.dma_semaphore, #tpu.memory_space<semaphore_mem>>)
    %add3A_896 = arith.constant 9792 : i32
    %add3A_897 = arith.addi %mul3A_2, %add3A_896 : i32
    %dma_wait3A_898 = arith.constant 0 : i32
    %dma_wait3A_899 = arith.constant 0 : i32
    %dma_wait3A_900 = tpu.memref_slice %arg13[%dma_wait3A_898, %dma_wait3A_899] : memref<64x128xf32, #tpu.memory_space<vmem>> -> memref<64x128xf32, #tpu.memory_space<vmem>>
    %dma_wait3A_901 = arith.constant 0 : i32
    %dma_wait3A_902 = tpu.memref_slice %arg5[%add3A_897, %dma_wait3A_901] : memref<320000x128xf32, #tpu.memory_space<hbm>> -> memref<64x128xf32, #tpu.memory_space<hbm>>
    %dma_wait3A_903 = arith.constant 0 : i32
    %dma_wait3A_904 = tpu.memref_slice %arg5[%add3A_897, %dma_wait3A_903] : memref<320000x128xf32, #tpu.memory_space<hbm>> -> memref<64x128xf32, #tpu.memory_space<hbm>>
    %dma_wait3A_905 = arith.constant 0 : i32
    %dma_wait3A_906 = arith.constant 0 : i32
    %dma_wait3A_907 = tpu.memref_slice %arg13[%dma_wait3A_905, %dma_wait3A_906] : memref<64x128xf32, #tpu.memory_space<vmem>> -> memref<64x128xf32, #tpu.memory_space<vmem>>
    tpu.wait_dma2 semaphore(%arg24 : memref<!tpu.dma_semaphore, #tpu.memory_space<semaphore_mem>>) src(%dma_wait3A_907 : memref<64x128xf32, #tpu.memory_space<vmem>>) dst(%dma_wait3A_904 : memref<64x128xf32, #tpu.memory_space<hbm>>)
    %dma_start3A_908 = arith.constant 0 : i32
    %dma_start3A_909 = arith.constant 0 : i32
    %dma_start3A_910 = tpu.memref_slice %arg13[%dma_start3A_908, %dma_start3A_909] : memref<64x128xf32, #tpu.memory_space<vmem>> -> memref<64x128xf32, #tpu.memory_space<vmem>>
    %dma_start3A_911 = arith.constant 0 : i32
    %dma_start3A_912 = tpu.memref_slice %arg9[%dma_start3A_911] : memref<64xi32, #tpu.memory_space<vmem>> -> memref<64xi32, #tpu.memory_space<vmem>>
    %dma_start3A_913 = arith.constant 0 : i32
    %dma_start3A_914 = arith.constant 0 : i32
    %dma_start3A_915 = tpu.memref_slice %arg16[%dma_start3A_913, %dma_start3A_914] : memref<10000x128xf32, #tpu.memory_space<vmem_shared>> -> memref<10000x128xf32, #tpu.memory_space<vmem_shared>>
    tpu.enqueue_indirect_dma source(%dma_start3A_915 : memref<10000x128xf32, #tpu.memory_space<vmem_shared>>) target(%dma_start3A_910 : memref<64x128xf32, #tpu.memory_space<vmem>>) offsets(%dma_start3A_912 : memref<64xi32, #tpu.memory_space<vmem>>) semaphore(%arg22 : memref<!tpu.dma_semaphore, #tpu.memory_space<semaphore_mem>>)
    %add3A_916 = arith.constant 9792 : i32
    %add3A_917 = arith.addi %mul3A_2, %add3A_916 : i32
    %dma_wait3A_918 = arith.constant 0 : i32
    %dma_wait3A_919 = tpu.memref_slice %arg15[%dma_wait3A_918] : memref<64xf32, #tpu.memory_space<vmem>> -> memref<64xf32, #tpu.memory_space<vmem>>
    %dma_wait3A_920 = tpu.memref_slice %arg6[%add3A_917] : memref<320000xf32, #tpu.memory_space<hbm>> -> memref<64xf32, #tpu.memory_space<hbm>>
    %dma_wait3A_921 = tpu.memref_slice %arg6[%add3A_917] : memref<320000xf32, #tpu.memory_space<hbm>> -> memref<64xf32, #tpu.memory_space<hbm>>
    %dma_wait3A_922 = arith.constant 0 : i32
    %dma_wait3A_923 = tpu.memref_slice %arg15[%dma_wait3A_922] : memref<64xf32, #tpu.memory_space<vmem>> -> memref<64xf32, #tpu.memory_space<vmem>>
    tpu.wait_dma2 semaphore(%arg26 : memref<!tpu.dma_semaphore, #tpu.memory_space<semaphore_mem>>) src(%dma_wait3A_923 : memref<64xf32, #tpu.memory_space<vmem>>) dst(%dma_wait3A_921 : memref<64xf32, #tpu.memory_space<hbm>>)
    %get3A_924 = arith.constant 0 : index
    %get3A_925 = tpu.vector_load %arg9[%get3A_924] {strides = array<i32>} : memref<64xi32, #tpu.memory_space<vmem>>, vector<16xi32>,
    %mul3A_926 = arith.constant 3 : i32
    %mul3A_927 = vector.broadcast %mul3A_926 : i32 to vector<16xi32>
    %mul3A_928 = arith.muli %get3A_925, %mul3A_927 : vector<16xi32>
    %get3A_929 = arith.constant 0 : index
    %get3A_930 = tpu.vector_load %arg11[%get3A_929] {strides = array<i32>} : memref<64xi32, #tpu.memory_space<vmem>>, vector<16xi32>,
    %mul3A_931 = arith.constant 3 : i32
    %mul3A_932 = vector.broadcast %mul3A_931 : i32 to vector<16xi32>
    %mul3A_933 = arith.muli %get3A_930, %mul3A_932 : vector<16xi32>
    %broadcast_in_dim3A_934 = arith.constant 9.99999997E-7 : f32
    %broadcast_in_dim3A_935 = vector.broadcast %broadcast_in_dim3A_934 : f32 to vector<16xf32>
    %add3A_936 = arith.constant 0 : i32
    %add3A_937 = vector.broadcast %add3A_936 : i32 to vector<16xi32>
    %add3A_938 = arith.addi %mul3A_928, %add3A_937 : vector<16xi32>
    %gather3A_939 = tpu.vector_load_idx %arg7[%add3A_938] : memref<30000xf32, #tpu.memory_space<vmem>>[vector<16xi32>], vector<16xf32>,
    %add3A_940 = arith.constant 0 : i32
    %add3A_941 = vector.broadcast %add3A_940 : i32 to vector<16xi32>
    %add3A_942 = arith.addi %mul3A_933, %add3A_941 : vector<16xi32>
    %gather3A_943 = tpu.vector_load_idx %arg7[%add3A_942] : memref<30000xf32, #tpu.memory_space<vmem>>[vector<16xi32>], vector<16xf32>,
    %sub3A_944 = arith.subf %gather3A_939, %gather3A_943 : vector<16xf32>
    %mul3A_945 = arith.mulf %sub3A_944, %sub3A_944 : vector<16xf32>
    %add3A_946 = arith.addf %broadcast_in_dim3A_935, %mul3A_945 : vector<16xf32>
    %add3A_947 = arith.constant 1 : i32
    %add3A_948 = vector.broadcast %add3A_947 : i32 to vector<16xi32>
    %add3A_949 = arith.addi %mul3A_928, %add3A_948 : vector<16xi32>
    %gather3A_950 = tpu.vector_load_idx %arg7[%add3A_949] : memref<30000xf32, #tpu.memory_space<vmem>>[vector<16xi32>], vector<16xf32>,
    %add3A_951 = arith.constant 1 : i32
    %add3A_952 = vector.broadcast %add3A_951 : i32 to vector<16xi32>
    %add3A_953 = arith.addi %mul3A_933, %add3A_952 : vector<16xi32>
    %gather3A_954 = tpu.vector_load_idx %arg7[%add3A_953] : memref<30000xf32, #tpu.memory_space<vmem>>[vector<16xi32>], vector<16xf32>,
    %sub3A_955 = arith.subf %gather3A_950, %gather3A_954 : vector<16xf32>
    %mul3A_956 = arith.mulf %sub3A_955, %sub3A_955 : vector<16xf32>
    %add3A_957 = arith.addf %add3A_946, %mul3A_956 : vector<16xf32>
    %add3A_958 = arith.constant 2 : i32
    %add3A_959 = vector.broadcast %add3A_958 : i32 to vector<16xi32>
    %add3A_960 = arith.addi %mul3A_928, %add3A_959 : vector<16xi32>
    %gather3A_961 = tpu.vector_load_idx %arg7[%add3A_960] : memref<30000xf32, #tpu.memory_space<vmem>>[vector<16xi32>], vector<16xf32>,
    %add3A_962 = arith.constant 2 : i32
    %add3A_963 = vector.broadcast %add3A_962 : i32 to vector<16xi32>
    %add3A_964 = arith.addi %mul3A_933, %add3A_963 : vector<16xi32>
    %gather3A_965 = tpu.vector_load_idx %arg7[%add3A_964] : memref<30000xf32, #tpu.memory_space<vmem>>[vector<16xi32>], vector<16xf32>,
    %sub3A_966 = arith.subf %gather3A_961, %gather3A_965 : vector<16xf32>
    %mul3A_967 = arith.mulf %sub3A_966, %sub3A_966 : vector<16xf32>
    %add3A_968 = arith.addf %add3A_957, %mul3A_967 : vector<16xf32>
    %div3A_969 = arith.constant 1.000000e+00 : f32
    %div3A_970 = vector.broadcast %div3A_969 : f32 to vector<16xf32>
    %div3A_971 = arith.divf %div3A_970, %add3A_968 : vector<16xf32>
    %swap3A_972 = arith.constant 0 : index
    %swap3A_973 = tpu.vector_load %arg15[%swap3A_972] {strides = array<i32>} : memref<64xf32, #tpu.memory_space<vmem>>, vector<16xf32>,
    tpu.vector_store %arg15[%swap3A_972], %div3A_971 {strides = array<i32>} : memref<64xf32, #tpu.memory_space<vmem>>, vector<16xf32>,
    %get3A_974 = arith.constant 16 : index
    %get3A_975 = tpu.vector_load %arg9[%get3A_974] {strides = array<i32>} : memref<64xi32, #tpu.memory_space<vmem>>, vector<16xi32>,
    %mul3A_976 = arith.constant 3 : i32
    %mul3A_977 = vector.broadcast %mul3A_976 : i32 to vector<16xi32>
    %mul3A_978 = arith.muli %get3A_975, %mul3A_977 : vector<16xi32>
    %get3A_979 = arith.constant 16 : index
    %get3A_980 = tpu.vector_load %arg11[%get3A_979] {strides = array<i32>} : memref<64xi32, #tpu.memory_space<vmem>>, vector<16xi32>,
    %mul3A_981 = arith.constant 3 : i32
    %mul3A_982 = vector.broadcast %mul3A_981 : i32 to vector<16xi32>
    %mul3A_983 = arith.muli %get3A_980, %mul3A_982 : vector<16xi32>
    %broadcast_in_dim3A_984 = arith.constant 9.99999997E-7 : f32
    %broadcast_in_dim3A_985 = vector.broadcast %broadcast_in_dim3A_984 : f32 to vector<16xf32>
    %add3A_986 = arith.constant 0 : i32
    %add3A_987 = vector.broadcast %add3A_986 : i32 to vector<16xi32>
    %add3A_988 = arith.addi %mul3A_978, %add3A_987 : vector<16xi32>
    %gather3A_989 = tpu.vector_load_idx %arg7[%add3A_988] : memref<30000xf32, #tpu.memory_space<vmem>>[vector<16xi32>], vector<16xf32>,
    %add3A_990 = arith.constant 0 : i32
    %add3A_991 = vector.broadcast %add3A_990 : i32 to vector<16xi32>
    %add3A_992 = arith.addi %mul3A_983, %add3A_991 : vector<16xi32>
    %gather3A_993 = tpu.vector_load_idx %arg7[%add3A_992] : memref<30000xf32, #tpu.memory_space<vmem>>[vector<16xi32>], vector<16xf32>,
    %sub3A_994 = arith.subf %gather3A_989, %gather3A_993 : vector<16xf32>
    %mul3A_995 = arith.mulf %sub3A_994, %sub3A_994 : vector<16xf32>
    %add3A_996 = arith.addf %broadcast_in_dim3A_985, %mul3A_995 : vector<16xf32>
    %add3A_997 = arith.constant 1 : i32
    %add3A_998 = vector.broadcast %add3A_997 : i32 to vector<16xi32>
    %add3A_999 = arith.addi %mul3A_978, %add3A_998 : vector<16xi32>
    %gather3A_1000 = tpu.vector_load_idx %arg7[%add3A_999] : memref<30000xf32, #tpu.memory_space<vmem>>[vector<16xi32>], vector<16xf32>,
    %add3A_1001 = arith.constant 1 : i32
    %add3A_1002 = vector.broadcast %add3A_1001 : i32 to vector<16xi32>
    %add3A_1003 = arith.addi %mul3A_983, %add3A_1002 : vector<16xi32>
    %gather3A_1004 = tpu.vector_load_idx %arg7[%add3A_1003] : memref<30000xf32, #tpu.memory_space<vmem>>[vector<16xi32>], vector<16xf32>,
    %sub3A_1005 = arith.subf %gather3A_1000, %gather3A_1004 : vector<16xf32>
    %mul3A_1006 = arith.mulf %sub3A_1005, %sub3A_1005 : vector<16xf32>
    %add3A_1007 = arith.addf %add3A_996, %mul3A_1006 : vector<16xf32>
    %add3A_1008 = arith.constant 2 : i32
    %add3A_1009 = vector.broadcast %add3A_1008 : i32 to vector<16xi32>
    %add3A_1010 = arith.addi %mul3A_978, %add3A_1009 : vector<16xi32>
    %gather3A_1011 = tpu.vector_load_idx %arg7[%add3A_1010] : memref<30000xf32, #tpu.memory_space<vmem>>[vector<16xi32>], vector<16xf32>,
    %add3A_1012 = arith.constant 2 : i32
    %add3A_1013 = vector.broadcast %add3A_1012 : i32 to vector<16xi32>
    %add3A_1014 = arith.addi %mul3A_983, %add3A_1013 : vector<16xi32>
    %gather3A_1015 = tpu.vector_load_idx %arg7[%add3A_1014] : memref<30000xf32, #tpu.memory_space<vmem>>[vector<16xi32>], vector<16xf32>,
    %sub3A_1016 = arith.subf %gather3A_1011, %gather3A_1015 : vector<16xf32>
    %mul3A_1017 = arith.mulf %sub3A_1016, %sub3A_1016 : vector<16xf32>
    %add3A_1018 = arith.addf %add3A_1007, %mul3A_1017 : vector<16xf32>
    %div3A_1019 = arith.constant 1.000000e+00 : f32
    %div3A_1020 = vector.broadcast %div3A_1019 : f32 to vector<16xf32>
    %div3A_1021 = arith.divf %div3A_1020, %add3A_1018 : vector<16xf32>
    %swap3A_1022 = arith.constant 16 : index
    %swap3A_1023 = tpu.vector_load %arg15[%swap3A_1022] {strides = array<i32>} : memref<64xf32, #tpu.memory_space<vmem>>, vector<16xf32>,
    tpu.vector_store %arg15[%swap3A_1022], %div3A_1021 {strides = array<i32>} : memref<64xf32, #tpu.memory_space<vmem>>, vector<16xf32>,
    %get3A_1024 = arith.constant 32 : index
    %get3A_1025 = tpu.vector_load %arg9[%get3A_1024] {strides = array<i32>} : memref<64xi32, #tpu.memory_space<vmem>>, vector<16xi32>,
    %mul3A_1026 = arith.constant 3 : i32
    %mul3A_1027 = vector.broadcast %mul3A_1026 : i32 to vector<16xi32>
    %mul3A_1028 = arith.muli %get3A_1025, %mul3A_1027 : vector<16xi32>
    %get3A_1029 = arith.constant 32 : index
    %get3A_1030 = tpu.vector_load %arg11[%get3A_1029] {strides = array<i32>} : memref<64xi32, #tpu.memory_space<vmem>>, vector<16xi32>,
    %mul3A_1031 = arith.constant 3 : i32
    %mul3A_1032 = vector.broadcast %mul3A_1031 : i32 to vector<16xi32>
    %mul3A_1033 = arith.muli %get3A_1030, %mul3A_1032 : vector<16xi32>
    %broadcast_in_dim3A_1034 = arith.constant 9.99999997E-7 : f32
    %broadcast_in_dim3A_1035 = vector.broadcast %broadcast_in_dim3A_1034 : f32 to vector<16xf32>
    %add3A_1036 = arith.constant 0 : i32
    %add3A_1037 = vector.broadcast %add3A_1036 : i32 to vector<16xi32>
    %add3A_1038 = arith.addi %mul3A_1028, %add3A_1037 : vector<16xi32>
    %gather3A_1039 = tpu.vector_load_idx %arg7[%add3A_1038] : memref<30000xf32, #tpu.memory_space<vmem>>[vector<16xi32>], vector<16xf32>,
    %add3A_1040 = arith.constant 0 : i32
    %add3A_1041 = vector.broadcast %add3A_1040 : i32 to vector<16xi32>
    %add3A_1042 = arith.addi %mul3A_1033, %add3A_1041 : vector<16xi32>
    %gather3A_1043 = tpu.vector_load_idx %arg7[%add3A_1042] : memref<30000xf32, #tpu.memory_space<vmem>>[vector<16xi32>], vector<16xf32>,
    %sub3A_1044 = arith.subf %gather3A_1039, %gather3A_1043 : vector<16xf32>
    %mul3A_1045 = arith.mulf %sub3A_1044, %sub3A_1044 : vector<16xf32>
    %add3A_1046 = arith.addf %broadcast_in_dim3A_1035, %mul3A_1045 : vector<16xf32>
    %add3A_1047 = arith.constant 1 : i32
    %add3A_1048 = vector.broadcast %add3A_1047 : i32 to vector<16xi32>
    %add3A_1049 = arith.addi %mul3A_1028, %add3A_1048 : vector<16xi32>
    %gather3A_1050 = tpu.vector_load_idx %arg7[%add3A_1049] : memref<30000xf32, #tpu.memory_space<vmem>>[vector<16xi32>], vector<16xf32>,
    %add3A_1051 = arith.constant 1 : i32
    %add3A_1052 = vector.broadcast %add3A_1051 : i32 to vector<16xi32>
    %add3A_1053 = arith.addi %mul3A_1033, %add3A_1052 : vector<16xi32>
    %gather3A_1054 = tpu.vector_load_idx %arg7[%add3A_1053] : memref<30000xf32, #tpu.memory_space<vmem>>[vector<16xi32>], vector<16xf32>,
    %sub3A_1055 = arith.subf %gather3A_1050, %gather3A_1054 : vector<16xf32>
    %mul3A_1056 = arith.mulf %sub3A_1055, %sub3A_1055 : vector<16xf32>
    %add3A_1057 = arith.addf %add3A_1046, %mul3A_1056 : vector<16xf32>
    %add3A_1058 = arith.constant 2 : i32
    %add3A_1059 = vector.broadcast %add3A_1058 : i32 to vector<16xi32>
    %add3A_1060 = arith.addi %mul3A_1028, %add3A_1059 : vector<16xi32>
    %gather3A_1061 = tpu.vector_load_idx %arg7[%add3A_1060] : memref<30000xf32, #tpu.memory_space<vmem>>[vector<16xi32>], vector<16xf32>,
    %add3A_1062 = arith.constant 2 : i32
    %add3A_1063 = vector.broadcast %add3A_1062 : i32 to vector<16xi32>
    %add3A_1064 = arith.addi %mul3A_1033, %add3A_1063 : vector<16xi32>
    %gather3A_1065 = tpu.vector_load_idx %arg7[%add3A_1064] : memref<30000xf32, #tpu.memory_space<vmem>>[vector<16xi32>], vector<16xf32>,
    %sub3A_1066 = arith.subf %gather3A_1061, %gather3A_1065 : vector<16xf32>
    %mul3A_1067 = arith.mulf %sub3A_1066, %sub3A_1066 : vector<16xf32>
    %add3A_1068 = arith.addf %add3A_1057, %mul3A_1067 : vector<16xf32>
    %div3A_1069 = arith.constant 1.000000e+00 : f32
    %div3A_1070 = vector.broadcast %div3A_1069 : f32 to vector<16xf32>
    %div3A_1071 = arith.divf %div3A_1070, %add3A_1068 : vector<16xf32>
    %swap3A_1072 = arith.constant 32 : index
    %swap3A_1073 = tpu.vector_load %arg15[%swap3A_1072] {strides = array<i32>} : memref<64xf32, #tpu.memory_space<vmem>>, vector<16xf32>,
    tpu.vector_store %arg15[%swap3A_1072], %div3A_1071 {strides = array<i32>} : memref<64xf32, #tpu.memory_space<vmem>>, vector<16xf32>,
    %get3A_1074 = arith.constant 48 : index
    %get3A_1075 = tpu.vector_load %arg9[%get3A_1074] {strides = array<i32>} : memref<64xi32, #tpu.memory_space<vmem>>, vector<16xi32>,
    %mul3A_1076 = arith.constant 3 : i32
    %mul3A_1077 = vector.broadcast %mul3A_1076 : i32 to vector<16xi32>
    %mul3A_1078 = arith.muli %get3A_1075, %mul3A_1077 : vector<16xi32>
    %get3A_1079 = arith.constant 48 : index
    %get3A_1080 = tpu.vector_load %arg11[%get3A_1079] {strides = array<i32>} : memref<64xi32, #tpu.memory_space<vmem>>, vector<16xi32>,
    %mul3A_1081 = arith.constant 3 : i32
    %mul3A_1082 = vector.broadcast %mul3A_1081 : i32 to vector<16xi32>
    %mul3A_1083 = arith.muli %get3A_1080, %mul3A_1082 : vector<16xi32>
    %broadcast_in_dim3A_1084 = arith.constant 9.99999997E-7 : f32
    %broadcast_in_dim3A_1085 = vector.broadcast %broadcast_in_dim3A_1084 : f32 to vector<16xf32>
    %add3A_1086 = arith.constant 0 : i32
    %add3A_1087 = vector.broadcast %add3A_1086 : i32 to vector<16xi32>
    %add3A_1088 = arith.addi %mul3A_1078, %add3A_1087 : vector<16xi32>
    %gather3A_1089 = tpu.vector_load_idx %arg7[%add3A_1088] : memref<30000xf32, #tpu.memory_space<vmem>>[vector<16xi32>], vector<16xf32>,
    %add3A_1090 = arith.constant 0 : i32
    %add3A_1091 = vector.broadcast %add3A_1090 : i32 to vector<16xi32>
    %add3A_1092 = arith.addi %mul3A_1083, %add3A_1091 : vector<16xi32>
    %gather3A_1093 = tpu.vector_load_idx %arg7[%add3A_1092] : memref<30000xf32, #tpu.memory_space<vmem>>[vector<16xi32>], vector<16xf32>,
    %sub3A_1094 = arith.subf %gather3A_1089, %gather3A_1093 : vector<16xf32>
    %mul3A_1095 = arith.mulf %sub3A_1094, %sub3A_1094 : vector<16xf32>
    %add3A_1096 = arith.addf %broadcast_in_dim3A_1085, %mul3A_1095 : vector<16xf32>
    %add3A_1097 = arith.constant 1 : i32
    %add3A_1098 = vector.broadcast %add3A_1097 : i32 to vector<16xi32>
    %add3A_1099 = arith.addi %mul3A_1078, %add3A_1098 : vector<16xi32>
    %gather3A_1100 = tpu.vector_load_idx %arg7[%add3A_1099] : memref<30000xf32, #tpu.memory_space<vmem>>[vector<16xi32>], vector<16xf32>,
    %add3A_1101 = arith.constant 1 : i32
    %add3A_1102 = vector.broadcast %add3A_1101 : i32 to vector<16xi32>
    %add3A_1103 = arith.addi %mul3A_1083, %add3A_1102 : vector<16xi32>
    %gather3A_1104 = tpu.vector_load_idx %arg7[%add3A_1103] : memref<30000xf32, #tpu.memory_space<vmem>>[vector<16xi32>], vector<16xf32>,
    %sub3A_1105 = arith.subf %gather3A_1100, %gather3A_1104 : vector<16xf32>
    %mul3A_1106 = arith.mulf %sub3A_1105, %sub3A_1105 : vector<16xf32>
    %add3A_1107 = arith.addf %add3A_1096, %mul3A_1106 : vector<16xf32>
    %add3A_1108 = arith.constant 2 : i32
    %add3A_1109 = vector.broadcast %add3A_1108 : i32 to vector<16xi32>
    %add3A_1110 = arith.addi %mul3A_1078, %add3A_1109 : vector<16xi32>
    %gather3A_1111 = tpu.vector_load_idx %arg7[%add3A_1110] : memref<30000xf32, #tpu.memory_space<vmem>>[vector<16xi32>], vector<16xf32>,
    %add3A_1112 = arith.constant 2 : i32
    %add3A_1113 = vector.broadcast %add3A_1112 : i32 to vector<16xi32>
    %add3A_1114 = arith.addi %mul3A_1083, %add3A_1113 : vector<16xi32>
    %gather3A_1115 = tpu.vector_load_idx %arg7[%add3A_1114] : memref<30000xf32, #tpu.memory_space<vmem>>[vector<16xi32>], vector<16xf32>,
    %sub3A_1116 = arith.subf %gather3A_1111, %gather3A_1115 : vector<16xf32>
    %mul3A_1117 = arith.mulf %sub3A_1116, %sub3A_1116 : vector<16xf32>
    %add3A_1118 = arith.addf %add3A_1107, %mul3A_1117 : vector<16xf32>
    %div3A_1119 = arith.constant 1.000000e+00 : f32
    %div3A_1120 = vector.broadcast %div3A_1119 : f32 to vector<16xf32>
    %div3A_1121 = arith.divf %div3A_1120, %add3A_1118 : vector<16xf32>
    %swap3A_1122 = arith.constant 48 : index
    %swap3A_1123 = tpu.vector_load %arg15[%swap3A_1122] {strides = array<i32>} : memref<64xf32, #tpu.memory_space<vmem>>, vector<16xf32>,
    tpu.vector_store %arg15[%swap3A_1122], %div3A_1121 {strides = array<i32>} : memref<64xf32, #tpu.memory_space<vmem>>, vector<16xf32>,
    %add3A_1124 = arith.constant 9920 : i32
    %add3A_1125 = arith.addi %mul3A_2, %add3A_1124 : i32
    %dma_start3A_1126 = arith.constant 0 : i32
    %dma_start3A_1127 = tpu.memref_slice %arg15[%dma_start3A_1126] : memref<64xf32, #tpu.memory_space<vmem>> -> memref<64xf32, #tpu.memory_space<vmem>>
    %dma_start3A_1128 = tpu.memref_slice %arg6[%add3A_1125] : memref<320000xf32, #tpu.memory_space<hbm>> -> memref<64xf32, #tpu.memory_space<hbm>>
    %dma_start3A_1129 = tpu.memref_slice %arg6[%add3A_1125] : memref<320000xf32, #tpu.memory_space<hbm>> -> memref<64xf32, #tpu.memory_space<hbm>>
    %dma_start3A_1130 = arith.constant 0 : i32
    %dma_start3A_1131 = tpu.memref_slice %arg15[%dma_start3A_1130] : memref<64xf32, #tpu.memory_space<vmem>> -> memref<64xf32, #tpu.memory_space<vmem>>
    tpu.enqueue_dma source(%dma_start3A_1131 : memref<64xf32, #tpu.memory_space<vmem>>) target(%dma_start3A_1129 : memref<64xf32, #tpu.memory_space<hbm>>) target_semaphore(%arg26 : memref<!tpu.dma_semaphore, #tpu.memory_space<semaphore_mem>>)
    %dma_wait3A_1132 = arith.constant 0 : i32
    %dma_wait3A_1133 = arith.constant 0 : i32
    %dma_wait3A_1134 = tpu.memref_slice %arg13[%dma_wait3A_1132, %dma_wait3A_1133] : memref<64x128xf32, #tpu.memory_space<vmem>> -> memref<64x128xf32, #tpu.memory_space<vmem>>
    %dma_wait3A_1135 = arith.constant 0 : i32
    %dma_wait3A_1136 = tpu.memref_slice %arg9[%dma_wait3A_1135] : memref<64xi32, #tpu.memory_space<vmem>> -> memref<64xi32, #tpu.memory_space<vmem>>
    %dma_wait3A_1137 = arith.constant 0 : i32
    %dma_wait3A_1138 = arith.constant 0 : i32
    %dma_wait3A_1139 = tpu.memref_slice %arg16[%dma_wait3A_1137, %dma_wait3A_1138] : memref<10000x128xf32, #tpu.memory_space<vmem_shared>> -> memref<10000x128xf32, #tpu.memory_space<vmem_shared>>
    tpu.wait_indirect_dma semaphore(%arg22 : memref<!tpu.dma_semaphore, #tpu.memory_space<semaphore_mem>>) src(%dma_wait3A_1139 : memref<10000x128xf32, #tpu.memory_space<vmem_shared>>) dst(%dma_wait3A_1134 : memref<64x128xf32, #tpu.memory_space<vmem>>)
    %add3A_1140 = arith.constant 9920 : i32
    %add3A_1141 = arith.addi %mul3A_2, %add3A_1140 : i32
    %dma_start3A_1142 = arith.constant 0 : i32
    %dma_start3A_1143 = arith.constant 0 : i32
    %dma_start3A_1144 = tpu.memref_slice %arg13[%dma_start3A_1142, %dma_start3A_1143] : memref<64x128xf32, #tpu.memory_space<vmem>> -> memref<64x128xf32, #tpu.memory_space<vmem>>
    %dma_start3A_1145 = arith.constant 0 : i32
    %dma_start3A_1146 = tpu.memref_slice %arg5[%add3A_1141, %dma_start3A_1145] : memref<320000x128xf32, #tpu.memory_space<hbm>> -> memref<64x128xf32, #tpu.memory_space<hbm>>
    %dma_start3A_1147 = arith.constant 0 : i32
    %dma_start3A_1148 = tpu.memref_slice %arg5[%add3A_1141, %dma_start3A_1147] : memref<320000x128xf32, #tpu.memory_space<hbm>> -> memref<64x128xf32, #tpu.memory_space<hbm>>
    %dma_start3A_1149 = arith.constant 0 : i32
    %dma_start3A_1150 = arith.constant 0 : i32
    %dma_start3A_1151 = tpu.memref_slice %arg13[%dma_start3A_1149, %dma_start3A_1150] : memref<64x128xf32, #tpu.memory_space<vmem>> -> memref<64x128xf32, #tpu.memory_space<vmem>>
    tpu.enqueue_dma source(%dma_start3A_1151 : memref<64x128xf32, #tpu.memory_space<vmem>>) target(%dma_start3A_1148 : memref<64x128xf32, #tpu.memory_space<hbm>>) target_semaphore(%arg24 : memref<!tpu.dma_semaphore, #tpu.memory_space<semaphore_mem>>)
    %add3A_1152 = arith.constant 9984 : i32
    %add3A_1153 = arith.addi %mul3A_2, %add3A_1152 : i32
    %dma_wait3A_1154 = arith.constant 0 : i32
    %dma_wait3A_1155 = tpu.memref_slice %arg8[%dma_wait3A_1154] : memref<64xi32, #tpu.memory_space<vmem>> -> memref<16xi32, #tpu.memory_space<vmem>>
    %dma_wait3A_1156 = tpu.memref_slice %arg4[%add3A_1153] : memref<640000xi32, #tpu.memory_space<hbm>> -> memref<16xi32, #tpu.memory_space<hbm>>
    %dma_wait3A_1157 = arith.constant 0 : i32
    %dma_wait3A_1158 = tpu.memref_slice %arg8[%dma_wait3A_1157] : memref<64xi32, #tpu.memory_space<vmem>> -> memref<16xi32, #tpu.memory_space<vmem>>
    %dma_wait3A_1159 = tpu.memref_slice %arg4[%add3A_1153] : memref<640000xi32, #tpu.memory_space<hbm>> -> memref<16xi32, #tpu.memory_space<hbm>>
    tpu.wait_dma2 semaphore(%arg17 : memref<!tpu.dma_semaphore, #tpu.memory_space<semaphore_mem>>) src(%dma_wait3A_1159 : memref<16xi32, #tpu.memory_space<hbm>>) dst(%dma_wait3A_1158 : memref<16xi32, #tpu.memory_space<vmem>>)
    %add3A_1160 = arith.constant 320000 : i32
    %add3A_1161 = arith.addi %add3A_1160, %mul3A_2 : i32
    %add3A_1162 = arith.constant 9984 : i32
    %add3A_1163 = arith.addi %add3A_1161, %add3A_1162 : i32
    %dma_wait3A_1164 = arith.constant 0 : i32
    %dma_wait3A_1165 = tpu.memref_slice %arg10[%dma_wait3A_1164] : memref<64xi32, #tpu.memory_space<vmem>> -> memref<16xi32, #tpu.memory_space<vmem>>
    %dma_wait3A_1166 = tpu.memref_slice %arg4[%add3A_1163] : memref<640000xi32, #tpu.memory_space<hbm>> -> memref<16xi32, #tpu.memory_space<hbm>>
    %dma_wait3A_1167 = arith.constant 0 : i32
    %dma_wait3A_1168 = tpu.memref_slice %arg10[%dma_wait3A_1167] : memref<64xi32, #tpu.memory_space<vmem>> -> memref<16xi32, #tpu.memory_space<vmem>>
    %dma_wait3A_1169 = tpu.memref_slice %arg4[%add3A_1163] : memref<640000xi32, #tpu.memory_space<hbm>> -> memref<16xi32, #tpu.memory_space<hbm>>
    tpu.wait_dma2 semaphore(%arg19 : memref<!tpu.dma_semaphore, #tpu.memory_space<semaphore_mem>>) src(%dma_wait3A_1169 : memref<16xi32, #tpu.memory_space<hbm>>) dst(%dma_wait3A_1168 : memref<16xi32, #tpu.memory_space<vmem>>)
    %add3A_1170 = arith.constant 9856 : i32
    %add3A_1171 = arith.addi %mul3A_2, %add3A_1170 : i32
    %dma_wait3A_1172 = arith.constant 0 : i32
    %dma_wait3A_1173 = arith.constant 0 : i32
    %dma_wait3A_1174 = tpu.memref_slice %arg12[%dma_wait3A_1172, %dma_wait3A_1173] : memref<64x128xf32, #tpu.memory_space<vmem>> -> memref<64x128xf32, #tpu.memory_space<vmem>>
    %dma_wait3A_1175 = arith.constant 0 : i32
    %dma_wait3A_1176 = tpu.memref_slice %arg5[%add3A_1171, %dma_wait3A_1175] : memref<320000x128xf32, #tpu.memory_space<hbm>> -> memref<64x128xf32, #tpu.memory_space<hbm>>
    %dma_wait3A_1177 = arith.constant 0 : i32
    %dma_wait3A_1178 = tpu.memref_slice %arg5[%add3A_1171, %dma_wait3A_1177] : memref<320000x128xf32, #tpu.memory_space<hbm>> -> memref<64x128xf32, #tpu.memory_space<hbm>>
    %dma_wait3A_1179 = arith.constant 0 : i32
    %dma_wait3A_1180 = arith.constant 0 : i32
    %dma_wait3A_1181 = tpu.memref_slice %arg12[%dma_wait3A_1179, %dma_wait3A_1180] : memref<64x128xf32, #tpu.memory_space<vmem>> -> memref<64x128xf32, #tpu.memory_space<vmem>>
    tpu.wait_dma2 semaphore(%arg23 : memref<!tpu.dma_semaphore, #tpu.memory_space<semaphore_mem>>) src(%dma_wait3A_1181 : memref<64x128xf32, #tpu.memory_space<vmem>>) dst(%dma_wait3A_1178 : memref<64x128xf32, #tpu.memory_space<hbm>>)
    %dma_start3A_1182 = arith.constant 0 : i32
    %dma_start3A_1183 = arith.constant 0 : i32
    %dma_start3A_1184 = tpu.memref_slice %arg12[%dma_start3A_1182, %dma_start3A_1183] : memref<64x128xf32, #tpu.memory_space<vmem>> -> memref<16x128xf32, #tpu.memory_space<vmem>>
    %dma_start3A_1185 = arith.constant 0 : i32
    %dma_start3A_1186 = tpu.memref_slice %arg8[%dma_start3A_1185] : memref<64xi32, #tpu.memory_space<vmem>> -> memref<16xi32, #tpu.memory_space<vmem>>
    %dma_start3A_1187 = arith.constant 0 : i32
    %dma_start3A_1188 = arith.constant 0 : i32
    %dma_start3A_1189 = tpu.memref_slice %arg16[%dma_start3A_1187, %dma_start3A_1188] : memref<10000x128xf32, #tpu.memory_space<vmem_shared>> -> memref<10000x128xf32, #tpu.memory_space<vmem_shared>>
    tpu.enqueue_indirect_dma source(%dma_start3A_1189 : memref<10000x128xf32, #tpu.memory_space<vmem_shared>>) target(%dma_start3A_1184 : memref<16x128xf32, #tpu.memory_space<vmem>>) offsets(%dma_start3A_1186 : memref<16xi32, #tpu.memory_space<vmem>>) semaphore(%arg21 : memref<!tpu.dma_semaphore, #tpu.memory_space<semaphore_mem>>)
    %add3A_1190 = arith.constant 9856 : i32
    %add3A_1191 = arith.addi %mul3A_2, %add3A_1190 : i32
    %dma_wait3A_1192 = arith.constant 0 : i32
    %dma_wait3A_1193 = tpu.memref_slice %arg14[%dma_wait3A_1192] : memref<64xf32, #tpu.memory_space<vmem>> -> memref<64xf32, #tpu.memory_space<vmem>>
    %dma_wait3A_1194 = tpu.memref_slice %arg6[%add3A_1191] : memref<320000xf32, #tpu.memory_space<hbm>> -> memref<64xf32, #tpu.memory_space<hbm>>
    %dma_wait3A_1195 = tpu.memref_slice %arg6[%add3A_1191] : memref<320000xf32, #tpu.memory_space<hbm>> -> memref<64xf32, #tpu.memory_space<hbm>>
    %dma_wait3A_1196 = arith.constant 0 : i32
    %dma_wait3A_1197 = tpu.memref_slice %arg14[%dma_wait3A_1196] : memref<64xf32, #tpu.memory_space<vmem>> -> memref<64xf32, #tpu.memory_space<vmem>>
    tpu.wait_dma2 semaphore(%arg25 : memref<!tpu.dma_semaphore, #tpu.memory_space<semaphore_mem>>) src(%dma_wait3A_1197 : memref<64xf32, #tpu.memory_space<vmem>>) dst(%dma_wait3A_1195 : memref<64xf32, #tpu.memory_space<hbm>>)
    %get3A_1198 = arith.constant 0 : index
    %get3A_1199 = tpu.vector_load %arg8[%get3A_1198] {strides = array<i32>} : memref<64xi32, #tpu.memory_space<vmem>>, vector<16xi32>,
    %mul3A_1200 = arith.constant 3 : i32
    %mul3A_1201 = vector.broadcast %mul3A_1200 : i32 to vector<16xi32>
    %mul3A_1202 = arith.muli %get3A_1199, %mul3A_1201 : vector<16xi32>
    %get3A_1203 = arith.constant 0 : index
    %get3A_1204 = tpu.vector_load %arg10[%get3A_1203] {strides = array<i32>} : memref<64xi32, #tpu.memory_space<vmem>>, vector<16xi32>,
    %mul3A_1205 = arith.constant 3 : i32
    %mul3A_1206 = vector.broadcast %mul3A_1205 : i32 to vector<16xi32>
    %mul3A_1207 = arith.muli %get3A_1204, %mul3A_1206 : vector<16xi32>
    %broadcast_in_dim3A_1208 = arith.constant 9.99999997E-7 : f32
    %broadcast_in_dim3A_1209 = vector.broadcast %broadcast_in_dim3A_1208 : f32 to vector<16xf32>
    %add3A_1210 = arith.constant 0 : i32
    %add3A_1211 = vector.broadcast %add3A_1210 : i32 to vector<16xi32>
    %add3A_1212 = arith.addi %mul3A_1202, %add3A_1211 : vector<16xi32>
    %gather3A_1213 = tpu.vector_load_idx %arg7[%add3A_1212] : memref<30000xf32, #tpu.memory_space<vmem>>[vector<16xi32>], vector<16xf32>,
    %add3A_1214 = arith.constant 0 : i32
    %add3A_1215 = vector.broadcast %add3A_1214 : i32 to vector<16xi32>
    %add3A_1216 = arith.addi %mul3A_1207, %add3A_1215 : vector<16xi32>
    %gather3A_1217 = tpu.vector_load_idx %arg7[%add3A_1216] : memref<30000xf32, #tpu.memory_space<vmem>>[vector<16xi32>], vector<16xf32>,
    %sub3A_1218 = arith.subf %gather3A_1213, %gather3A_1217 : vector<16xf32>
    %mul3A_1219 = arith.mulf %sub3A_1218, %sub3A_1218 : vector<16xf32>
    %add3A_1220 = arith.addf %broadcast_in_dim3A_1209, %mul3A_1219 : vector<16xf32>
    %add3A_1221 = arith.constant 1 : i32
    %add3A_1222 = vector.broadcast %add3A_1221 : i32 to vector<16xi32>
    %add3A_1223 = arith.addi %mul3A_1202, %add3A_1222 : vector<16xi32>
    %gather3A_1224 = tpu.vector_load_idx %arg7[%add3A_1223] : memref<30000xf32, #tpu.memory_space<vmem>>[vector<16xi32>], vector<16xf32>,
    %add3A_1225 = arith.constant 1 : i32
    %add3A_1226 = vector.broadcast %add3A_1225 : i32 to vector<16xi32>
    %add3A_1227 = arith.addi %mul3A_1207, %add3A_1226 : vector<16xi32>
    %gather3A_1228 = tpu.vector_load_idx %arg7[%add3A_1227] : memref<30000xf32, #tpu.memory_space<vmem>>[vector<16xi32>], vector<16xf32>,
    %sub3A_1229 = arith.subf %gather3A_1224, %gather3A_1228 : vector<16xf32>
    %mul3A_1230 = arith.mulf %sub3A_1229, %sub3A_1229 : vector<16xf32>
    %add3A_1231 = arith.addf %add3A_1220, %mul3A_1230 : vector<16xf32>
    %add3A_1232 = arith.constant 2 : i32
    %add3A_1233 = vector.broadcast %add3A_1232 : i32 to vector<16xi32>
    %add3A_1234 = arith.addi %mul3A_1202, %add3A_1233 : vector<16xi32>
    %gather3A_1235 = tpu.vector_load_idx %arg7[%add3A_1234] : memref<30000xf32, #tpu.memory_space<vmem>>[vector<16xi32>], vector<16xf32>,
    %add3A_1236 = arith.constant 2 : i32
    %add3A_1237 = vector.broadcast %add3A_1236 : i32 to vector<16xi32>
    %add3A_1238 = arith.addi %mul3A_1207, %add3A_1237 : vector<16xi32>
    %gather3A_1239 = tpu.vector_load_idx %arg7[%add3A_1238] : memref<30000xf32, #tpu.memory_space<vmem>>[vector<16xi32>], vector<16xf32>,
    %sub3A_1240 = arith.subf %gather3A_1235, %gather3A_1239 : vector<16xf32>
    %mul3A_1241 = arith.mulf %sub3A_1240, %sub3A_1240 : vector<16xf32>
    %add3A_1242 = arith.addf %add3A_1231, %mul3A_1241 : vector<16xf32>
    %div3A_1243 = arith.constant 1.000000e+00 : f32
    %div3A_1244 = vector.broadcast %div3A_1243 : f32 to vector<16xf32>
    %div3A_1245 = arith.divf %div3A_1244, %add3A_1242 : vector<16xf32>
    %swap3A_1246 = arith.constant 0 : index
    %swap3A_1247 = tpu.vector_load %arg14[%swap3A_1246] {strides = array<i32>} : memref<64xf32, #tpu.memory_space<vmem>>, vector<16xf32>,
    tpu.vector_store %arg14[%swap3A_1246], %div3A_1245 {strides = array<i32>} : memref<64xf32, #tpu.memory_space<vmem>>, vector<16xf32>,
    %add3A_1248 = arith.constant 9984 : i32
    %add3A_1249 = arith.addi %mul3A_2, %add3A_1248 : i32
    %dma_start3A_1250 = arith.constant 0 : i32
    %dma_start3A_1251 = tpu.memref_slice %arg14[%dma_start3A_1250] : memref<64xf32, #tpu.memory_space<vmem>> -> memref<16xf32, #tpu.memory_space<vmem>>
    %dma_start3A_1252 = tpu.memref_slice %arg6[%add3A_1249] : memref<320000xf32, #tpu.memory_space<hbm>> -> memref<16xf32, #tpu.memory_space<hbm>>
    %dma_start3A_1253 = tpu.memref_slice %arg6[%add3A_1249] : memref<320000xf32, #tpu.memory_space<hbm>> -> memref<16xf32, #tpu.memory_space<hbm>>
    %dma_start3A_1254 = arith.constant 0 : i32
    %dma_start3A_1255 = tpu.memref_slice %arg14[%dma_start3A_1254] : memref<64xf32, #tpu.memory_space<vmem>> -> memref<16xf32, #tpu.memory_space<vmem>>
    tpu.enqueue_dma source(%dma_start3A_1255 : memref<16xf32, #tpu.memory_space<vmem>>) target(%dma_start3A_1253 : memref<16xf32, #tpu.memory_space<hbm>>) target_semaphore(%arg25 : memref<!tpu.dma_semaphore, #tpu.memory_space<semaphore_mem>>)
    %dma_wait3A_1256 = arith.constant 0 : i32
    %dma_wait3A_1257 = arith.constant 0 : i32
    %dma_wait3A_1258 = tpu.memref_slice %arg12[%dma_wait3A_1256, %dma_wait3A_1257] : memref<64x128xf32, #tpu.memory_space<vmem>> -> memref<16x128xf32, #tpu.memory_space<vmem>>
    %dma_wait3A_1259 = arith.constant 0 : i32
    %dma_wait3A_1260 = tpu.memref_slice %arg8[%dma_wait3A_1259] : memref<64xi32, #tpu.memory_space<vmem>> -> memref<16xi32, #tpu.memory_space<vmem>>
    %dma_wait3A_1261 = arith.constant 0 : i32
    %dma_wait3A_1262 = arith.constant 0 : i32
    %dma_wait3A_1263 = tpu.memref_slice %arg16[%dma_wait3A_1261, %dma_wait3A_1262] : memref<10000x128xf32, #tpu.memory_space<vmem_shared>> -> memref<10000x128xf32, #tpu.memory_space<vmem_shared>>
    tpu.wait_indirect_dma semaphore(%arg21 : memref<!tpu.dma_semaphore, #tpu.memory_space<semaphore_mem>>) src(%dma_wait3A_1263 : memref<10000x128xf32, #tpu.memory_space<vmem_shared>>) dst(%dma_wait3A_1258 : memref<16x128xf32, #tpu.memory_space<vmem>>)
    %add3A_1264 = arith.constant 9984 : i32
    %add3A_1265 = arith.addi %mul3A_2, %add3A_1264 : i32
    %dma_start3A_1266 = arith.constant 0 : i32
    %dma_start3A_1267 = arith.constant 0 : i32
    %dma_start3A_1268 = tpu.memref_slice %arg12[%dma_start3A_1266, %dma_start3A_1267] : memref<64x128xf32, #tpu.memory_space<vmem>> -> memref<16x128xf32, #tpu.memory_space<vmem>>
    %dma_start3A_1269 = arith.constant 0 : i32
    %dma_start3A_1270 = tpu.memref_slice %arg5[%add3A_1265, %dma_start3A_1269] : memref<320000x128xf32, #tpu.memory_space<hbm>> -> memref<16x128xf32, #tpu.memory_space<hbm>>
    %dma_start3A_1271 = arith.constant 0 : i32
    %dma_start3A_1272 = tpu.memref_slice %arg5[%add3A_1265, %dma_start3A_1271] : memref<320000x128xf32, #tpu.memory_space<hbm>> -> memref<16x128xf32, #tpu.memory_space<hbm>>
    %dma_start3A_1273 = arith.constant 0 : i32
    %dma_start3A_1274 = arith.constant 0 : i32
    %dma_start3A_1275 = tpu.memref_slice %arg12[%dma_start3A_1273, %dma_start3A_1274] : memref<64x128xf32, #tpu.memory_space<vmem>> -> memref<16x128xf32, #tpu.memory_space<vmem>>
    tpu.enqueue_dma source(%dma_start3A_1275 : memref<16x128xf32, #tpu.memory_space<vmem>>) target(%dma_start3A_1272 : memref<16x128xf32, #tpu.memory_space<hbm>>) target_semaphore(%arg23 : memref<!tpu.dma_semaphore, #tpu.memory_space<semaphore_mem>>)
    %add3A_1276 = arith.constant 9920 : i32
    %add3A_1277 = arith.addi %mul3A_2, %add3A_1276 : i32
    %dma_wait3A_1278 = arith.constant 0 : i32
    %dma_wait3A_1279 = tpu.memref_slice %arg15[%dma_wait3A_1278] : memref<64xf32, #tpu.memory_space<vmem>> -> memref<64xf32, #tpu.memory_space<vmem>>
    %dma_wait3A_1280 = tpu.memref_slice %arg6[%add3A_1277] : memref<320000xf32, #tpu.memory_space<hbm>> -> memref<64xf32, #tpu.memory_space<hbm>>
    %dma_wait3A_1281 = tpu.memref_slice %arg6[%add3A_1277] : memref<320000xf32, #tpu.memory_space<hbm>> -> memref<64xf32, #tpu.memory_space<hbm>>
    %dma_wait3A_1282 = arith.constant 0 : i32
    %dma_wait3A_1283 = tpu.memref_slice %arg15[%dma_wait3A_1282] : memref<64xf32, #tpu.memory_space<vmem>> -> memref<64xf32, #tpu.memory_space<vmem>>
    tpu.wait_dma2 semaphore(%arg26 : memref<!tpu.dma_semaphore, #tpu.memory_space<semaphore_mem>>) src(%dma_wait3A_1283 : memref<64xf32, #tpu.memory_space<vmem>>) dst(%dma_wait3A_1281 : memref<64xf32, #tpu.memory_space<hbm>>)
    %add3A_1284 = arith.constant 9920 : i32
    %add3A_1285 = arith.addi %mul3A_2, %add3A_1284 : i32
    %dma_wait3A_1286 = arith.constant 0 : i32
    %dma_wait3A_1287 = arith.constant 0 : i32
    %dma_wait3A_1288 = tpu.memref_slice %arg13[%dma_wait3A_1286, %dma_wait3A_1287] : memref<64x128xf32, #tpu.memory_space<vmem>> -> memref<64x128xf32, #tpu.memory_space<vmem>>
    %dma_wait3A_1289 = arith.constant 0 : i32
    %dma_wait3A_1290 = tpu.memref_slice %arg5[%add3A_1285, %dma_wait3A_1289] : memref<320000x128xf32, #tpu.memory_space<hbm>> -> memref<64x128xf32, #tpu.memory_space<hbm>>
    %dma_wait3A_1291 = arith.constant 0 : i32
    %dma_wait3A_1292 = tpu.memref_slice %arg5[%add3A_1285, %dma_wait3A_1291] : memref<320000x128xf32, #tpu.memory_space<hbm>> -> memref<64x128xf32, #tpu.memory_space<hbm>>
    %dma_wait3A_1293 = arith.constant 0 : i32
    %dma_wait3A_1294 = arith.constant 0 : i32
    %dma_wait3A_1295 = tpu.memref_slice %arg13[%dma_wait3A_1293, %dma_wait3A_1294] : memref<64x128xf32, #tpu.memory_space<vmem>> -> memref<64x128xf32, #tpu.memory_space<vmem>>
    tpu.wait_dma2 semaphore(%arg24 : memref<!tpu.dma_semaphore, #tpu.memory_space<semaphore_mem>>) src(%dma_wait3A_1295 : memref<64x128xf32, #tpu.memory_space<vmem>>) dst(%dma_wait3A_1292 : memref<64x128xf32, #tpu.memory_space<hbm>>)
    %add3A_1296 = arith.constant 9984 : i32
    %add3A_1297 = arith.addi %mul3A_2, %add3A_1296 : i32
    %dma_wait3A_1298 = arith.constant 0 : i32
    %dma_wait3A_1299 = tpu.memref_slice %arg14[%dma_wait3A_1298] : memref<64xf32, #tpu.memory_space<vmem>> -> memref<16xf32, #tpu.memory_space<vmem>>
    %dma_wait3A_1300 = tpu.memref_slice %arg6[%add3A_1297] : memref<320000xf32, #tpu.memory_space<hbm>> -> memref<16xf32, #tpu.memory_space<hbm>>
    %dma_wait3A_1301 = tpu.memref_slice %arg6[%add3A_1297] : memref<320000xf32, #tpu.memory_space<hbm>> -> memref<16xf32, #tpu.memory_space<hbm>>
    %dma_wait3A_1302 = arith.constant 0 : i32
    %dma_wait3A_1303 = tpu.memref_slice %arg14[%dma_wait3A_1302] : memref<64xf32, #tpu.memory_space<vmem>> -> memref<16xf32, #tpu.memory_space<vmem>>
    tpu.wait_dma2 semaphore(%arg25 : memref<!tpu.dma_semaphore, #tpu.memory_space<semaphore_mem>>) src(%dma_wait3A_1303 : memref<16xf32, #tpu.memory_space<vmem>>) dst(%dma_wait3A_1301 : memref<16xf32, #tpu.memory_space<hbm>>)
    %add3A_1304 = arith.constant 9984 : i32
    %add3A_1305 = arith.addi %mul3A_2, %add3A_1304 : i32
    %dma_wait3A_1306 = arith.constant 0 : i32
    %dma_wait3A_1307 = arith.constant 0 : i32
    %dma_wait3A_1308 = tpu.memref_slice %arg12[%dma_wait3A_1306, %dma_wait3A_1307] : memref<64x128xf32, #tpu.memory_space<vmem>> -> memref<16x128xf32, #tpu.memory_space<vmem>>
    %dma_wait3A_1309 = arith.constant 0 : i32
    %dma_wait3A_1310 = tpu.memref_slice %arg5[%add3A_1305, %dma_wait3A_1309] : memref<320000x128xf32, #tpu.memory_space<hbm>> -> memref<16x128xf32, #tpu.memory_space<hbm>>
    %dma_wait3A_1311 = arith.constant 0 : i32
    %dma_wait3A_1312 = tpu.memref_slice %arg5[%add3A_1305, %dma_wait3A_1311] : memref<320000x128xf32, #tpu.memory_space<hbm>> -> memref<16x128xf32, #tpu.memory_space<hbm>>
    %dma_wait3A_1313 = arith.constant 0 : i32
    %dma_wait3A_1314 = arith.constant 0 : i32
    %dma_wait3A_1315 = tpu.memref_slice %arg12[%dma_wait3A_1313, %dma_wait3A_1314] : memref<64x128xf32, #tpu.memory_space<vmem>> -> memref<16x128xf32, #tpu.memory_space<vmem>>
    tpu.wait_dma2 semaphore(%arg23 : memref<!tpu.dma_semaphore, #tpu.memory_space<semaphore_mem>>) src(%dma_wait3A_1315 : memref<16x128xf32, #tpu.memory_space<vmem>>) dst(%dma_wait3A_1312 : memref<16x128xf32, #tpu.memory_space<hbm>>)
    return
  }
}

</mosaic_0001>

<sc_bundles>
// kernel: _run.3.cloned.1.call-start
scs
__scs_entry_jumppad:
0x0: {  	(pc) =	sbr.rel $0x88, $3  }
0x1: {  	(tag) =	ssettag $0x0;
	lr =	simm.s32 $0x1  }
0x2: {  	[smem:$0x3F9E] =	sst lr;
	_ =	strace $0xD0000000  }
0x3: {  	_ = 	snop  }
0x4: {  	_ = 	snop  }
0x5: {  	_ = 	snop  }
0x6: {  	_ = 	snop  }
0x7: {  	_ = 	snop  }
__scs_overlays_trampoline_lowered:
0x8: {  	[smem:$0x3FAD] =	sst s0  }
0x9: {  	[smem:$0x3FAE] =	sst s1  }
0xa: {  	[smem:$0x3FAF] =	sst s2  }
0xb: {  	[smem:$0x3FB0] =	sst s3  }
0xc: {  	[smem:$0x3FB1] =	sst s4  }
0xd: {  	[smem:$0x3FB2] =	sst s5  }
0xe: {  	[smem:$0x3FB3] =	sst s6  }
0xf: {  	[smem:$0x3FB4] =	sst s7  }
0x10: {  	[smem:$0x3FB5] =	sst s8  }
0x11: {  	[smem:$0x3FB6] =	sst s9;
	s0 =	simm.s32 @!p0 $0x0  }
0x12: {  	s1 =	sld [smem:$0x3F9C];
	s0 =	simm.s32 @p0 $0x1  }
0x13: {  	[smem:$0x3FB7] =	sst s0;
	s0 =	simm.s32 @!p1 $0x0  }
0x14: {  	s2 =	sld [smem:$0x3F9B];
	s0 =	simm.s32 @p1 $0x1  }
0x15: {  	[smem:$0x3FB8] =	sst s0;
	s0 =	simm.s32 @!p2 $0x0  }
0x16: {  	s3 =	sld [smem:$0x3FDB];
	s0 =	simm.s32 @p2 $0x1  }
0x17: {  	s4 =	simm.s32 $0x1BF5;
	[smem:$0x3FBA] =	sst s0  }
0x18: {  	s0 =	sld [smem:$0x3F9D];
	_ =	swait.ge [sflag:s4], $0x0  }
0x19: {  	s7 =	sld [smem:$0x3F9E]  }
0x1a: {  	s8 =	sadd.s32 $0xFFFFE003, lr  }
0x1b: {  	s9 =	sadd.s32 $0xFFFFFEF7, lr;
	s5 =	simm.s32 $0xFFFFFFFF;
	p2 =	slt.u32 s8, $0xFFFFF086  }
0x1c: {  	p1 =	slt.u32 s9, $0xF7A;
	s5 =	simm.s32 @!p2 $0x0  }
0x1d: {  	s5 =	simm.s32 @p1 $0x1;
	p0 =	seq.s32 s7, s2  }
0x1e: {  	s7 =	smul.u32 @!p0 $0xF7A, s2;
	p2 =	seq.s32 @!p0 s5, $0x0  }
0x1f: {  	s9 =	smul.u32 $0xF7A, s1;
	s8 =	simm.s32 @!p0 $0x1BF5;
	p2 =	por !p2, p0  }
0x20: {  	[sflag:s8] =	ssyncset.s32 @!p0 $0xFFFFF086;
	s6 =	sadd.s32 @!p0 s3, s7;
	s7 =	simm.s32 @!p0 $0x108  }
0x21: {  	s3 =	sadd.s32 s3, s9;
	s6 =	sadd.s32 @!p0 $0x88, s6;
	s7 =	simm.s32 @p2 $0x1082  }
0x22: {  	[simem:s7], [sflag:s8] =	dma.local @!p0 [hbm:s6], $0xF7A  }
0x23: {  	s9 =	sor.u32 $0xD0000000, s2;
	s6 =	simm.s32 $0x108;
	_ =	swait.ge @!p0 [sflag:s8], $0x0  }
0x24: {  	s3 =	sadd.s32 $0x88, s3;
	s6 =	simm.s32 @!p1 $0x1082;
	[sflag:s4] =	ssyncset.s32 $0xFFFFF086  }
0x25: {  	[simem:s6], [sflag:s4] =	dma.local [hbm:s3], $0xF7A  }
0x26: {  	[smem:$0x3F9E] =	sst s1;
	(tag) =	ssettag s2;
	_ =	strace s9  }
0x27: {  	s1 =	sld [smem:$0x3FAE]  }
0x28: {  	s2 =	sld [smem:$0x3FAF]  }
0x29: {  	s4 =	sld [smem:$0x3FB1]  }
0x2a: {  	p0 =	seq.s32 s5, $0x0;
	s5 =	sld [smem:$0x3FB2]  }
0x2b: {  	s6 =	sld [smem:$0x3FB3]  }
0x2c: {  	s7 =	sld [smem:$0x3FB4]  }
0x2d: {  	s3 =	simm.s32 $0x108;
	s8 =	sld [smem:$0x3FB5]  }
0x2e: {  	s3 =	simm.s32 @!p0 $0x1082;
	s9 =	sld [smem:$0x3FB6]  }
0x2f: {  	lr =	sadd.s32 s0, s3;
	s0 =	sld [smem:$0x3FAD]  }
0x30: {  	s3 =	sld [smem:$0x3FB0]  }
0x31: {  	[smem:$0x3FB9] =	sst s10  }
0x32: {  	s10 =	sld [smem:$0x3FB7];
	_ =	sdelay $0x3  }
0x33: {  	p0 =	seq.s32 s10, $0x1;
	s10 =	sld [smem:$0x3FB9];
	_ =	sdelay $0x3  }
0x34: {  	[smem:$0x3FB9] =	sst s10  }
0x35: {  	s10 =	sld [smem:$0x3FB8];
	_ =	sdelay $0x3  }
0x36: {  	p1 =	seq.s32 s10, $0x1;
	s10 =	sld [smem:$0x3FB9];
	_ =	sdelay $0x3  }
0x37: {  	[smem:$0x3FB9] =	sst s10  }
0x38: {  	s10 =	sld [smem:$0x3FBA]  }
0x39: {  	_ = 	snop;
	(pc) =	sbr.ind lr, $3  }
0x3a: {  	_ = 	snop  }
0x3b: {  	_ = 	snop  }
0x3c: {  	p2 =	seq.s32 s10, $0x1;
	s10 =	sld [smem:$0x3FB9]  }
0x3d: {  	_ =	shalt  }
0x3e: {  	_ =	shalt  }
0x3f: {  	_ =	shalt  }
0x40: {  	_ =	shalt  }
0x41: {  	_ =	shalt  }
0x42: {  	_ =	shalt  }
0x43: {  	_ =	shalt  }
0x44: {  	_ =	shalt  }
0x45: {  	_ =	shalt  }
0x46: {  	_ =	shalt  }
0x47: {  	_ =	shalt  }
0x48: {  	_ =	shalt  }
0x49: {  	_ =	shalt  }
0x4a: {  	_ =	shalt  }
0x4b: {  	_ =	shalt  }
0x4c: {  	_ =	shalt  }
0x4d: {  	_ =	shalt  }
0x4e: {  	_ =	shalt  }
0x4f: {  	_ =	shalt  }
0x50: {  	_ =	shalt  }
0x51: {  	_ =	shalt  }
0x52: {  	_ =	shalt  }
0x53: {  	_ =	shalt  }
0x54: {  	_ =	shalt  }
0x55: {  	_ =	shalt  }
0x56: {  	_ =	shalt  }
0x57: {  	_ =	shalt  }
0x58: {  	_ =	shalt  }
0x59: {  	_ =	shalt  }
0x5a: {  	_ =	shalt  }
0x5b: {  	_ =	shalt  }
0x5c: {  	_ =	shalt  }
0x5d: {  	_ =	shalt  }
0x5e: {  	_ =	shalt  }
0x5f: {  	_ =	shalt  }
0x60: {  	_ =	shalt  }
0x61: {  	_ =	shalt  }
0x62: {  	_ =	shalt  }
0x63: {  	_ =	shalt  }
0x64: {  	_ =	shalt  }
0x65: {  	_ =	shalt  }
0x66: {  	_ =	shalt  }
0x67: {  	_ =	shalt  }
0x68: {  	_ =	shalt  }
0x69: {  	_ =	shalt  }
0x6a: {  	_ =	shalt  }
0x6b: {  	_ =	shalt  }
0x6c: {  	_ =	shalt  }
0x6d: {  	_ =	shalt  }
0x6e: {  	_ =	shalt  }
0x6f: {  	_ =	shalt  }
0x70: {  	_ =	shalt  }
0x71: {  	_ =	shalt  }
0x72: {  	_ =	shalt  }
0x73: {  	_ =	shalt  }
0x74: {  	_ =	shalt  }
0x75: {  	_ =	shalt  }
0x76: {  	_ =	shalt  }
0x77: {  	_ =	shalt  }
0x78: {  	_ =	shalt  }
0x79: {  	_ =	shalt  }
0x7a: {  	_ =	shalt  }
0x7b: {  	_ =	shalt  }
0x7c: {  	_ =	shalt  }
0x7d: {  	_ =	shalt  }
0x7e: {  	_ =	shalt  }
0x7f: {  	_ =	shalt  }
0x80: {  	_ =	shalt  }
0x81: {  	_ =	shalt  }
0x82: {  	_ =	shalt  }
0x83: {  	_ =	shalt  }
0x84: {  	_ =	shalt  }
0x85: {  	_ =	shalt  }
0x86: {  	_ =	shalt  }
0x87: {  	_ =	shalt  }
.Lfunc_end0:
.L_simem_size_0:
called_computation_lowered:
.L_overlay_start_0:
0x88: {  	s2 =	sld [smem:$0x3FD9]  }
0x89: {  	s3 =	sld [smem:$0x3FFE];
	_ =	sdelay $0x1  }
0x8a: {  	s1 =	srdreg.scid  }
0x8b: {  	s0 =	sand.u32 $0x1, s1  }
0x8c: {  	s15 =	sshll.u32 s0, $0xA;
	s2 =	sadd.s32 s3, s2  }
0x8d: {  	s2 =	sadd.s32 s2, s15  }
0x8e: {  	[smem:$0x3FC5] =	sst s2  }
0x8f: {  	_ = 	snop  }
0x90: {  	s2 =	sld [smem:$0x3FD0]  }
0x91: {  	s16 =	sld [smem:$0x3FC9]  }
0x92: {  	s4 =	sld [smem:$0x3FC8]  }
0x93: {  	s6 =	simm.s32 $0xA;
	s7 =	simm.s32 $0x10;
	s5 =	sld [smem:$0x3FC7]  }
0x94: {  	[smem:s7], [sflag:s6] =	dma.local [hbm:s2], $0x1  }
0x95: {  	_ =	swait.eq [sflag:s6], $0x1  }
0x96: {  	[sflag:s6] =	ssyncset.done $0x0  }
0x97: {  	s17 =	sld [smem:$0x10];
	[sflag:s6] =	ssyncadd.s32 $0xFFFFFFFF  }
0x98: {  	s18 =	sld [smem:$0x11];
	(tm) =	ssettm $0x1  }
0x99: {  	s19 =	sld [smem:$0x3FFB];
	_ =	sdelay $0x3  }
0x9a: {  	_ =	strace s19  }
0x9b: {  	s7 =	sld [smem:$0x3FFC];
	_ =	sdelay $0x3  }
0x9c: {  	_ =	strace s7  }
0x9d: {  	s7 =	sld [smem:$0x3FFD];
	_ =	sdelay $0x3  }
0x9e: {  	_ =	strace s7  }
0x9f: {  	_ =	strace $0x8FFFFFFF  }
0xa0: {  	s20 =	sld [smem:$0x3FDB];
	_ =	sdelay $0x1  }
0xa1: {  	s8 =	simm.s32 $_scs_section_size  }
0xa2: {  	s9 =	simm.s32 $_size__tile_overlayer_lowered;
	s10 =	simm.s32 $_tile_overlayer_lowered  }
0xa3: {  	s23 =	simm.s32 $0x1BFF;
	s22 =	sshll.u32 s10, $0x1;
	s7 =	sadd.s32 s8, s20  }
0xa4: {  	s11 =	simm.s32 $0x0;
	s21 =	sshll.u32 s9, $0x1;
	s9 =	sadd.s32 s22, s7  }
0xa5: {  	[timem:s11], [sflag:s23] =	dma.local [hbm:s9], s21  }
0xa6: {  	_ =	swait.ge [sflag:s23], s21  }
0xa7: {  	s8 =	ssub.s32 $0x0, s21;
	[sflag:s23] =	ssyncset.done $0x0  }
0xa8: {  	[sflag:s23] =	ssyncadd.s32 s8;
	_ =	sdelay $0x1  }
0xa9: {  	s24 =	simm.s32 $0x1B8B  }
0xaa: {  	_ =	swait.ge [sflag:s24], $0x1  }
0xab: {  	[sflag:s24] =	ssyncset.done $0x0  }
0xac: {  	s25 =	simm.s32 $0x1B8E;
	[sflag:s24] =	ssyncadd.s32 $0xFFFFFFFF  }
0xad: {  	s26 =	simm.s32 $execute0_lowered;
	[smem:$0x3FD2] =	sst s25  }
0xae: {  	s8 =	sshll.u32 s26, $0x1;
	_ =	strace $0x80000046;
	[dreg:$0x1] =	wrdreg $0xFFFFFFFF  }
0xaf: {  	s28 =	simm.s32 $_size_execute0_lowered;
	s7 =	sadd.s32 s7, s8;
	[dreg:$0x0] =	wrdreg $0x0  }
0xb0: {  	s8 =	sshll.u32 s28, $0x1;
	[dreg:$0x2] =	wrdreg s7  }
0xb1: {  	[dreg:$0x3] =	wrdreg s8  }
0xb2: {  	[dreg:$0x4] =	wrdreg $0xC0  }
0xb3: {  	_ =	task [dreg:s11], $0x5FFFF  }
0xb4: {  	[dreg:$0x1] =	wrdreg $0xFFFFFFFF  }
0xb5: {  	[dreg:$0x0] =	wrdreg $0x60  }
0xb6: {  	[dreg:$0x2] =	wrdreg s16  }
0xb7: {  	[dreg:$0x3] =	wrdreg s4  }
0xb8: {  	[dreg:$0x4] =	wrdreg s5  }
0xb9: {  	[dreg:$0x5] =	wrdreg s17  }
0xba: {  	[dreg:$0x6] =	wrdreg s18  }
0xbb: {  	[dreg:$0x7] =	wrdreg $0xB8800  }
0xbc: {  	[dreg:$0x8] =	wrdreg $0x9  }
0xbd: {  	_ =	task.clear_ibuf [dreg:s11], $0x9FFFF;
	_ =	strace $0x90000046  }
0xbe: {  	s29 =	simm.s32 $0x9;
	_ =	strace $0x80000048  }
0xbf: {  	_ =	swait.ge [sflag:s29], $0x1  }
0xc0: {  	[sflag:s29] =	ssyncadd.s32 $0xFFFFFFFF  }
0xc1: {  	_ =	strace $0x90000048  }
0xc2: {  	_ =	sfence  }
0xc3: {  	s30 =	sld [smem:$0x0];
	_ =	sdelay $0x2  }
0xc4: {  	s31 =	sshll.u32 s1, $0xD;
	s1 =	sshrl.u32 s1, $0x2  }
0xc5: {  	s3 =	sand.u32 $0x4000, s31;
	s1 =	sadd.s32 s1, s30  }
0xc6: {  	s0 =	sor.u32 s3, s0;
	s1 =	sshll.u32 s1, $0x11  }
0xc7: {  	s0 =	sor.u32 s1, s0  }
0xc8: {  	s0 =	sadd.s32 $0x8F2B, s0  }
0xc9: {  	[sflag:s0] =	ssyncadd.remote.s32 $0x1  }
0xca: {  	_ =	sfence.sel $0xFFFF  }
0xcb: {  	[dreg:$0x0] =	wrdreg $0xFFFFFFFF;
	(pc) =	sbr.abs _section_cstart, $3  }
0xcc: {  	[dreg:$0x1] =	wrdreg $0xFFFFFFFF  }
0xcd: {  	_ =	task.clear_ibuf [dreg:s11], $0x2FFFF;
	_ =	strace $0x9FFFFFFF  }
0xce: {  	(tm) =	ssettm $0x7FFFFFFF  }
0xcf: {  	_ =	shalt  }
tec
execute0_lowered:
.L_overlay_start_1:
0x0: {  	(tag) =	ssettag $0x1  }
0x1: {  	s1 =	rddreg [dreg:$0x1]  }
0x2: {  	s0 =	rddreg [dreg:$0x2]  }
0x3: {  	s2 =	rddreg [dreg:$0x3];
	s17 =	stileid.u32  }
0x4: {  	s4 =	srdreg.scid;
	s10 =	smul.u32 $0x4E000, s17  }
0x5: {  	s3 =	rddreg [dreg:$0x4];
	s28 =	simm.s32 $0xA;
	s12 =	smul.u32 $0x2700, s17  }
0x6: {  	s29 =	simm.s32 $0x0;
	s6 =	sand.u32 $0x1, s4;
	s30 =	smul.u32 $0x4E20, s17  }
0x7: {  	s5 =	sshll.u32 s17, $0x1;
	s4 =	rddreg [dreg:$0x5];
	s22 =	smul.u32 $0x4E200, s17  }
0x8: {  	p0 =	seq.s32 s17, $0xF;
	s7 =	sor.u32 s6, s5;
	s15 =	smul.u32 $0x2710, s6  }
0x9: {  	s5 =	simm.s32 $0x0;
	s9 =	ssub.s32 $0x2, s6;
	s6 =	smul.u32 $0x27100, s6  }
0xa: {  	s17 =	simm.s32 $0x2;
	s8 =	smul.u32 $0x2710, s7;
	[smem:$0x7FF] =	sst s5  }
0xb: {  	s11 =	sshrl.u32 s9, $0x1;
	s10 =	sshrl.u32 s10, $0x2;
	s7 =	smul.u32 $0x27100, s7  }
0xc: {  	s26 =	sadd.s32 s1, s12;
	s1 =	sadd.s32 $0x24900, s1;
	s12 =	simm.s32 $0x40  }
0xd: {  	_ =	strace $0x80000047;
	s9 =	ssub.s32 s9, s11;
	[dreg:$0xc] =	wrdreg s26  }
0xe: {  	s10 =	sadd.s32 s10, s4;
	[dreg:$0xd] =	wrdreg s1;
	s11 =	sadd.s32 s15, s30  }
0xf: {  	s31 =	sadd.s32 $0x40, s8;
	s14 =	sshrl.u32 s8, $0x3;
	s7 =	sadd.s32 s2, s7  }
0x10: {  	s18 =	sadd.s32 $0x2680, s8;
	s19 =	sadd.s32 $0x26C0, s8;
	s15 =	sadd.s32 $0x4E2C0, s11  }
0x11: {  	s8 =	sadd.s32 $0x2700, s8;
	s23 =	sadd.s32 $0xC0, s11;
	s25 =	sadd.s32 $0x4E300, s11  }
0x12: {  	s26 =	sadd.s32 $0x100, s11;
	[dreg:$0xe] =	wrdreg s7;
	s16 =	sshll.u32 s31, $0x4  }
0x13: {  	s13 =	sshll.u32 s18, $0x4;
	s20 =	sshll.u32 s19, $0x4;
	s15 =	sshrl.u32 s15, $0x3  }
0x14: {  	s1 =	sshrl.u32 s31, $0x3;
	s30 =	sshrl.u32 s26, $0x3;
	s7 =	sadd.s32 s2, s16  }
0x15: {  	s13 =	sadd.s32 s2, s13;
	s21 =	sadd.s32 s15, s0;
	[dreg:$0xf] =	wrdreg s7  }
0x16: {  	s16 =	sshll.u32 s8, $0x4;
	s15 =	sshrl.u32 s23, $0x3;
	[dreg:$0x10] =	wrdreg s13  }
0x17: {  	s31 =	sadd.s32 s0, s1;
	s1 =	sadd.s32 s3, s1;
	[dreg:$0x7] =	wrdreg s21  }
0x18: {  	s23 =	sadd.s32 $0x80, s11;
	s11 =	simm.s32 $0x7700;
	[dreg:$0x13] =	wrdreg s31  }
0x19: {  	s13 =	sadd.s32 s2, s20;
	s16 =	sadd.s32 s2, s16;
	[dreg:$0x15] =	wrdreg s1  }
0x1a: {  	s2 =	sadd.s32 s22, s2;
	s24 =	sadd.s32 s15, s3;
	[dreg:$0x1d] =	wrdreg s23  }
0x1b: {  	s15 =	sadd.s32 s15, s0;
	s21 =	smax.u32 s9, $0x1;
	[dreg:$0x11] =	wrdreg s13  }
0x1c: {  	s1 =	simm.s32 $0xB;
	s7 =	simm.s32 $0x7680;
	[dreg:$0x12] =	wrdreg s16  }
0x1d: {  	s9 =	simm.s32 $0x3;
	s2 =	sadd.s32 s6, s2;
	[dreg:$0x8] =	wrdreg s24  }
0x1e: {  	s13 =	sadd.s32 s0, s14;
	s6 =	sshrl.u32 s25, $0x3;
	[dreg:$0x9] =	wrdreg s15  }
0x1f: {  	s14 =	sadd.s32 s3, s14;
	s16 =	sshrl.u32 s18, $0x3;
	[dreg:$0x1b] =	wrdreg s21  }
0x20: {  	s18 =	sshrl.u32 s8, $0x3;
	s6 =	sadd.s32 s6, s0;
	[dreg:$0x14] =	wrdreg s14  }
0x21: {  	s8 =	simm.s32 $0x1;
	s20 =	sadd.s32 s3, s18;
	[dreg:$0xa] =	wrdreg s6  }
0x22: {  	s21 =	simm.s32 $0x6;
	s22 =	sadd.s32 $0xC00, s2;
	[dreg:$0x1a] =	wrdreg s20  }
0x23: {  	s14 =	sshrl.u32 s19, $0x3;
	s24 =	sadd.s32 $0x9C40, s13;
	[dreg:$0x1c] =	wrdreg s22  }
0x24: {  	s25 =	sadd.s32 $0x9C48, s13;
	s26 =	sadd.s32 $0x10, s13;
	[smem:$0x7F9] =	sst s24  }
0x25: {  	s31 =	sadd.s32 $0xA118, s13;
	s6 =	sadd.s32 s30, s0;
	[smem:$0x7FA] =	sst s25  }
0x26: {  	s15 =	sadd.s32 s0, s14;
	s0 =	sadd.s32 s0, s18;
	[smem:$0x7FB] =	sst s26  }
0x27: {  	s19 =	sadd.s32 s3, s14;
	s30 =	sadd.s32 $0x9C50, s13;
	[smem:$0x7FD] =	sst s31  }
0x28: {  	s14 =	simm.s32 $0x7780;
	s18 =	simm.s32 $0x4;
	[dreg:$0xb] =	wrdreg s6  }
0x29: {  	s20 =	simm.s32 $0xB800;
	s22 =	simm.s32 $0x7;
	[dreg:$0x16] =	wrdreg s15  }
0x2a: {  	s25 =	simm.s32 $0x9;
	s26 =	simm.s32 $0x8;
	[dreg:$0x18] =	wrdreg s0  }
0x2b: {  	s6 =	sadd.s32 s3, s16;
	[dreg:$0x19] =	wrdreg s19;
	s0 =	sadd.s32 $0x124800, s4  }
0x2c: {  	[smem:$0x7FC] =	sst s30;
	s15 =	simm.s32 $0xB780;
	s16 =	simm.s32 $0x5  }
0x2d: {  	s19 =	simm.s32 $0x9780;
	[dreg:$0x17] =	wrdreg s6;
	s0 =	sshrl.u32 @p0 s0, $0x3  }
0x2e: {  	s6 =	simm.s32 $0x7580;
	[dreg:$0x1e] =	wrdreg s0;
	s0 =	sshrl.u32 @!p0 s10, $0x3  }
0x2f: {  	s10 =	simm.s32 $0x7600;
	[dreg:$0x1f] =	wrdreg s0;
	s0 =	sadd.s32 $0xA120, s13  }
.LBB2_1:
0x30: {  	s2 =	rddreg [dreg:$0xd]  }
0x31: {  	s23 =	simm.s32 @p0 $0x1FCB;
	s24 =	rddreg [dreg:$0x1e]  }
0x32: {  	[spmem:s24], [sflag:s23] =	dma.local @p0 [hbm:s2], $0x2800  }
0x33: {  	s23 =	simm.s32 @p0 $0xB  }
0x34: {  	s2 =	stileid.u32;
	_ =	swait.ge @p0 [sflag:s23], $0x2800  }
0x35: {  	s24 =	sshll.u32 @!p0 s2, $0x6;
	[sflag:s23] =	ssyncset.done @p0 $0x0;
	s2 =	rddreg [dreg:$0xc]  }
0x36: {  	[sflag:s23] =	ssyncadd.s32 @p0 $0xFFFFD800;
	s23 =	sor.u32 @!p0 $0x1C0B, s24;
	s24 =	rddreg [dreg:$0x1f]  }
0x37: {  	[spmem:s24], [sflag:s23] =	dma.local @!p0 [hbm:s2], $0x2700  }
0x38: {  	s23 =	simm.s32 @!p0 $0xB  }
0x39: {  	_ =	swait.ge @!p0 [sflag:s23], $0x2700  }
0x3a: {  	[sflag:s23] =	ssyncset.done @!p0 $0x0  }
0x3b: {  	[sflag:s23] =	ssyncadd.s32 @!p0 $0xFFFFD900  }
0x3c: {  	s30 =	rddreg [dreg:$0x0]  }
0x3d: {  	[tilespmem:s5], [sflag:$0xB] =	stream.linear.gather [hbm4b:s30+s5], $0x7580, $0x38;
	[tilespmem:$0x1F100] =	vst v63  }
0x3e: {  	_ =	swait.ge [sflag:s1], $0x7580  }
0x3f: {  	[sflag:s1] =	ssyncset.done $0x0  }
0x40: {  	[sflag:s1] =	ssyncadd.s32 $0xFFFF8A80  }
0x41: {  	[bflag:$0x0] =	sbarrier.arrive $0xFFFF  }
0x42: {  	s23 =	sld [smem:$0x7F9]  }
0x43: {  	[tilespmem:s6], [sflag:$0x1] =	stream.linear.gather [hbm4b:s13+s5], $0x40, $0x38;
	[tilespmem:$0x1F100] =	vst v63  }
0x44: {  	_ = 	snop  }
0x45: {  	[tilespmem:s7], [sflag:$0x3] =	stream.linear.gather [hbm4b:s23+s5], $0x40, $0x38;
	[tilespmem:$0x1F100] =	vst v63  }
0x46: {  	_ =	swait.ge [sflag:s8], $0x40  }
0x47: {  	[sflag:s8] =	ssyncset.done $0x0  }
0x48: {  	[sflag:s8] =	ssyncadd.s32 $0xFFFFFFC0  }
0x49: {  	_ =	swait.ge [sflag:s9], $0x40  }
0x4a: {  	[sflag:s9] =	ssyncset.done $0x0;
	s24 =	rddreg [dreg:$0x13]  }
0x4b: {  	s30 =	sld [smem:$0x7FA];
	[sflag:s9] =	ssyncadd.s32 $0xFFFFFFC0  }
0x4c: {  	[tilespmem:s10], [sflag:$0x2] =	stream.linear.gather [hbm4b:s24+s5], $0x40, $0x38;
	[tilespmem:$0x1F100] =	vst v63  }
0x4d: {  	_ = 	snop  }
0x4e: {  	[tilespmem:s11], [sflag:$0x4] =	stream.linear.gather [hbm4b:s30+s5], $0x40, $0x38;
	[tilespmem:$0x1F100] =	vst v63  }
0x4f: {  	_ = 	snop  }
0x50: {  	[tilespmem:s14], [sflag:$0x5] =	stream.indirect.gather [spmem:s4], $0x80, s6, s12, $0xb8;
	[tilespmem:$0x1F100] =	vst v63  }
0x51: {  	v0 =	vld [tilespmem:$0x7580]  }
0x52: {  	v1 =	vld [tilespmem:$0x7680];
	_ =	sdelay $0x3  }
0x53: {  	v0 =	vmul.u32 $0x3, v0  }
0x54: {  	v1 =	vmul.u32 $0x3, v1;
	_ =	sdelay $0x1  }
0x55: {  	v2 =	vadd.s32 $0x1, v0  }
0x56: {  	v3 =	vadd.s32 $0x1, v1  }
0x57: {  	v4 =	vadd.s32 $0x2, v0  }
0x58: {  	v5 =	vadd.s32 $0x2, v1;
	v0 =	vld.idx.msk [tilespmem:v0+s5+$0x0], $0xffff  }
0x59: {  	v1 =	vld.idx.msk [tilespmem:v1+s5+$0x0], $0xffff  }
0x5a: {  	v2 =	vld.idx.msk [tilespmem:v2+s5+$0x0], $0xffff  }
0x5b: {  	v3 =	vld.idx.msk [tilespmem:v3+s5+$0x0], $0xffff  }
0x5c: {  	v4 =	vld.idx.msk [tilespmem:v4+s5+$0x0], $0xffff  }
0x5d: {  	v5 =	vld.idx.msk [tilespmem:v5+s5+$0x0], $0xffff  }
0x5e: {  	v0 =	vsub.f32 v0, v1;
	_ =	sdelay $0x1  }
0x5f: {  	v48 =	vsub.f32 v2, v3;
	v0 =	vmul.f32 v0, v0;
	_ =	sdelay $0x1  }
0x60: {  	v49 =	vsub.f32 v4, v5;
	v1 =	vmul.f32 v48, v48;
	v0 =	vadd.f32 $9.999999970e-07, v0;
	_ =	sdelay $0x1  }
0x61: {  	v50 =	vmul.f32 v49, v49;
	v0 =	vadd.f32 v1, v0;
	_ =	sdelay $0x1  }
0x62: {  	v0 =	vadd.f32 v50, v0;
	_ =	sdelay $0x1  }
0x63: {  	v51 =	vld [tilespmem:$0x7590];
	(erf) = vrcp.f32 v0  }
0x64: {  	v52 =	vld [tilespmem:$0x7690];
	_ =	sdelay $0x3  }
0x65: {  	v0 =	vmul.u32 $0x3, v51  }
0x66: {  	v1 =	vmul.u32 $0x3, v52;
	_ =	sdelay $0x1  }
0x67: {  	v53 =	vadd.s32 $0x1, v0  }
0x68: {  	v55 =	vadd.s32 $0x1, v1;
	v54 =	vpop (erf)  }
0x69: {  	v56 =	vadd.s32 $0x2, v0;
	[tilespmem:$0xB780] =	vst v54  }
0x6a: {  	v57 =	vadd.s32 $0x2, v1;
	v0 =	vld.idx.msk [tilespmem:v0+s5+$0x0], $0xffff  }
0x6b: {  	v1 =	vld.idx.msk [tilespmem:v1+s5+$0x0], $0xffff  }
0x6c: {  	v2 =	vld.idx.msk [tilespmem:v53+s5+$0x0], $0xffff  }
0x6d: {  	v4 =	vld.idx.msk [tilespmem:v55+s5+$0x0], $0xffff  }
0x6e: {  	v3 =	vld.idx.msk [tilespmem:v56+s5+$0x0], $0xffff  }
0x6f: {  	v5 =	vld.idx.msk [tilespmem:v57+s5+$0x0], $0xffff  }
0x70: {  	v0 =	vsub.f32 v0, v1;
	_ =	sdelay $0x1  }
0x71: {  	v58 =	vsub.f32 v2, v4;
	v0 =	vmul.f32 v0, v0;
	_ =	sdelay $0x1  }
0x72: {  	v59 =	vsub.f32 v3, v5;
	v1 =	vmul.f32 v58, v58;
	v0 =	vadd.f32 $9.999999970e-07, v0;
	_ =	sdelay $0x1  }
0x73: {  	v60 =	vmul.f32 v59, v59;
	v0 =	vadd.f32 v1, v0;
	_ =	sdelay $0x1  }
0x74: {  	v0 =	vadd.f32 v60, v0;
	_ =	sdelay $0x1  }
0x75: {  	v61 =	vld [tilespmem:$0x75A0];
	(erf) = vrcp.f32 v0  }
0x76: {  	v62 =	vld [tilespmem:$0x76A0];
	_ =	sdelay $0x3  }
0x77: {  	v0 =	vmul.u32 $0x3, v61  }
0x78: {  	v1 =	vmul.u32 $0x3, v62;
	_ =	sdelay $0x1  }
0x79: {  	v63 =	vadd.s32 $0x1, v0  }
0x7a: {  	v9 =	vadd.s32 $0x1, v1;
	v8 =	vpop (erf)  }
0x7b: {  	v10 =	vadd.s32 $0x2, v0;
	[tilespmem:$0xB790] =	vst v8  }
0x7c: {  	v11 =	vadd.s32 $0x2, v1;
	v0 =	vld.idx.msk [tilespmem:v0+s5+$0x0], $0xffff  }
0x7d: {  	v1 =	vld.idx.msk [tilespmem:v1+s5+$0x0], $0xffff  }
0x7e: {  	v2 =	vld.idx.msk [tilespmem:v63+s5+$0x0], $0xffff  }
0x7f: {  	v4 =	vld.idx.msk [tilespmem:v9+s5+$0x0], $0xffff  }
0x80: {  	v3 =	vld.idx.msk [tilespmem:v10+s5+$0x0], $0xffff  }
0x81: {  	v5 =	vld.idx.msk [tilespmem:v11+s5+$0x0], $0xffff  }
0x82: {  	v0 =	vsub.f32 v0, v1;
	_ =	sdelay $0x1  }
0x83: {  	v12 =	vsub.f32 v2, v4;
	v0 =	vmul.f32 v0, v0;
	_ =	sdelay $0x1  }
0x84: {  	v13 =	vsub.f32 v3, v5;
	v1 =	vmul.f32 v12, v12;
	v0 =	vadd.f32 $9.999999970e-07, v0;
	_ =	sdelay $0x1  }
0x85: {  	v14 =	vmul.f32 v13, v13;
	v0 =	vadd.f32 v1, v0;
	_ =	sdelay $0x1  }
0x86: {  	v0 =	vadd.f32 v14, v0;
	_ =	sdelay $0x1  }
0x87: {  	v15 =	vld [tilespmem:$0x75B0];
	(erf) = vrcp.f32 v0  }
0x88: {  	v16 =	vld [tilespmem:$0x76B0];
	_ =	sdelay $0x3  }
0x89: {  	v0 =	vmul.u32 $0x3, v15  }
0x8a: {  	v1 =	vmul.u32 $0x3, v16;
	_ =	sdelay $0x1  }
0x8b: {  	v17 =	vadd.s32 $0x1, v0  }
0x8c: {  	v19 =	vadd.s32 $0x1, v1;
	v18 =	vpop (erf)  }
0x8d: {  	v20 =	vadd.s32 $0x2, v0;
	[tilespmem:$0xB7A0] =	vst v18  }
0x8e: {  	v21 =	vadd.s32 $0x2, v1;
	v0 =	vld.idx.msk [tilespmem:v0+s5+$0x0], $0xffff  }
0x8f: {  	v1 =	vld.idx.msk [tilespmem:v1+s5+$0x0], $0xffff  }
0x90: {  	v2 =	vld.idx.msk [tilespmem:v17+s5+$0x0], $0xffff  }
0x91: {  	v4 =	vld.idx.msk [tilespmem:v19+s5+$0x0], $0xffff  }
0x92: {  	v3 =	vld.idx.msk [tilespmem:v20+s5+$0x0], $0xffff  }
0x93: {  	v5 =	vld.idx.msk [tilespmem:v21+s5+$0x0], $0xffff  }
0x94: {  	v0 =	vsub.f32 v0, v1;
	_ =	sdelay $0x1  }
0x95: {  	v22 =	vsub.f32 v2, v4;
	v0 =	vmul.f32 v0, v0;
	_ =	sdelay $0x1  }
0x96: {  	v23 =	vsub.f32 v3, v5;
	v1 =	vmul.f32 v22, v22;
	v0 =	vadd.f32 $9.999999970e-07, v0;
	_ =	sdelay $0x1  }
0x97: {  	v24 =	vmul.f32 v23, v23;
	v0 =	vadd.f32 v1, v0;
	_ =	sdelay $0x1  }
0x98: {  	v0 =	vadd.f32 v24, v0;
	_ =	sdelay $0x1  }
0x99: {  	(erf) = vrcp.f32 v0;
	_ =	sdelay $0x8  }
0x9a: {  	v0 =	vpop (erf)  }
0x9b: {  	s23 =	rddreg [dreg:$0x14];
	[tilespmem:$0xB7B0] =	vst v0  }
0x9c: {  	[hbm4b:s23+s5] =	stream.linear.scatter [tilespmem:s15], [sflag:$0x9], $0x40, $0x38;
	[tilespmem:$0x1F100] =	vst v63  }
0x9d: {  	_ =	swait.ge [sflag:s16], $0x2000  }
0x9e: {  	[sflag:s16] =	ssyncset.done $0x0  }
0x9f: {  	s24 =	rddreg [dreg:$0xe];
	[sflag:s16] =	ssyncadd.s32 $0xFFFFE000  }
0xa0: {  	[hbm4b:s24+s5] =	stream.linear.scatter [tilespmem:s14], [sflag:$0x7], $0x2000, $0x38;
	[tilespmem:$0x1F100] =	vst v63  }
0xa1: {  	_ =	swait.ge [sflag:s17], $0x40  }
0xa2: {  	[sflag:s17] =	ssyncset.done $0x0  }
0xa3: {  	[sflag:s17] =	ssyncadd.s32 $0xFFFFFFC0  }
0xa4: {  	_ =	swait.ge [sflag:s18], $0x40  }
0xa5: {  	s30 =	sld [smem:$0x7FB]  }
0xa6: {  	[sflag:s18] =	ssyncset.done $0x0  }
0xa7: {  	s23 =	sld [smem:$0x7FC];
	[sflag:s18] =	ssyncadd.s32 $0xFFFFFFC0  }
0xa8: {  	[tilespmem:s6], [sflag:$0x1] =	stream.linear.gather [hbm4b:s30+s5], $0x40, $0x38;
	[tilespmem:$0x1F100] =	vst v63  }
0xa9: {  	_ = 	snop  }
0xaa: {  	[tilespmem:s7], [sflag:$0x3] =	stream.linear.gather [hbm4b:s23+s5], $0x40, $0x38;
	[tilespmem:$0x1F100] =	vst v63  }
0xab: {  	_ = 	snop  }
0xac: {  	[tilespmem:s19], [sflag:$0x6] =	stream.indirect.gather [spmem:s4], $0x80, s10, s12, $0xb8;
	[tilespmem:$0x1F100] =	vst v63  }
0xad: {  	v25 =	vld [tilespmem:$0x7600]  }
0xae: {  	v26 =	vld [tilespmem:$0x7700];
	_ =	sdelay $0x3  }
0xaf: {  	v0 =	vmul.u32 $0x3, v25  }
0xb0: {  	v1 =	vmul.u32 $0x3, v26;
	_ =	sdelay $0x1  }
0xb1: {  	v27 =	vadd.s32 $0x1, v0  }
0xb2: {  	v28 =	vadd.s32 $0x1, v1  }
0xb3: {  	v29 =	vadd.s32 $0x2, v0  }
0xb4: {  	v30 =	vadd.s32 $0x2, v1;
	v0 =	vld.idx.msk [tilespmem:v0+s5+$0x0], $0xffff  }
0xb5: {  	v1 =	vld.idx.msk [tilespmem:v1+s5+$0x0], $0xffff  }
0xb6: {  	v2 =	vld.idx.msk [tilespmem:v27+s5+$0x0], $0xffff  }
0xb7: {  	v3 =	vld.idx.msk [tilespmem:v28+s5+$0x0], $0xffff  }
0xb8: {  	v4 =	vld.idx.msk [tilespmem:v29+s5+$0x0], $0xffff  }
0xb9: {  	v5 =	vld.idx.msk [tilespmem:v30+s5+$0x0], $0xffff  }
0xba: {  	v0 =	vsub.f32 v0, v1;
	_ =	sdelay $0x1  }
0xbb: {  	v31 =	vsub.f32 v2, v3;
	v0 =	vmul.f32 v0, v0;
	_ =	sdelay $0x1  }
0xbc: {  	v32 =	vsub.f32 v4, v5;
	v1 =	vmul.f32 v31, v31;
	v0 =	vadd.f32 $9.999999970e-07, v0;
	_ =	sdelay $0x1  }
0xbd: {  	v33 =	vmul.f32 v32, v32;
	v0 =	vadd.f32 v1, v0;
	_ =	sdelay $0x1  }
0xbe: {  	v0 =	vadd.f32 v33, v0;
	_ =	sdelay $0x1  }
0xbf: {  	v34 =	vld [tilespmem:$0x7610];
	(erf) = vrcp.f32 v0  }
0xc0: {  	v35 =	vld [tilespmem:$0x7710];
	_ =	sdelay $0x3  }
0xc1: {  	v0 =	vmul.u32 $0x3, v34  }
0xc2: {  	v1 =	vmul.u32 $0x3, v35;
	_ =	sdelay $0x1  }
0xc3: {  	v36 =	vadd.s32 $0x1, v0  }
0xc4: {  	v38 =	vadd.s32 $0x1, v1;
	v37 =	vpop (erf)  }
0xc5: {  	v39 =	vadd.s32 $0x2, v0;
	[tilespmem:$0xB800] =	vst v37  }
0xc6: {  	v40 =	vadd.s32 $0x2, v1;
	v0 =	vld.idx.msk [tilespmem:v0+s5+$0x0], $0xffff  }
0xc7: {  	v1 =	vld.idx.msk [tilespmem:v1+s5+$0x0], $0xffff  }
0xc8: {  	v2 =	vld.idx.msk [tilespmem:v36+s5+$0x0], $0xffff  }
0xc9: {  	v4 =	vld.idx.msk [tilespmem:v38+s5+$0x0], $0xffff  }
0xca: {  	v3 =	vld.idx.msk [tilespmem:v39+s5+$0x0], $0xffff  }
0xcb: {  	v5 =	vld.idx.msk [tilespmem:v40+s5+$0x0], $0xffff  }
0xcc: {  	v0 =	vsub.f32 v0, v1;
	_ =	sdelay $0x1  }
0xcd: {  	v41 =	vsub.f32 v2, v4;
	v0 =	vmul.f32 v0, v0;
	_ =	sdelay $0x1  }
0xce: {  	v42 =	vsub.f32 v3, v5;
	v1 =	vmul.f32 v41, v41;
	v0 =	vadd.f32 $9.999999970e-07, v0;
	_ =	sdelay $0x1  }
0xcf: {  	v43 =	vmul.f32 v42, v42;
	v0 =	vadd.f32 v1, v0;
	_ =	sdelay $0x1  }
0xd0: {  	v0 =	vadd.f32 v43, v0;
	_ =	sdelay $0x1  }
0xd1: {  	v44 =	vld [tilespmem:$0x7620];
	(erf) = vrcp.f32 v0  }
0xd2: {  	v45 =	vld [tilespmem:$0x7720];
	_ =	sdelay $0x3  }
0xd3: {  	v0 =	vmul.u32 $0x3, v44  }
0xd4: {  	v1 =	vmul.u32 $0x3, v45;
	_ =	sdelay $0x1  }
0xd5: {  	v46 =	vadd.s32 $0x1, v0  }
0xd6: {  	v48 =	vadd.s32 $0x1, v1;
	v47 =	vpop (erf)  }
0xd7: {  	v49 =	vadd.s32 $0x2, v0;
	[tilespmem:$0xB810] =	vst v47  }
0xd8: {  	v50 =	vadd.s32 $0x2, v1;
	v0 =	vld.idx.msk [tilespmem:v0+s5+$0x0], $0xffff  }
0xd9: {  	v1 =	vld.idx.msk [tilespmem:v1+s5+$0x0], $0xffff  }
0xda: {  	v2 =	vld.idx.msk [tilespmem:v46+s5+$0x0], $0xffff  }
0xdb: {  	v4 =	vld.idx.msk [tilespmem:v48+s5+$0x0], $0xffff  }
0xdc: {  	v3 =	vld.idx.msk [tilespmem:v49+s5+$0x0], $0xffff  }
0xdd: {  	v5 =	vld.idx.msk [tilespmem:v50+s5+$0x0], $0xffff  }
0xde: {  	v0 =	vsub.f32 v0, v1;
	_ =	sdelay $0x1  }
0xdf: {  	v51 =	vsub.f32 v2, v4;
	v0 =	vmul.f32 v0, v0;
	_ =	sdelay $0x1  }
0xe0: {  	v52 =	vsub.f32 v3, v5;
	v1 =	vmul.f32 v51, v51;
	v0 =	vadd.f32 $9.999999970e-07, v0;
	_ =	sdelay $0x1  }
0xe1: {  	v53 =	vmul.f32 v52, v52;
	v0 =	vadd.f32 v1, v0;
	_ =	sdelay $0x1  }
0xe2: {  	v0 =	vadd.f32 v53, v0;
	_ =	sdelay $0x1  }
0xe3: {  	v54 =	vld [tilespmem:$0x7630];
	(erf) = vrcp.f32 v0  }
0xe4: {  	v55 =	vld [tilespmem:$0x7730];
	_ =	sdelay $0x3  }
0xe5: {  	v0 =	vmul.u32 $0x3, v54  }
0xe6: {  	v1 =	vmul.u32 $0x3, v55;
	_ =	sdelay $0x1  }
0xe7: {  	v56 =	vadd.s32 $0x1, v0  }
0xe8: {  	v58 =	vadd.s32 $0x1, v1;
	v57 =	vpop (erf)  }
0xe9: {  	v59 =	vadd.s32 $0x2, v0;
	[tilespmem:$0xB820] =	vst v57  }
0xea: {  	v60 =	vadd.s32 $0x2, v1;
	v0 =	vld.idx.msk [tilespmem:v0+s5+$0x0], $0xffff  }
0xeb: {  	v1 =	vld.idx.msk [tilespmem:v1+s5+$0x0], $0xffff  }
0xec: {  	v2 =	vld.idx.msk [tilespmem:v56+s5+$0x0], $0xffff  }
0xed: {  	v4 =	vld.idx.msk [tilespmem:v58+s5+$0x0], $0xffff  }
0xee: {  	v3 =	vld.idx.msk [tilespmem:v59+s5+$0x0], $0xffff  }
0xef: {  	v5 =	vld.idx.msk [tilespmem:v60+s5+$0x0], $0xffff  }
0xf0: {  	v0 =	vsub.f32 v0, v1;
	_ =	sdelay $0x1  }
0xf1: {  	v61 =	vsub.f32 v2, v4;
	v0 =	vmul.f32 v0, v0;
	_ =	sdelay $0x1  }
0xf2: {  	v62 =	vsub.f32 v3, v5;
	v1 =	vmul.f32 v61, v61;
	v0 =	vadd.f32 $9.999999970e-07, v0;
	_ =	sdelay $0x1  }
0xf3: {  	v63 =	vmul.f32 v62, v62;
	v0 =	vadd.f32 v1, v0;
	_ =	sdelay $0x1  }
0xf4: {  	v0 =	vadd.f32 v63, v0;
	_ =	sdelay $0x1  }
0xf5: {  	(erf) = vrcp.f32 v0;
	_ =	sdelay $0x8  }
0xf6: {  	v0 =	vpop (erf)  }
0xf7: {  	s24 =	rddreg [dreg:$0x15];
	[tilespmem:$0xB830] =	vst v0  }
0xf8: {  	[hbm4b:s24+s5] =	stream.linear.scatter [tilespmem:s20], [sflag:$0xA], $0x40, $0x38;
	[tilespmem:$0x1F100] =	vst v63  }
0xf9: {  	_ =	swait.ge [sflag:s21], $0x2000  }
0xfa: {  	s30 =	rddreg [dreg:$0xf]  }
0xfb: {  	[sflag:s21] =	ssyncset.done $0x0;
	s24 =	rddreg [dreg:$0x1d]  }
0xfc: {  	s31 =	simm.s32 $0x0;
	s23 =	rddreg [dreg:$0x1c];
	[sflag:s21] =	ssyncadd.s32 $0xFFFFE000  }
0xfd: {  	[hbm4b:s30+s5] =	stream.linear.scatter [tilespmem:s19], [sflag:$0x8], $0x2000, $0x38;
	[tilespmem:$0x1F100] =	vst v63  }
.LBB2_2:
0xfe: {  	_ =	swait.ge [sflag:s8], $0x40  }
0xff: {  	[sflag:s8] =	ssyncset.done $0x0  }
0x100: {  	[sflag:s8] =	ssyncadd.s32 $0xFFFFFFC0  }
0x101: {  	_ =	swait.ge [sflag:s9], $0x40  }
0x102: {  	s30 =	rddreg [dreg:$0x9];
	[sflag:s9] =	ssyncset.done $0x0  }
0x103: {  	s2 =	rddreg [dreg:$0x7];
	[sflag:s9] =	ssyncadd.s32 $0xFFFFFFC0;
	s30 =	sadd.s32 s31, s30  }
0x104: {  	[tilespmem:s10], [sflag:$0x2] =	stream.linear.gather [hbm4b:s30+s5], $0x40, $0x38;
	[tilespmem:$0x1F100] =	vst v63  }
0x105: {  	s2 =	sadd.s32 s31, s2  }
0x106: {  	[tilespmem:s11], [sflag:$0x4] =	stream.linear.gather [hbm4b:s2+s5], $0x40, $0x38;
	[tilespmem:$0x1F100] =	vst v63  }
0x107: {  	_ =	swait.ge [sflag:s22], $0x2000  }
0x108: {  	[sflag:s22] =	ssyncset.done $0x0  }
0x109: {  	[sflag:s22] =	ssyncadd.s32 $0xFFFFE000  }
0x10a: {  	[tilespmem:s14], [sflag:$0x5] =	stream.indirect.gather [spmem:s4], $0x80, s6, s12, $0xb8;
	[tilespmem:$0x1F100] =	vst v63  }
0x10b: {  	_ =	swait.ge [sflag:s25], $0x40  }
0x10c: {  	[sflag:s25] =	ssyncset.done $0x0  }
0x10d: {  	[sflag:s25] =	ssyncadd.s32 $0xFFFFFFC0  }
0x10e: {  	v0 =	vld [tilespmem:$0x7580]  }
0x10f: {  	v1 =	vld [tilespmem:$0x7680];
	_ =	sdelay $0x3  }
0x110: {  	v0 =	vmul.u32 $0x3, v0  }
0x111: {  	v1 =	vmul.u32 $0x3, v1;
	_ =	sdelay $0x1  }
0x112: {  	v2 =	vadd.s32 $0x1, v0  }
0x113: {  	v3 =	vadd.s32 $0x1, v1  }
0x114: {  	v4 =	vadd.s32 $0x2, v0  }
0x115: {  	v5 =	vadd.s32 $0x2, v1;
	v0 =	vld.idx.msk [tilespmem:v0+s5+$0x0], $0xffff  }
0x116: {  	v1 =	vld.idx.msk [tilespmem:v1+s5+$0x0], $0xffff  }
0x117: {  	v2 =	vld.idx.msk [tilespmem:v2+s5+$0x0], $0xffff  }
0x118: {  	v3 =	vld.idx.msk [tilespmem:v3+s5+$0x0], $0xffff  }
0x119: {  	v4 =	vld.idx.msk [tilespmem:v4+s5+$0x0], $0xffff  }
0x11a: {  	v5 =	vld.idx.msk [tilespmem:v5+s5+$0x0], $0xffff  }
0x11b: {  	v0 =	vsub.f32 v0, v1;
	_ =	sdelay $0x1  }
0x11c: {  	v48 =	vsub.f32 v2, v3;
	v0 =	vmul.f32 v0, v0;
	_ =	sdelay $0x1  }
0x11d: {  	v49 =	vsub.f32 v4, v5;
	v1 =	vmul.f32 v48, v48;
	v0 =	vadd.f32 $9.999999970e-07, v0;
	_ =	sdelay $0x1  }
0x11e: {  	v50 =	vmul.f32 v49, v49;
	v0 =	vadd.f32 v1, v0;
	_ =	sdelay $0x1  }
0x11f: {  	v0 =	vadd.f32 v50, v0;
	_ =	sdelay $0x1  }
0x120: {  	v51 =	vld [tilespmem:$0x7590];
	(erf) = vrcp.f32 v0  }
0x121: {  	v52 =	vld [tilespmem:$0x7690];
	_ =	sdelay $0x3  }
0x122: {  	v0 =	vmul.u32 $0x3, v51  }
0x123: {  	v1 =	vmul.u32 $0x3, v52;
	_ =	sdelay $0x1  }
0x124: {  	v53 =	vadd.s32 $0x1, v0  }
0x125: {  	v55 =	vadd.s32 $0x1, v1;
	v54 =	vpop (erf)  }
0x126: {  	v56 =	vadd.s32 $0x2, v0;
	[tilespmem:$0xB780] =	vst v54  }
0x127: {  	v57 =	vadd.s32 $0x2, v1;
	v0 =	vld.idx.msk [tilespmem:v0+s5+$0x0], $0xffff  }
0x128: {  	v1 =	vld.idx.msk [tilespmem:v1+s5+$0x0], $0xffff  }
0x129: {  	v2 =	vld.idx.msk [tilespmem:v53+s5+$0x0], $0xffff  }
0x12a: {  	v4 =	vld.idx.msk [tilespmem:v55+s5+$0x0], $0xffff  }
0x12b: {  	v3 =	vld.idx.msk [tilespmem:v56+s5+$0x0], $0xffff  }
0x12c: {  	v5 =	vld.idx.msk [tilespmem:v57+s5+$0x0], $0xffff  }
0x12d: {  	v0 =	vsub.f32 v0, v1;
	_ =	sdelay $0x1  }
0x12e: {  	v58 =	vsub.f32 v2, v4;
	v0 =	vmul.f32 v0, v0;
	_ =	sdelay $0x1  }
0x12f: {  	v59 =	vsub.f32 v3, v5;
	v1 =	vmul.f32 v58, v58;
	v0 =	vadd.f32 $9.999999970e-07, v0;
	_ =	sdelay $0x1  }
0x130: {  	v60 =	vmul.f32 v59, v59;
	v0 =	vadd.f32 v1, v0;
	_ =	sdelay $0x1  }
0x131: {  	v0 =	vadd.f32 v60, v0;
	_ =	sdelay $0x1  }
0x132: {  	v61 =	vld [tilespmem:$0x75A0];
	(erf) = vrcp.f32 v0  }
0x133: {  	v62 =	vld [tilespmem:$0x76A0];
	_ =	sdelay $0x3  }
0x134: {  	v0 =	vmul.u32 $0x3, v61  }
0x135: {  	v1 =	vmul.u32 $0x3, v62;
	_ =	sdelay $0x1  }
0x136: {  	v63 =	vadd.s32 $0x1, v0  }
0x137: {  	v9 =	vadd.s32 $0x1, v1;
	v8 =	vpop (erf)  }
0x138: {  	v10 =	vadd.s32 $0x2, v0;
	[tilespmem:$0xB790] =	vst v8  }
0x139: {  	v11 =	vadd.s32 $0x2, v1;
	v0 =	vld.idx.msk [tilespmem:v0+s5+$0x0], $0xffff  }
0x13a: {  	v1 =	vld.idx.msk [tilespmem:v1+s5+$0x0], $0xffff  }
0x13b: {  	v2 =	vld.idx.msk [tilespmem:v63+s5+$0x0], $0xffff  }
0x13c: {  	v4 =	vld.idx.msk [tilespmem:v9+s5+$0x0], $0xffff  }
0x13d: {  	v3 =	vld.idx.msk [tilespmem:v10+s5+$0x0], $0xffff  }
0x13e: {  	v5 =	vld.idx.msk [tilespmem:v11+s5+$0x0], $0xffff  }
0x13f: {  	v0 =	vsub.f32 v0, v1;
	_ =	sdelay $0x1  }
0x140: {  	v12 =	vsub.f32 v2, v4;
	v0 =	vmul.f32 v0, v0;
	_ =	sdelay $0x1  }
0x141: {  	v13 =	vsub.f32 v3, v5;
	v1 =	vmul.f32 v12, v12;
	v0 =	vadd.f32 $9.999999970e-07, v0;
	_ =	sdelay $0x1  }
0x142: {  	v14 =	vmul.f32 v13, v13;
	v0 =	vadd.f32 v1, v0;
	_ =	sdelay $0x1  }
0x143: {  	v0 =	vadd.f32 v14, v0;
	_ =	sdelay $0x1  }
0x144: {  	v15 =	vld [tilespmem:$0x75B0];
	(erf) = vrcp.f32 v0  }
0x145: {  	v16 =	vld [tilespmem:$0x76B0];
	_ =	sdelay $0x3  }
0x146: {  	v0 =	vmul.u32 $0x3, v15  }
0x147: {  	v1 =	vmul.u32 $0x3, v16;
	_ =	sdelay $0x1  }
0x148: {  	v17 =	vadd.s32 $0x1, v0  }
0x149: {  	v19 =	vadd.s32 $0x1, v1;
	v18 =	vpop (erf)  }
0x14a: {  	v20 =	vadd.s32 $0x2, v0;
	[tilespmem:$0xB7A0] =	vst v18  }
0x14b: {  	v21 =	vadd.s32 $0x2, v1;
	v0 =	vld.idx.msk [tilespmem:v0+s5+$0x0], $0xffff  }
0x14c: {  	v1 =	vld.idx.msk [tilespmem:v1+s5+$0x0], $0xffff  }
0x14d: {  	v2 =	vld.idx.msk [tilespmem:v17+s5+$0x0], $0xffff  }
0x14e: {  	v4 =	vld.idx.msk [tilespmem:v19+s5+$0x0], $0xffff  }
0x14f: {  	v3 =	vld.idx.msk [tilespmem:v20+s5+$0x0], $0xffff  }
0x150: {  	v5 =	vld.idx.msk [tilespmem:v21+s5+$0x0], $0xffff  }
0x151: {  	v0 =	vsub.f32 v0, v1;
	_ =	sdelay $0x1  }
0x152: {  	v22 =	vsub.f32 v2, v4;
	v0 =	vmul.f32 v0, v0;
	_ =	sdelay $0x1  }
0x153: {  	v23 =	vsub.f32 v3, v5;
	v1 =	vmul.f32 v22, v22;
	v0 =	vadd.f32 $9.999999970e-07, v0;
	_ =	sdelay $0x1  }
0x154: {  	v24 =	vmul.f32 v23, v23;
	v0 =	vadd.f32 v1, v0;
	_ =	sdelay $0x1  }
0x155: {  	v0 =	vadd.f32 v24, v0;
	_ =	sdelay $0x1  }
0x156: {  	(erf) = vrcp.f32 v0;
	_ =	sdelay $0x8  }
0x157: {  	s30 =	sshrl.u32 s24, $0x3;
	v0 =	vpop (erf)  }
0x158: {  	s2 =	sadd.s32 s3, s30;
	[tilespmem:$0xB7B0] =	vst v0  }
0x159: {  	[hbm4b:s2+s5] =	stream.linear.scatter [tilespmem:s15], [sflag:$0x9], $0x40, $0x38;
	[tilespmem:$0x1F100] =	vst v63  }
0x15a: {  	_ =	swait.ge [sflag:s16], $0x2000  }
0x15b: {  	[sflag:s16] =	ssyncset.done $0x0  }
0x15c: {  	s30 =	sadd.s32 $0xFFFFFC00, s23;
	[sflag:s16] =	ssyncadd.s32 $0xFFFFE000  }
0x15d: {  	[hbm4b:s30+s5] =	stream.linear.scatter [tilespmem:s14], [sflag:$0x7], $0x2000, $0x38;
	[tilespmem:$0x1F100] =	vst v63  }
0x15e: {  	_ =	swait.ge [sflag:s17], $0x40  }
0x15f: {  	[sflag:s17] =	ssyncset.done $0x0  }
0x160: {  	[sflag:s17] =	ssyncadd.s32 $0xFFFFFFC0  }
0x161: {  	_ =	swait.ge [sflag:s18], $0x40  }
0x162: {  	s2 =	rddreg [dreg:$0xb];
	[sflag:s18] =	ssyncset.done $0x0  }
0x163: {  	s30 =	rddreg [dreg:$0xa];
	[sflag:s18] =	ssyncadd.s32 $0xFFFFFFC0;
	s2 =	sadd.s32 s31, s2  }
0x164: {  	[tilespmem:s6], [sflag:$0x1] =	stream.linear.gather [hbm4b:s2+s5], $0x40, $0x38;
	[tilespmem:$0x1F100] =	vst v63  }
0x165: {  	s30 =	sadd.s32 s31, s30  }
0x166: {  	[tilespmem:s7], [sflag:$0x3] =	stream.linear.gather [hbm4b:s30+s5], $0x40, $0x38;
	[tilespmem:$0x1F100] =	vst v63  }
0x167: {  	_ =	swait.ge [sflag:s26], $0x2000  }
0x168: {  	[sflag:s26] =	ssyncset.done $0x0  }
0x169: {  	[sflag:s26] =	ssyncadd.s32 $0xFFFFE000  }
0x16a: {  	[tilespmem:s19], [sflag:$0x6] =	stream.indirect.gather [spmem:s4], $0x80, s10, s12, $0xb8;
	[tilespmem:$0x1F100] =	vst v63  }
0x16b: {  	_ =	swait.ge [sflag:s28], $0x40  }
0x16c: {  	[sflag:s28] =	ssyncset.done $0x0  }
0x16d: {  	[sflag:s28] =	ssyncadd.s32 $0xFFFFFFC0  }
0x16e: {  	v25 =	vld [tilespmem:$0x7600]  }
0x16f: {  	v26 =	vld [tilespmem:$0x7700];
	_ =	sdelay $0x3  }
0x170: {  	v0 =	vmul.u32 $0x3, v25  }
0x171: {  	v1 =	vmul.u32 $0x3, v26;
	_ =	sdelay $0x1  }
0x172: {  	v27 =	vadd.s32 $0x1, v0  }
0x173: {  	v28 =	vadd.s32 $0x1, v1  }
0x174: {  	v29 =	vadd.s32 $0x2, v0  }
0x175: {  	v30 =	vadd.s32 $0x2, v1;
	v0 =	vld.idx.msk [tilespmem:v0+s5+$0x0], $0xffff  }
0x176: {  	v1 =	vld.idx.msk [tilespmem:v1+s5+$0x0], $0xffff  }
0x177: {  	v2 =	vld.idx.msk [tilespmem:v27+s5+$0x0], $0xffff  }
0x178: {  	v3 =	vld.idx.msk [tilespmem:v28+s5+$0x0], $0xffff  }
0x179: {  	v4 =	vld.idx.msk [tilespmem:v29+s5+$0x0], $0xffff  }
0x17a: {  	v5 =	vld.idx.msk [tilespmem:v30+s5+$0x0], $0xffff  }
0x17b: {  	v0 =	vsub.f32 v0, v1;
	_ =	sdelay $0x1  }
0x17c: {  	v31 =	vsub.f32 v2, v3;
	v0 =	vmul.f32 v0, v0;
	_ =	sdelay $0x1  }
0x17d: {  	v32 =	vsub.f32 v4, v5;
	v1 =	vmul.f32 v31, v31;
	v0 =	vadd.f32 $9.999999970e-07, v0;
	_ =	sdelay $0x1  }
0x17e: {  	v33 =	vmul.f32 v32, v32;
	v0 =	vadd.f32 v1, v0;
	_ =	sdelay $0x1  }
0x17f: {  	v0 =	vadd.f32 v33, v0;
	_ =	sdelay $0x1  }
0x180: {  	v34 =	vld [tilespmem:$0x7610];
	(erf) = vrcp.f32 v0  }
0x181: {  	v35 =	vld [tilespmem:$0x7710];
	_ =	sdelay $0x3  }
0x182: {  	v0 =	vmul.u32 $0x3, v34  }
0x183: {  	v1 =	vmul.u32 $0x3, v35;
	_ =	sdelay $0x1  }
0x184: {  	v36 =	vadd.s32 $0x1, v0  }
0x185: {  	v38 =	vadd.s32 $0x1, v1;
	v37 =	vpop (erf)  }
0x186: {  	v39 =	vadd.s32 $0x2, v0;
	[tilespmem:$0xB800] =	vst v37  }
0x187: {  	v40 =	vadd.s32 $0x2, v1;
	v0 =	vld.idx.msk [tilespmem:v0+s5+$0x0], $0xffff  }
0x188: {  	v1 =	vld.idx.msk [tilespmem:v1+s5+$0x0], $0xffff  }
0x189: {  	v2 =	vld.idx.msk [tilespmem:v36+s5+$0x0], $0xffff  }
0x18a: {  	v4 =	vld.idx.msk [tilespmem:v38+s5+$0x0], $0xffff  }
0x18b: {  	v3 =	vld.idx.msk [tilespmem:v39+s5+$0x0], $0xffff  }
0x18c: {  	v5 =	vld.idx.msk [tilespmem:v40+s5+$0x0], $0xffff  }
0x18d: {  	v0 =	vsub.f32 v0, v1;
	_ =	sdelay $0x1  }
0x18e: {  	v41 =	vsub.f32 v2, v4;
	v0 =	vmul.f32 v0, v0;
	_ =	sdelay $0x1  }
0x18f: {  	v42 =	vsub.f32 v3, v5;
	v1 =	vmul.f32 v41, v41;
	v0 =	vadd.f32 $9.999999970e-07, v0;
	_ =	sdelay $0x1  }
0x190: {  	v43 =	vmul.f32 v42, v42;
	v0 =	vadd.f32 v1, v0;
	_ =	sdelay $0x1  }
0x191: {  	v0 =	vadd.f32 v43, v0;
	_ =	sdelay $0x1  }
0x192: {  	v44 =	vld [tilespmem:$0x7620];
	(erf) = vrcp.f32 v0  }
0x193: {  	v45 =	vld [tilespmem:$0x7720];
	_ =	sdelay $0x3  }
0x194: {  	v0 =	vmul.u32 $0x3, v44  }
0x195: {  	v1 =	vmul.u32 $0x3, v45;
	_ =	sdelay $0x1  }
0x196: {  	v46 =	vadd.s32 $0x1, v0  }
0x197: {  	v48 =	vadd.s32 $0x1, v1;
	v47 =	vpop (erf)  }
0x198: {  	v49 =	vadd.s32 $0x2, v0;
	[tilespmem:$0xB810] =	vst v47  }
0x199: {  	v50 =	vadd.s32 $0x2, v1;
	v0 =	vld.idx.msk [tilespmem:v0+s5+$0x0], $0xffff  }
0x19a: {  	v1 =	vld.idx.msk [tilespmem:v1+s5+$0x0], $0xffff  }
0x19b: {  	v2 =	vld.idx.msk [tilespmem:v46+s5+$0x0], $0xffff  }
0x19c: {  	v4 =	vld.idx.msk [tilespmem:v48+s5+$0x0], $0xffff  }
0x19d: {  	v3 =	vld.idx.msk [tilespmem:v49+s5+$0x0], $0xffff  }
0x19e: {  	v5 =	vld.idx.msk [tilespmem:v50+s5+$0x0], $0xffff  }
0x19f: {  	v0 =	vsub.f32 v0, v1;
	_ =	sdelay $0x1  }
0x1a0: {  	v51 =	vsub.f32 v2, v4;
	v0 =	vmul.f32 v0, v0;
	_ =	sdelay $0x1  }
0x1a1: {  	v52 =	vsub.f32 v3, v5;
	v1 =	vmul.f32 v51, v51;
	v0 =	vadd.f32 $9.999999970e-07, v0;
	_ =	sdelay $0x1  }
0x1a2: {  	v53 =	vmul.f32 v52, v52;
	v0 =	vadd.f32 v1, v0;
	_ =	sdelay $0x1  }
0x1a3: {  	v0 =	vadd.f32 v53, v0;
	_ =	sdelay $0x1  }
0x1a4: {  	v54 =	vld [tilespmem:$0x7630];
	(erf) = vrcp.f32 v0  }
0x1a5: {  	v55 =	vld [tilespmem:$0x7730];
	_ =	sdelay $0x3  }
0x1a6: {  	v0 =	vmul.u32 $0x3, v54  }
0x1a7: {  	v1 =	vmul.u32 $0x3, v55;
	_ =	sdelay $0x1  }
0x1a8: {  	v56 =	vadd.s32 $0x1, v0  }
0x1a9: {  	v58 =	vadd.s32 $0x1, v1;
	v57 =	vpop (erf)  }
0x1aa: {  	v59 =	vadd.s32 $0x2, v0;
	[tilespmem:$0xB820] =	vst v57  }
0x1ab: {  	v60 =	vadd.s32 $0x2, v1;
	v0 =	vld.idx.msk [tilespmem:v0+s5+$0x0], $0xffff  }
0x1ac: {  	v1 =	vld.idx.msk [tilespmem:v1+s5+$0x0], $0xffff  }
0x1ad: {  	v2 =	vld.idx.msk [tilespmem:v56+s5+$0x0], $0xffff  }
0x1ae: {  	v4 =	vld.idx.msk [tilespmem:v58+s5+$0x0], $0xffff  }
0x1af: {  	v3 =	vld.idx.msk [tilespmem:v59+s5+$0x0], $0xffff  }
0x1b0: {  	v5 =	vld.idx.msk [tilespmem:v60+s5+$0x0], $0xffff  }
0x1b1: {  	v0 =	vsub.f32 v0, v1;
	_ =	sdelay $0x1  }
0x1b2: {  	v61 =	vsub.f32 v2, v4;
	v0 =	vmul.f32 v0, v0;
	_ =	sdelay $0x1  }
0x1b3: {  	v62 =	vsub.f32 v3, v5;
	v1 =	vmul.f32 v61, v61;
	v0 =	vadd.f32 $9.999999970e-07, v0;
	_ =	sdelay $0x1  }
0x1b4: {  	v63 =	vmul.f32 v62, v62;
	v0 =	vadd.f32 v1, v0;
	_ =	sdelay $0x1  }
0x1b5: {  	v0 =	vadd.f32 v63, v0;
	_ =	sdelay $0x1  }
0x1b6: {  	(erf) = vrcp.f32 v0;
	_ =	sdelay $0x8  }
0x1b7: {  	s30 =	rddreg [dreg:$0x8];
	v0 =	vpop (erf)  }
0x1b8: {  	p1 =	sne.s32 s31, $0x4B0;
	s2 =	sadd.s32 s31, s30;
	[tilespmem:$0xB830] =	vst v0  }
0x1b9: {  	[hbm4b:s2+s5] =	stream.linear.scatter [tilespmem:s20], [sflag:$0xA], $0x40, $0x38;
	[tilespmem:$0x1F100] =	vst v63  }
.Ltmp0:
0x1ba: {  	_ =	swait.ge [sflag:s21], $0x2000;
	(pc) =	sbr.rel @p1 .LBB2_2-.Ltmp0, $4  }
0x1bb: {  	[sflag:s21] =	ssyncset.done $0x0  }
0x1bc: {  	[sflag:s21] =	ssyncadd.s32 $0xFFFFE000  }
0x1bd: {  	[hbm4b:s23+s5] =	stream.linear.scatter [tilespmem:s19], [sflag:$0x8], $0x2000, $0x38;
	[tilespmem:$0x1F100] =	vst v63  }
0x1be: {  	s24 =	sadd.s32 $0x80, s24;
	s31 =	sadd.s32 $0x10, s31;
	s23 =	sadd.s32 $0x800, s23  }
0x1bf: {  	_ =	swait.ge [sflag:s8], $0x40  }
0x1c0: {  	[sflag:s8] =	ssyncset.done $0x0  }
0x1c1: {  	[sflag:s8] =	ssyncadd.s32 $0xFFFFFFC0  }
0x1c2: {  	_ =	swait.ge [sflag:s9], $0x40  }
0x1c3: {  	[sflag:s9] =	ssyncset.done $0x0;
	s2 =	rddreg [dreg:$0x16]  }
0x1c4: {  	s30 =	sld [smem:$0x7FD];
	[sflag:s9] =	ssyncadd.s32 $0xFFFFFFC0  }
0x1c5: {  	[tilespmem:s10], [sflag:$0x2] =	stream.linear.gather [hbm4b:s2+s5], $0x40, $0x38;
	[tilespmem:$0x1F100] =	vst v63  }
0x1c6: {  	_ = 	snop  }
0x1c7: {  	[tilespmem:s11], [sflag:$0x4] =	stream.linear.gather [hbm4b:s30+s5], $0x40, $0x38;
	[tilespmem:$0x1F100] =	vst v63  }
0x1c8: {  	_ =	swait.ge [sflag:s22], $0x2000  }
0x1c9: {  	[sflag:s22] =	ssyncset.done $0x0  }
0x1ca: {  	[sflag:s22] =	ssyncadd.s32 $0xFFFFE000  }
0x1cb: {  	[tilespmem:s14], [sflag:$0x5] =	stream.indirect.gather [spmem:s4], $0x80, s6, s12, $0xb8;
	[tilespmem:$0x1F100] =	vst v63  }
0x1cc: {  	_ =	swait.ge [sflag:s25], $0x40  }
0x1cd: {  	[sflag:s25] =	ssyncset.done $0x0  }
0x1ce: {  	[sflag:s25] =	ssyncadd.s32 $0xFFFFFFC0  }
0x1cf: {  	v0 =	vld [tilespmem:$0x7580]  }
0x1d0: {  	v1 =	vld [tilespmem:$0x7680];
	_ =	sdelay $0x3  }
0x1d1: {  	v0 =	vmul.u32 $0x3, v0  }
0x1d2: {  	v1 =	vmul.u32 $0x3, v1;
	_ =	sdelay $0x1  }
0x1d3: {  	v2 =	vadd.s32 $0x1, v0  }
0x1d4: {  	v3 =	vadd.s32 $0x1, v1  }
0x1d5: {  	v4 =	vadd.s32 $0x2, v0  }
0x1d6: {  	v5 =	vadd.s32 $0x2, v1;
	v0 =	vld.idx.msk [tilespmem:v0+s5+$0x0], $0xffff  }
0x1d7: {  	v1 =	vld.idx.msk [tilespmem:v1+s5+$0x0], $0xffff  }
0x1d8: {  	v2 =	vld.idx.msk [tilespmem:v2+s5+$0x0], $0xffff  }
0x1d9: {  	v3 =	vld.idx.msk [tilespmem:v3+s5+$0x0], $0xffff  }
0x1da: {  	v4 =	vld.idx.msk [tilespmem:v4+s5+$0x0], $0xffff  }
0x1db: {  	v5 =	vld.idx.msk [tilespmem:v5+s5+$0x0], $0xffff  }
0x1dc: {  	v0 =	vsub.f32 v0, v1;
	_ =	sdelay $0x1  }
0x1dd: {  	v43 =	vsub.f32 v2, v3;
	v0 =	vmul.f32 v0, v0;
	_ =	sdelay $0x1  }
0x1de: {  	v44 =	vsub.f32 v4, v5;
	v1 =	vmul.f32 v43, v43;
	v0 =	vadd.f32 $9.999999970e-07, v0;
	_ =	sdelay $0x1  }
0x1df: {  	v45 =	vmul.f32 v44, v44;
	v0 =	vadd.f32 v1, v0;
	_ =	sdelay $0x1  }
0x1e0: {  	v0 =	vadd.f32 v45, v0;
	_ =	sdelay $0x1  }
0x1e1: {  	v46 =	vld [tilespmem:$0x7590];
	(erf) = vrcp.f32 v0  }
0x1e2: {  	v47 =	vld [tilespmem:$0x7690];
	_ =	sdelay $0x3  }
0x1e3: {  	v0 =	vmul.u32 $0x3, v46  }
0x1e4: {  	v1 =	vmul.u32 $0x3, v47;
	_ =	sdelay $0x1  }
0x1e5: {  	v48 =	vadd.s32 $0x1, v0  }
0x1e6: {  	v50 =	vadd.s32 $0x1, v1;
	v49 =	vpop (erf)  }
0x1e7: {  	v51 =	vadd.s32 $0x2, v0;
	[tilespmem:$0xB780] =	vst v49  }
0x1e8: {  	v52 =	vadd.s32 $0x2, v1;
	v0 =	vld.idx.msk [tilespmem:v0+s5+$0x0], $0xffff  }
0x1e9: {  	v1 =	vld.idx.msk [tilespmem:v1+s5+$0x0], $0xffff  }
0x1ea: {  	v2 =	vld.idx.msk [tilespmem:v48+s5+$0x0], $0xffff  }
0x1eb: {  	v4 =	vld.idx.msk [tilespmem:v50+s5+$0x0], $0xffff  }
0x1ec: {  	v3 =	vld.idx.msk [tilespmem:v51+s5+$0x0], $0xffff  }
0x1ed: {  	v5 =	vld.idx.msk [tilespmem:v52+s5+$0x0], $0xffff  }
0x1ee: {  	v0 =	vsub.f32 v0, v1;
	_ =	sdelay $0x1  }
0x1ef: {  	v53 =	vsub.f32 v2, v4;
	v0 =	vmul.f32 v0, v0;
	_ =	sdelay $0x1  }
0x1f0: {  	v54 =	vsub.f32 v3, v5;
	v1 =	vmul.f32 v53, v53;
	v0 =	vadd.f32 $9.999999970e-07, v0;
	_ =	sdelay $0x1  }
0x1f1: {  	v55 =	vmul.f32 v54, v54;
	v0 =	vadd.f32 v1, v0;
	_ =	sdelay $0x1  }
0x1f2: {  	v0 =	vadd.f32 v55, v0;
	_ =	sdelay $0x1  }
0x1f3: {  	v56 =	vld [tilespmem:$0x75A0];
	(erf) = vrcp.f32 v0  }
0x1f4: {  	v57 =	vld [tilespmem:$0x76A0];
	_ =	sdelay $0x3  }
0x1f5: {  	v0 =	vmul.u32 $0x3, v56  }
0x1f6: {  	v1 =	vmul.u32 $0x3, v57;
	_ =	sdelay $0x1  }
0x1f7: {  	v58 =	vadd.s32 $0x1, v0  }
0x1f8: {  	v60 =	vadd.s32 $0x1, v1;
	v59 =	vpop (erf)  }
0x1f9: {  	v61 =	vadd.s32 $0x2, v0;
	[tilespmem:$0xB790] =	vst v59  }
0x1fa: {  	v62 =	vadd.s32 $0x2, v1;
	v0 =	vld.idx.msk [tilespmem:v0+s5+$0x0], $0xffff  }
0x1fb: {  	v1 =	vld.idx.msk [tilespmem:v1+s5+$0x0], $0xffff  }
0x1fc: {  	v2 =	vld.idx.msk [tilespmem:v58+s5+$0x0], $0xffff  }
0x1fd: {  	v4 =	vld.idx.msk [tilespmem:v60+s5+$0x0], $0xffff  }
0x1fe: {  	v3 =	vld.idx.msk [tilespmem:v61+s5+$0x0], $0xffff  }
0x1ff: {  	v5 =	vld.idx.msk [tilespmem:v62+s5+$0x0], $0xffff  }
0x200: {  	v0 =	vsub.f32 v0, v1;
	_ =	sdelay $0x1  }
0x201: {  	v63 =	vsub.f32 v2, v4;
	v0 =	vmul.f32 v0, v0;
	_ =	sdelay $0x1  }
0x202: {  	v4 =	vsub.f32 v3, v5;
	v1 =	vmul.f32 v63, v63;
	v0 =	vadd.f32 $9.999999970e-07, v0;
	_ =	sdelay $0x1  }
0x203: {  	v5 =	vmul.f32 v4, v4;
	v0 =	vadd.f32 v1, v0;
	_ =	sdelay $0x1  }
0x204: {  	v0 =	vadd.f32 v5, v0;
	_ =	sdelay $0x1  }
0x205: {  	v6 =	vld [tilespmem:$0x75B0];
	(erf) = vrcp.f32 v0  }
0x206: {  	v7 =	vld [tilespmem:$0x76B0];
	_ =	sdelay $0x3  }
0x207: {  	v0 =	vmul.u32 $0x3, v6  }
0x208: {  	v1 =	vmul.u32 $0x3, v7;
	_ =	sdelay $0x1  }
0x209: {  	v8 =	vadd.s32 $0x1, v0  }
0x20a: {  	v10 =	vadd.s32 $0x1, v1;
	v9 =	vpop (erf)  }
0x20b: {  	v11 =	vadd.s32 $0x2, v0;
	[tilespmem:$0xB7A0] =	vst v9  }
0x20c: {  	v12 =	vadd.s32 $0x2, v1;
	v0 =	vld.idx.msk [tilespmem:v0+s5+$0x0], $0xffff  }
0x20d: {  	v1 =	vld.idx.msk [tilespmem:v1+s5+$0x0], $0xffff  }
0x20e: {  	v2 =	vld.idx.msk [tilespmem:v8+s5+$0x0], $0xffff  }
0x20f: {  	v4 =	vld.idx.msk [tilespmem:v10+s5+$0x0], $0xffff  }
0x210: {  	v3 =	vld.idx.msk [tilespmem:v11+s5+$0x0], $0xffff  }
0x211: {  	v5 =	vld.idx.msk [tilespmem:v12+s5+$0x0], $0xffff  }
0x212: {  	v0 =	vsub.f32 v0, v1;
	_ =	sdelay $0x1  }
0x213: {  	v13 =	vsub.f32 v2, v4;
	v0 =	vmul.f32 v0, v0;
	_ =	sdelay $0x1  }
0x214: {  	v14 =	vsub.f32 v3, v5;
	v1 =	vmul.f32 v13, v13;
	v0 =	vadd.f32 $9.999999970e-07, v0;
	_ =	sdelay $0x1  }
0x215: {  	v15 =	vmul.f32 v14, v14;
	v0 =	vadd.f32 v1, v0;
	_ =	sdelay $0x1  }
0x216: {  	v0 =	vadd.f32 v15, v0;
	_ =	sdelay $0x1  }
0x217: {  	(erf) = vrcp.f32 v0;
	_ =	sdelay $0x8  }
0x218: {  	v0 =	vpop (erf)  }
0x219: {  	s31 =	rddreg [dreg:$0x17];
	[tilespmem:$0xB7B0] =	vst v0  }
0x21a: {  	[hbm4b:s31+s5] =	stream.linear.scatter [tilespmem:s15], [sflag:$0x9], $0x40, $0x38;
	[tilespmem:$0x1F100] =	vst v63  }
0x21b: {  	_ =	swait.ge [sflag:s16], $0x2000  }
0x21c: {  	[sflag:s16] =	ssyncset.done $0x0  }
0x21d: {  	s23 =	rddreg [dreg:$0x10];
	[sflag:s16] =	ssyncadd.s32 $0xFFFFE000  }
0x21e: {  	[hbm4b:s23+s5] =	stream.linear.scatter [tilespmem:s14], [sflag:$0x7], $0x2000, $0x38;
	[tilespmem:$0x1F100] =	vst v63  }
0x21f: {  	_ =	swait.ge [sflag:s17], $0x40  }
0x220: {  	[sflag:s17] =	ssyncset.done $0x0  }
0x221: {  	[sflag:s17] =	ssyncadd.s32 $0xFFFFFFC0  }
0x222: {  	_ =	swait.ge [sflag:s18], $0x40  }
0x223: {  	[sflag:s18] =	ssyncset.done $0x0  }
0x224: {  	s24 =	rddreg [dreg:$0x18];
	[sflag:s18] =	ssyncadd.s32 $0xFFFFFFC0  }
0x225: {  	[tilespmem:s6], [sflag:$0x1] =	stream.linear.gather [hbm4b:s24+s5], $0x10, $0x38;
	[tilespmem:$0x1F100] =	vst v63  }
0x226: {  	_ = 	snop  }
0x227: {  	[tilespmem:s7], [sflag:$0x3] =	stream.linear.gather [hbm4b:s0+s5], $0x10, $0x38;
	[tilespmem:$0x1F100] =	vst v63  }
0x228: {  	_ =	swait.ge [sflag:s26], $0x2000  }
0x229: {  	[sflag:s26] =	ssyncset.done $0x0  }
0x22a: {  	[sflag:s26] =	ssyncadd.s32 $0xFFFFE000  }
0x22b: {  	[tilespmem:s19], [sflag:$0x6] =	stream.indirect.gather [spmem:s4], $0x80, s10, s12, $0xb8;
	[tilespmem:$0x1F100] =	vst v63  }
0x22c: {  	_ =	swait.ge [sflag:s28], $0x40  }
0x22d: {  	[sflag:s28] =	ssyncset.done $0x0  }
0x22e: {  	[sflag:s28] =	ssyncadd.s32 $0xFFFFFFC0  }
0x22f: {  	v16 =	vld [tilespmem:$0x7600]  }
0x230: {  	v17 =	vld [tilespmem:$0x7700];
	_ =	sdelay $0x3  }
0x231: {  	v0 =	vmul.u32 $0x3, v16  }
0x232: {  	v1 =	vmul.u32 $0x3, v17;
	_ =	sdelay $0x1  }
0x233: {  	v18 =	vadd.s32 $0x1, v0  }
0x234: {  	v19 =	vadd.s32 $0x1, v1  }
0x235: {  	v20 =	vadd.s32 $0x2, v0  }
0x236: {  	v21 =	vadd.s32 $0x2, v1;
	v0 =	vld.idx.msk [tilespmem:v0+s5+$0x0], $0xffff  }
0x237: {  	v1 =	vld.idx.msk [tilespmem:v1+s5+$0x0], $0xffff  }
0x238: {  	v2 =	vld.idx.msk [tilespmem:v18+s5+$0x0], $0xffff  }
0x239: {  	v3 =	vld.idx.msk [tilespmem:v19+s5+$0x0], $0xffff  }
0x23a: {  	v4 =	vld.idx.msk [tilespmem:v20+s5+$0x0], $0xffff  }
0x23b: {  	v5 =	vld.idx.msk [tilespmem:v21+s5+$0x0], $0xffff  }
0x23c: {  	v0 =	vsub.f32 v0, v1;
	_ =	sdelay $0x1  }
0x23d: {  	v22 =	vsub.f32 v2, v3;
	v0 =	vmul.f32 v0, v0;
	_ =	sdelay $0x1  }
0x23e: {  	v23 =	vsub.f32 v4, v5;
	v1 =	vmul.f32 v22, v22;
	v0 =	vadd.f32 $9.999999970e-07, v0;
	_ =	sdelay $0x1  }
0x23f: {  	v24 =	vmul.f32 v23, v23;
	v0 =	vadd.f32 v1, v0;
	_ =	sdelay $0x1  }
0x240: {  	v0 =	vadd.f32 v24, v0;
	_ =	sdelay $0x1  }
0x241: {  	v25 =	vld [tilespmem:$0x7610];
	(erf) = vrcp.f32 v0  }
0x242: {  	v26 =	vld [tilespmem:$0x7710];
	_ =	sdelay $0x3  }
0x243: {  	v0 =	vmul.u32 $0x3, v25  }
0x244: {  	v1 =	vmul.u32 $0x3, v26;
	_ =	sdelay $0x1  }
0x245: {  	v27 =	vadd.s32 $0x1, v0  }
0x246: {  	v29 =	vadd.s32 $0x1, v1;
	v28 =	vpop (erf)  }
0x247: {  	v30 =	vadd.s32 $0x2, v0;
	[tilespmem:$0xB800] =	vst v28  }
0x248: {  	v31 =	vadd.s32 $0x2, v1;
	v0 =	vld.idx.msk [tilespmem:v0+s5+$0x0], $0xffff  }
0x249: {  	v1 =	vld.idx.msk [tilespmem:v1+s5+$0x0], $0xffff  }
0x24a: {  	v2 =	vld.idx.msk [tilespmem:v27+s5+$0x0], $0xffff  }
0x24b: {  	v4 =	vld.idx.msk [tilespmem:v29+s5+$0x0], $0xffff  }
0x24c: {  	v3 =	vld.idx.msk [tilespmem:v30+s5+$0x0], $0xffff  }
0x24d: {  	v5 =	vld.idx.msk [tilespmem:v31+s5+$0x0], $0xffff  }
0x24e: {  	v0 =	vsub.f32 v0, v1;
	_ =	sdelay $0x1  }
0x24f: {  	v32 =	vsub.f32 v2, v4;
	v0 =	vmul.f32 v0, v0;
	_ =	sdelay $0x1  }
0x250: {  	v33 =	vsub.f32 v3, v5;
	v1 =	vmul.f32 v32, v32;
	v0 =	vadd.f32 $9.999999970e-07, v0;
	_ =	sdelay $0x1  }
0x251: {  	v34 =	vmul.f32 v33, v33;
	v0 =	vadd.f32 v1, v0;
	_ =	sdelay $0x1  }
0x252: {  	v0 =	vadd.f32 v34, v0;
	_ =	sdelay $0x1  }
0x253: {  	v35 =	vld [tilespmem:$0x7620];
	(erf) = vrcp.f32 v0  }
0x254: {  	v36 =	vld [tilespmem:$0x7720];
	_ =	sdelay $0x3  }
0x255: {  	v0 =	vmul.u32 $0x3, v35  }
0x256: {  	v1 =	vmul.u32 $0x3, v36;
	_ =	sdelay $0x1  }
0x257: {  	v37 =	vadd.s32 $0x1, v0  }
0x258: {  	v39 =	vadd.s32 $0x1, v1;
	v38 =	vpop (erf)  }
0x259: {  	v40 =	vadd.s32 $0x2, v0;
	[tilespmem:$0xB810] =	vst v38  }
0x25a: {  	v41 =	vadd.s32 $0x2, v1;
	v0 =	vld.idx.msk [tilespmem:v0+s5+$0x0], $0xffff  }
0x25b: {  	v1 =	vld.idx.msk [tilespmem:v1+s5+$0x0], $0xffff  }
0x25c: {  	v2 =	vld.idx.msk [tilespmem:v37+s5+$0x0], $0xffff  }
0x25d: {  	v4 =	vld.idx.msk [tilespmem:v39+s5+$0x0], $0xffff  }
0x25e: {  	v3 =	vld.idx.msk [tilespmem:v40+s5+$0x0], $0xffff  }
0x25f: {  	v5 =	vld.idx.msk [tilespmem:v41+s5+$0x0], $0xffff  }
0x260: {  	v0 =	vsub.f32 v0, v1;
	_ =	sdelay $0x1  }
0x261: {  	v42 =	vsub.f32 v2, v4;
	v0 =	vmul.f32 v0, v0;
	_ =	sdelay $0x1  }
0x262: {  	v43 =	vsub.f32 v3, v5;
	v1 =	vmul.f32 v42, v42;
	v0 =	vadd.f32 $9.999999970e-07, v0;
	_ =	sdelay $0x1  }
0x263: {  	v44 =	vmul.f32 v43, v43;
	v0 =	vadd.f32 v1, v0;
	_ =	sdelay $0x1  }
0x264: {  	v0 =	vadd.f32 v44, v0;
	_ =	sdelay $0x1  }
0x265: {  	v45 =	vld [tilespmem:$0x7630];
	(erf) = vrcp.f32 v0  }
0x266: {  	v46 =	vld [tilespmem:$0x7730];
	_ =	sdelay $0x3  }
0x267: {  	v0 =	vmul.u32 $0x3, v45  }
0x268: {  	v1 =	vmul.u32 $0x3, v46;
	_ =	sdelay $0x1  }
0x269: {  	v47 =	vadd.s32 $0x1, v0  }
0x26a: {  	v49 =	vadd.s32 $0x1, v1;
	v48 =	vpop (erf)  }
0x26b: {  	v50 =	vadd.s32 $0x2, v0;
	[tilespmem:$0xB820] =	vst v48  }
0x26c: {  	v51 =	vadd.s32 $0x2, v1;
	v0 =	vld.idx.msk [tilespmem:v0+s5+$0x0], $0xffff  }
0x26d: {  	v1 =	vld.idx.msk [tilespmem:v1+s5+$0x0], $0xffff  }
0x26e: {  	v2 =	vld.idx.msk [tilespmem:v47+s5+$0x0], $0xffff  }
0x26f: {  	v4 =	vld.idx.msk [tilespmem:v49+s5+$0x0], $0xffff  }
0x270: {  	v3 =	vld.idx.msk [tilespmem:v50+s5+$0x0], $0xffff  }
0x271: {  	v5 =	vld.idx.msk [tilespmem:v51+s5+$0x0], $0xffff  }
0x272: {  	v0 =	vsub.f32 v0, v1;
	_ =	sdelay $0x1  }
0x273: {  	v52 =	vsub.f32 v2, v4;
	v0 =	vmul.f32 v0, v0;
	_ =	sdelay $0x1  }
0x274: {  	v53 =	vsub.f32 v3, v5;
	v1 =	vmul.f32 v52, v52;
	v0 =	vadd.f32 $9.999999970e-07, v0;
	_ =	sdelay $0x1  }
0x275: {  	v54 =	vmul.f32 v53, v53;
	v0 =	vadd.f32 v1, v0;
	_ =	sdelay $0x1  }
0x276: {  	v0 =	vadd.f32 v54, v0;
	_ =	sdelay $0x1  }
0x277: {  	(erf) = vrcp.f32 v0;
	_ =	sdelay $0x8  }
0x278: {  	v0 =	vpop (erf)  }
0x279: {  	s30 =	rddreg [dreg:$0x19];
	[tilespmem:$0xB830] =	vst v0  }
0x27a: {  	[hbm4b:s30+s5] =	stream.linear.scatter [tilespmem:s20], [sflag:$0xA], $0x40, $0x38;
	[tilespmem:$0x1F100] =	vst v63  }
0x27b: {  	_ =	swait.ge [sflag:s21], $0x2000  }
0x27c: {  	[sflag:s21] =	ssyncset.done $0x0  }
0x27d: {  	s31 =	rddreg [dreg:$0x11];
	[sflag:s21] =	ssyncadd.s32 $0xFFFFE000  }
0x27e: {  	[hbm4b:s31+s5] =	stream.linear.scatter [tilespmem:s19], [sflag:$0x8], $0x2000, $0x38;
	[tilespmem:$0x1F100] =	vst v63  }
0x27f: {  	_ =	swait.ge [sflag:s8], $0x10  }
0x280: {  	[sflag:s8] =	ssyncset.done $0x0  }
0x281: {  	[sflag:s8] =	ssyncadd.s32 $0xFFFFFFF0  }
0x282: {  	_ =	swait.ge [sflag:s9], $0x10  }
0x283: {  	[sflag:s9] =	ssyncset.done $0x0  }
0x284: {  	[sflag:s9] =	ssyncadd.s32 $0xFFFFFFF0  }
0x285: {  	_ =	swait.ge [sflag:s22], $0x2000  }
0x286: {  	[sflag:s22] =	ssyncset.done $0x0  }
0x287: {  	s23 =	simm.s32 $0x10;
	[sflag:s22] =	ssyncadd.s32 $0xFFFFE000  }
0x288: {  	[tilespmem:s14], [sflag:$0x5] =	stream.indirect.gather [spmem:s4], $0x80, s6, s23, $0xb8;
	[tilespmem:$0x1F100] =	vst v63  }
0x289: {  	_ =	swait.ge [sflag:s25], $0x40  }
0x28a: {  	[sflag:s25] =	ssyncset.done $0x0  }
0x28b: {  	[sflag:s25] =	ssyncadd.s32 $0xFFFFFFC0  }
0x28c: {  	v55 =	vld [tilespmem:$0x7580]  }
0x28d: {  	v56 =	vld [tilespmem:$0x7680];
	_ =	sdelay $0x3  }
0x28e: {  	v0 =	vmul.u32 $0x3, v55  }
0x28f: {  	v1 =	vmul.u32 $0x3, v56;
	_ =	sdelay $0x1  }
0x290: {  	v57 =	vadd.s32 $0x1, v0  }
0x291: {  	v58 =	vadd.s32 $0x1, v1  }
0x292: {  	v59 =	vadd.s32 $0x2, v0  }
0x293: {  	v60 =	vadd.s32 $0x2, v1;
	v0 =	vld.idx.msk [tilespmem:v0+s5+$0x0], $0xffff  }
0x294: {  	v1 =	vld.idx.msk [tilespmem:v1+s5+$0x0], $0xffff  }
0x295: {  	v2 =	vld.idx.msk [tilespmem:v57+s5+$0x0], $0xffff  }
0x296: {  	v3 =	vld.idx.msk [tilespmem:v58+s5+$0x0], $0xffff  }
0x297: {  	v4 =	vld.idx.msk [tilespmem:v59+s5+$0x0], $0xffff  }
0x298: {  	v5 =	vld.idx.msk [tilespmem:v60+s5+$0x0], $0xffff  }
0x299: {  	v0 =	vsub.f32 v0, v1;
	_ =	sdelay $0x1  }
0x29a: {  	v61 =	vsub.f32 v2, v3;
	v0 =	vmul.f32 v0, v0;
	_ =	sdelay $0x1  }
0x29b: {  	v62 =	vsub.f32 v4, v5;
	v1 =	vmul.f32 v61, v61;
	v0 =	vadd.f32 $9.999999970e-07, v0;
	_ =	sdelay $0x1  }
0x29c: {  	v63 =	vmul.f32 v62, v62;
	v0 =	vadd.f32 v1, v0;
	_ =	sdelay $0x1  }
0x29d: {  	v0 =	vadd.f32 v63, v0;
	_ =	sdelay $0x1  }
0x29e: {  	(erf) = vrcp.f32 v0;
	_ =	sdelay $0x8  }
0x29f: {  	v0 =	vpop (erf)  }
0x2a0: {  	s24 =	rddreg [dreg:$0x1a];
	[tilespmem:$0xB780] =	vst v0  }
0x2a1: {  	[hbm4b:s24+s5] =	stream.linear.scatter [tilespmem:s15], [sflag:$0x9], $0x10, $0x38;
	[tilespmem:$0x1F100] =	vst v63  }
0x2a2: {  	_ =	swait.ge [sflag:s16], $0x800  }
0x2a3: {  	[sflag:s16] =	ssyncset.done $0x0  }
0x2a4: {  	s30 =	rddreg [dreg:$0x12];
	[sflag:s16] =	ssyncadd.s32 $0xFFFFF800  }
0x2a5: {  	[hbm4b:s30+s5] =	stream.linear.scatter [tilespmem:s14], [sflag:$0x7], $0x800, $0x38;
	[tilespmem:$0x1F100] =	vst v63  }
0x2a6: {  	_ =	swait.ge [sflag:s28], $0x40  }
0x2a7: {  	[sflag:s28] =	ssyncset.done $0x0  }
0x2a8: {  	[sflag:s28] =	ssyncadd.s32 $0xFFFFFFC0  }
0x2a9: {  	_ =	swait.ge [sflag:s26], $0x2000  }
0x2aa: {  	[sflag:s26] =	ssyncset.done $0x0  }
0x2ab: {  	[sflag:s26] =	ssyncadd.s32 $0xFFFFE000  }
0x2ac: {  	_ =	swait.ge [sflag:s25], $0x10  }
0x2ad: {  	[sflag:s25] =	ssyncset.done $0x0  }
0x2ae: {  	[sflag:s25] =	ssyncadd.s32 $0xFFFFFFF0  }
0x2af: {  	_ =	swait.ge [sflag:s22], $0x800  }
0x2b0: {  	s29 =	sadd.s32 $0x1, s29;
	s31 =	rddreg [dreg:$0x1b]  }
0x2b1: {  	p1 =	sne.s32 s29, s31  }
.Ltmp1:
0x2b2: {  	_ = 	snop;
	(pc) =	sbr.rel @p1 .LBB2_1-.Ltmp1, $3  }
0x2b3: {  	_ =	sdelay $0x1  }
0x2b4: {  	[sflag:s22] =	ssyncset.done $0x0  }
0x2b5: {  	[sflag:s22] =	ssyncadd.s32 $0xFFFFF800  }
0x2b6: {  	_ =	sfence.sel $0x180000  }
0x2b7: {  	[bflag:$0x0] =	sbarrier.arrive $0xFFFF  }
0x2b8: {  	_ =	strace $0x90000047  }
0x2b9: {  	s0 =	stileid.u32;
	[bflag:$0x2] =	sbarrier.arrive $0xFFFF  }
0x2ba: {  	p0 =	sne.s32 s0, $0x0;
	s0 =	rddreg [dreg:$0x6]  }
0x2bb: {  	s0 =	sadd.s32 @!p0 $0x100000, s0  }
0x2bc: {  	[sflag:s0] =	ssyncadd.tile.s32 @!p0 $0x1;
	_ =	shalt  }
.Lfunc_end2:
_tile_overlayer_lowered:
.L_overlay_start_2:
0x2bd: {  	(tag) =	ssettag $0x2  }
0x2be: {  	s0 =	rddreg [dreg:$0x0];
	s2 =	stileid.u32  }
0x2bf: {  	s1 =	rddreg [dreg:$0x1];
	p0 =	sne.s32 s2, $0x0  }
0x2c0: {  	s3 =	rddreg [dreg:$0x2];
	[bflag:$0x3] =	sbarrier.arrive $0xFFFF;
	s2 =	simm.s32 @!p0 $0x1C0B  }
0x2c1: {  	[timem:s3], [sflag:s2] =	dma.local @!p0 [hbm:s0], s1  }
0x2c2: {  	s0 =	simm.s32 @!p0 $0xB  }
0x2c3: {  	_ =	swait.ge @!p0 [sflag:s0], s1  }
0x2c4: {  	s1 =	ssub.s32 @!p0 $0x0, s1;
	[sflag:s0] =	ssyncset.done @!p0 $0x0  }
0x2c5: {  	[sflag:s0] =	ssyncadd.s32 @!p0 s1  }
0x2c6: {  	[bflag:$0x3] =	sbarrier.arrive $0xFFFF  }
0x2c7: {  	_ =	shalt  }

</sc_bundles>
